<compile_context>
chip_gen: v7x
topology: tpu7x:2x2x1
jax: 0.10.2.dev20260603
libtpu: 0.0.44.dev20260713+nightly
codegen_flags: <defaults>
</compile_context>

<pallas_src>
import functools

import jax
import jax.numpy as jnp
from jax import lax
from jax.experimental import pallas as pl
from jax.experimental.pallas import tpu as pltpu
from jax.experimental.pallas import tpu_sc as plsc

N = 50000
E = 800000
IN_DIM = 128
HID = 64
N_STEPS = 2
N_ETYPES = 4
NUM_LABELS = 16
QW = 16

LANES = 128
EDGE_ROWS = 6272
E_PAD = EDGE_ROWS * LANES
ROWS_PER_TILE = EDGE_ROWS // 16
CHUNK_ROWS = 56
N_CHUNKS = ROWS_PER_TILE // CHUNK_ROWS
GROUP = 4
BODIES = CHUNK_ROWS // (2 * GROUP)
N_PAD = 50176
ACC_PER_TILE = N_PAD // 16
STAGE_ROWS = ACC_PER_TILE // 2
Y_ROWS = 2 * N * 4

BN = 2000



def _sc_scatter_kernel(ym, g0, g1, dst_hbm, out,
                       gixv, dstv, rows, zbuf, acc,
                       gsemA, gsemB, ssemA, ssemB):
    c = lax.axis_index("c")
    s = lax.axis_index("s")
    obase = s * ACC_PER_TILE

    def zrow(i, _):
        zbuf[i, pl.ds(0, 2 * QW)] = jnp.zeros((32,), jnp.bfloat16)
        return 0

    lax.fori_loop(0, STAGE_ROWS, zrow, 0)
    pltpu.sync_copy(zbuf, acc.at[pl.ds(obase, STAGE_ROWS)])
    pltpu.sync_copy(zbuf, acc.at[pl.ds(obase + STAGE_ROWS, STAGE_ROWS)])
    plsc.subcore_barrier()

    def drain_scatters(sem):
        for _ in range(GROUP):
            pltpu.make_async_copy(rows.at[0], acc.at[dstv.at[0]], sem).wait()

    def edge_pass(g_hbm):
        ebase = s * ROWS_PER_TILE

        def outer(k, _):
            @pl.when(k > 0)
            def _():
                drain_scatters(ssemA)
                drain_scatters(ssemB)

            rb = ebase + k * CHUNK_ROWS
            pltpu.sync_copy(g_hbm.at[pl.ds(rb, CHUNK_ROWS)], gixv)
            pltpu.sync_copy(dst_hbm.at[pl.ds(rb, CHUNK_ROWS)], dstv)

            def body(k2, _):
                baseA = k2 * 2 * GROUP
                baseB = baseA + GROUP

                @pl.when(k2 > 0)
                def _():
                    drain_scatters(ssemA)

                ghA = [pltpu.async_copy(ym.at[gixv.at[baseA + b]],
                                        rows.at[b], gsemA)
                       for b in range(GROUP)]

                @pl.when(k2 > 0)
                def _():
                    drain_scatters(ssemB)

                ghB = [pltpu.async_copy(ym.at[gixv.at[baseB + b]],
                                        rows.at[GROUP + b], gsemB)
                       for b in range(GROUP)]
                for hh in ghA:
                    hh.wait()
                for b in range(GROUP):
                    pltpu.async_copy(rows.at[b], acc.at[dstv.at[baseA + b]],
                                     ssemA, add=True)
                for hh in ghB:
                    hh.wait()
                for b in range(GROUP):
                    pltpu.async_copy(rows.at[GROUP + b],
                                     acc.at[dstv.at[baseB + b]],
                                     ssemB, add=True)
                return 0

            return lax.fori_loop(0, BODIES, body, 0)

        lax.fori_loop(0, N_CHUNKS, outer, 0)
        drain_scatters(ssemA)
        drain_scatters(ssemB)

    @pl.when(c == 0)
    def _():
        edge_pass(g0)

    @pl.when(c == 1)
    def _():
        edge_pass(g1)

    plsc.subcore_barrier()

    rsl = pl.ds(obase, ACC_PER_TILE)

    @pl.when(c == 0)
    def _():
        pltpu.sync_copy(acc.at[rsl], out.at[rsl, pl.ds(0, 2 * QW)])

    @pl.when(c == 1)
    def _():
        pltpu.sync_copy(acc.at[rsl], out.at[rsl, pl.ds(2 * QW, 2 * QW)])


@functools.lru_cache(maxsize=1)
def _sc_scatter_callable():
    mesh = plsc.VectorSubcoreMesh(core_axis_name="c", subcore_axis_name="s")
    return pl.kernel(
        _sc_scatter_kernel,
        out_type=jax.ShapeDtypeStruct((N_PAD, 128), jnp.bfloat16),
        mesh=mesh,
        scratch_types=[
            pltpu.VMEM((CHUNK_ROWS, LANES), jnp.int32),
            pltpu.VMEM((CHUNK_ROWS, LANES), jnp.int32),
            pltpu.VMEM((2 * GROUP, LANES, 2 * QW), jnp.bfloat16),
            pltpu.VMEM((STAGE_ROWS, 2 * QW), jnp.bfloat16),
            pltpu.VMEM_SHARED((N_PAD, 2 * QW), jnp.bfloat16),
            pltpu.SemaphoreType.DMA,
            pltpu.SemaphoreType.DMA,
            pltpu.SemaphoreType.DMA,
            pltpu.SemaphoreType.DMA,
        ],
        compiler_params=pltpu.CompilerParams(use_tc_tiling_on_sc=False),
    )


def _sc_scatter_add(ymr, g0, g1, dst2):
    return _sc_scatter_callable()(ymr, g0, g1, dst2)



def _msg_out(xb, w0_ref, w1_ref, b0_ref, b1_ref, x_ref_out, ym_ref):
    x_ref_out[...] = xb
    y0 = jnp.dot(xb, w0_ref[...],
                 preferred_element_type=jnp.float32) + b0_ref[...]
    y1 = jnp.dot(xb, w1_ref[...],
                 preferred_element_type=jnp.float32) + b1_ref[...]
    ym_ref[0] = y0.astype(jnp.bfloat16)
    ym_ref[1] = y1.astype(jnp.bfloat16)


_MSG_SPECS = [pl.BlockSpec((HID, 128), lambda i: (0, 0)),
              pl.BlockSpec((HID, 128), lambda i: (0, 0)),
              pl.BlockSpec((1, 128), lambda i: (0, 0)),
              pl.BlockSpec((1, 128), lambda i: (0, 0))]
_MSG_OUT_SPECS = [pl.BlockSpec((BN, HID), lambda i: (i, 0)),
                  pl.BlockSpec((2, BN, 128), lambda i: (0, i, 0))]
_MSG_OUT_SHAPES = [jax.ShapeDtypeStruct((N, HID), jnp.float32),
                   jax.ShapeDtypeStruct((2, N, 128), jnp.bfloat16)]


def _lin_msg(h, W_inT, b_in2, W_stk0, W_stk1, b_stk0, b_stk1):
    def body(h_ref, w_ref, b_ref, w0_ref, w1_ref, b0_ref, b1_ref,
             x_ref_out, ym_ref):
        xb = jnp.dot(h_ref[...], w_ref[...],
                     preferred_element_type=jnp.float32) + b_ref[...]
        _msg_out(xb, w0_ref, w1_ref, b0_ref, b1_ref, x_ref_out, ym_ref)

    return pl.pallas_call(
        body,
        grid=(N // BN,),
        in_specs=[pl.BlockSpec((BN, IN_DIM), lambda i: (i, 0)),
                  pl.BlockSpec((IN_DIM, HID), lambda i: (0, 0)),
                  pl.BlockSpec((1, HID), lambda i: (0, 0))] + _MSG_SPECS,
        out_specs=_MSG_OUT_SPECS,
        out_shape=_MSG_OUT_SHAPES,
    )(h, W_inT, b_in2, W_stk0, W_stk1, b_stk0, b_stk1)


def _gru_msg(agg, x, W_ihT, b_ih2, W_hhT, b_hh2,
             W_stk0, W_stk1, b_stk0, b_stk1):
    def body(a_ref, x_ref, wi_ref, bi_ref, wh_ref, bh_ref,
             w0_ref, w1_ref, b0_ref, b1_ref, x_ref_out, ym_ref):
        xb = x_ref[...]
        gi = jnp.dot(a_ref[:, :HID].astype(jnp.float32), wi_ref[...],
                     preferred_element_type=jnp.float32) + bi_ref[...]
        gh = jnp.dot(xb, wh_ref[...],
                     preferred_element_type=jnp.float32) + bh_ref[...]
        r = jax.nn.sigmoid(gi[:, :HID] + gh[:, :HID])
        z = jax.nn.sigmoid(gi[:, HID:2 * HID] + gh[:, HID:2 * HID])
        n = jnp.tanh(gi[:, 2 * HID:] + r * gh[:, 2 * HID:])
        xn = (1.0 - z) * n + z * xb
        _msg_out(xn, w0_ref, w1_ref, b0_ref, b1_ref, x_ref_out, ym_ref)

    return pl.pallas_call(
        body,
        grid=(N // BN,),
        in_specs=[pl.BlockSpec((BN, 128), lambda i: (i, 0)),
                  pl.BlockSpec((BN, HID), lambda i: (i, 0)),
                  pl.BlockSpec((HID, 3 * HID), lambda i: (0, 0)),
                  pl.BlockSpec((1, 3 * HID), lambda i: (0, 0)),
                  pl.BlockSpec((HID, 3 * HID), lambda i: (0, 0)),
                  pl.BlockSpec((1, 3 * HID), lambda i: (0, 0))] + _MSG_SPECS,
        out_specs=_MSG_OUT_SPECS,
        out_shape=_MSG_OUT_SHAPES,
        input_output_aliases={1: 0},
    )(agg, x, W_ihT, b_ih2, W_hhT, b_hh2, W_stk0, W_stk1, b_stk0, b_stk1)


def _pool_mlp(x, W1T, b1_2, W2T, b2_2):
    nblk = N // BN

    def body(x_ref, w1_ref, b1_ref, w2_ref, b2_ref, o_ref, acc_ref):
        i = pl.program_id(0)

        @pl.when(i == 0)
        def _():
            acc_ref[...] = jnp.zeros_like(acc_ref)

        acc_ref[...] += jnp.sum(x_ref[...], axis=0, keepdims=True)

        @pl.when(i == nblk - 1)
        def _():
            hg = acc_ref[...] * (1.0 / N)
            t = jnp.maximum(
                jnp.dot(hg, w1_ref[...],
                        preferred_element_type=jnp.float32) + b1_ref[...],
                0.0)
            o_ref[...] = jnp.dot(t, w2_ref[...],
                                 preferred_element_type=jnp.float32) + b2_ref[...]

    return pl.pallas_call(
        body,
        grid=(nblk,),
        in_specs=[pl.BlockSpec((BN, HID), lambda i: (i, 0)),
                  pl.BlockSpec((HID, HID // 2), lambda i: (0, 0)),
                  pl.BlockSpec((1, HID // 2), lambda i: (0, 0)),
                  pl.BlockSpec((HID // 2, NUM_LABELS), lambda i: (0, 0)),
                  pl.BlockSpec((1, NUM_LABELS), lambda i: (0, 0))],
        out_specs=pl.BlockSpec((1, NUM_LABELS), lambda i: (0, 0)),
        out_shape=jax.ShapeDtypeStruct((1, NUM_LABELS), jnp.float32),
        scratch_shapes=[pltpu.VMEM((1, HID), jnp.float32)],
    )(x, W1T, b1_2, W2T, b2_2)



def kernel(h, edge_index, etype, W_in, b_in, W_e, b_e, W_ih, b_ih, W_hh, b_hh,
           W1, b1, W2, b2):
    src = edge_index[0].astype(jnp.int32)
    dst = edge_index[1].astype(jnp.int32)
    et = etype.astype(jnp.int32)

    def gh(hh):
        g = hh * (4 * N) + 4 * src + et
        return jnp.concatenate(
            [g, jnp.zeros((E_PAD - E,), jnp.int32)]).reshape(EDGE_ROWS, LANES)

    g0, g1 = gh(0), gh(1)
    pad_dst = N + jnp.arange(E_PAD - E, dtype=jnp.int32) % (N_PAD - N)
    dst2 = jnp.concatenate([dst, pad_dst]).reshape(EDGE_ROWS, LANES)

    W_inT = W_in.T
    b_in2 = b_in.reshape(1, HID)
    WeT = jnp.transpose(W_e, (0, 2, 1))
    HH = HID // 2
    W_stk0 = jnp.concatenate([WeT[i][:, :HH] for i in range(N_ETYPES)],
                             axis=1)
    W_stk1 = jnp.concatenate([WeT[i][:, HH:] for i in range(N_ETYPES)],
                             axis=1)
    b_stk0 = jnp.concatenate([b_e[i][:HH] for i in range(N_ETYPES)]
                             ).reshape(1, 128)
    b_stk1 = jnp.concatenate([b_e[i][HH:] for i in range(N_ETYPES)]
                             ).reshape(1, 128)
    W_ihT = W_ih.T
    b_ih2 = b_ih.reshape(1, 3 * HID)
    W_hhT = W_hh.T
    b_hh2 = b_hh.reshape(1, 3 * HID)
    W1T = W1.T
    b1_2 = b1.reshape(1, HID // 2)
    W2T = W2.T
    b2_2 = b2.reshape(1, NUM_LABELS)

    x, ym = _lin_msg(h, W_inT, b_in2, W_stk0, W_stk1, b_stk0, b_stk1)

    def step(_, carry):
        xc, ymc = carry
        agg = _sc_scatter_add(ymc.reshape(Y_ROWS, 2 * QW), g0, g1, dst2)
        xn, ymn = _gru_msg(agg, xc, W_ihT, b_ih2, W_hhT, b_hh2,
                           W_stk0, W_stk1, b_stk0, b_stk1)
        return (xn, ymn)

    x, _ym = lax.fori_loop(0, N_STEPS, step, (x, ym))
    return _pool_mlp(x, W1T, b1_2, W2T, b2_2)

# --- scband reference (transcript-rebuilt; emitter-appended) ---
"""Pipeline reference for scband-ggnnclassifier-7000796692925 (READ-ONLY COPY).

The authoritative reference and input builder live on the scoring server;
editing this copy changes nothing except your own understanding.
"""

import jax, jax.numpy as jnp
import numpy as np

N = 50000
E = 800000
IN_DIM = 128
HID = 64
N_STEPS = 2
N_ETYPES = 4
NUM_LABELS = 16


def setup_inputs(seed: int = 0) -> dict:
    key = jax.random.key(seed)
    ks = jax.random.split(key, 16)
    h = jax.random.normal(ks[0], (N, IN_DIM), dtype=jnp.float32)
    edge_index = jax.random.randint(ks[1], (2, E), 0, N, dtype=jnp.int64)
    etype = jax.random.randint(ks[2], (E,), 0, N_ETYPES, dtype=jnp.int64)
    s_in = 1.0 / np.sqrt(IN_DIM)
    s_h = 1.0 / np.sqrt(HID)
    s_c = 1.0 / np.sqrt(HID // 2)
    W_in = jax.random.uniform(ks[3], (HID, IN_DIM), jnp.float32, -s_in, s_in)
    b_in = jax.random.uniform(ks[4], (HID,), jnp.float32, -s_in, s_in)
    W_e = jax.random.uniform(ks[5], (N_ETYPES, HID, HID), jnp.float32, -s_h, s_h)
    b_e = jax.random.uniform(ks[6], (N_ETYPES, HID), jnp.float32, -s_h, s_h)
    W_ih = jax.random.uniform(ks[7], (3 * HID, HID), jnp.float32, -s_h, s_h)
    b_ih = jax.random.uniform(ks[8], (3 * HID,), jnp.float32, -s_h, s_h)
    W_hh = jax.random.uniform(ks[9], (3 * HID, HID), jnp.float32, -s_h, s_h)
    b_hh = jax.random.uniform(ks[10], (3 * HID,), jnp.float32, -s_h, s_h)
    W1 = jax.random.uniform(ks[11], (HID // 2, HID), jnp.float32, -s_h, s_h)
    b1 = jax.random.uniform(ks[12], (HID // 2,), jnp.float32, -s_h, s_h)
    W2 = jax.random.uniform(ks[13], (NUM_LABELS, HID // 2), jnp.float32, -s_c, s_c)
    b2 = jax.random.uniform(ks[14], (NUM_LABELS,), jnp.float32, -s_c, s_c)
    return {"h": h, "edge_index": edge_index, "etype": etype,
            "W_in": W_in, "b_in": b_in, "W_e": W_e, "b_e": b_e,
            "W_ih": W_ih, "b_ih": b_ih, "W_hh": W_hh, "b_hh": b_hh,
            "W1": W1, "b1": b1, "W2": W2, "b2": b2}


def reference(h, edge_index, etype, W_in, b_in, W_e, b_e, W_ih, b_ih, W_hh, b_hh, W1, b1, W2, b2):
    # linear_in
    x = h @ W_in.T + b_in
    src = edge_index[0]
    dst = edge_index[1]
    # GatedGraphConv: n_steps of per-etype linear message + sum aggregation + GRU update
    for _ in range(N_STEPS):
        agg = jnp.zeros((N, HID), dtype=x.dtype)
        x_src = x[src]  # gather, SparseCore-friendly
        for i in range(N_ETYPES):
            msg = x_src @ W_e[i].T + b_e[i]
            msg = msg * (etype == i)[:, None].astype(x.dtype)
            agg = agg.at[dst].add(msg)  # scatter-add
        gi = agg @ W_ih.T + b_ih
        gh = x @ W_hh.T + b_hh
        i_r, i_z, i_n = jnp.split(gi, 3, axis=1)
        h_r, h_z, h_n = jnp.split(gh, 3, axis=1)
        r = jax.nn.sigmoid(i_r + h_r)
        z = jax.nn.sigmoid(i_z + h_z)
        n = jnp.tanh(i_n + r * h_n)
        x = (1.0 - z) * n + z * x
    # dgl.mean_nodes over a single graph -> [1, HID]
    hg = jnp.mean(x, axis=0, keepdims=True)
    # classify MLP
    out = jax.nn.relu(hg @ W1.T + b1) @ W2.T + b2
    return out

if __name__ == "__main__":
    import jax
    _d = setup_inputs()
    print(jax.jit(kernel)(*tuple(_d.values())))

</pallas_src>

<mosaic_0001>
#map = affine_map<(d0, d1) -> (0, 0)>
module attributes {stable_mosaic.version = 14 : i64} {
  func.func @_sc_scatter_kernel(%arg0: i32, %arg1: i32, %arg2: memref<400000x32xbf16, #tpu.memory_space<hbm>>, %arg3: memref<6272x128xi32, #tpu.memory_space<hbm>>, %arg4: memref<6272x128xi32, #tpu.memory_space<hbm>>, %arg5: memref<6272x128xi32, #tpu.memory_space<hbm>>, %arg6: memref<50176x128xbf16, #tpu.memory_space<hbm>>, %arg7: memref<56x128xi32, #tpu.memory_space<vmem>>, %arg8: memref<56x128xi32, #tpu.memory_space<vmem>>, %arg9: memref<8x128x32xbf16, #tpu.memory_space<vmem>>, %arg10: memref<1568x32xbf16, #tpu.memory_space<vmem>>, %arg11: memref<50176x32xbf16, #tpu.memory_space<vmem_shared>>, %arg12: memref<!tpu.dma_semaphore, #tpu.memory_space<semaphore_mem>>, %arg13: memref<!tpu.dma_semaphore, #tpu.memory_space<semaphore_mem>>, %arg14: memref<!tpu.dma_semaphore, #tpu.memory_space<semaphore_mem>>, %arg15: memref<!tpu.dma_semaphore, #tpu.memory_space<semaphore_mem>>) attributes {dimension_semantics = [#tpu.dimension_semantics<core_parallel>, #tpu.dimension_semantics<subcore_parallel>], iteration_bounds = array<i64: 2, 16>, scalar_prefetch = 0 : i64, scratch_operands = 9 : i64, tpu.core_type = #tpu.core_type<sc_vector_subcore>, window_params = [{transform_indices = #map}, {transform_indices = #map}, {transform_indices = #map}, {transform_indices = #map}, {transform_indices = #map}]} {
    %mul3A = arith.constant 3136 : i32
    %mul3A_0 = arith.muli %arg1, %mul3A : i32
    %scan3A = arith.constant 0 : i32
    %scan3A_1 = arith.constant 0 : i32
    %scan3A_2 = arith.constant 1568 : i32
    %scan3A_3 = arith.addi %scan3A_1, %scan3A_2 : i32
    %scan3A_4 = arith.constant 1 : i32
    %scan3A_5 = scf.for %scan3A_26 = %scan3A_1 to %scan3A_3 step %scan3A_4 iter_args(%scan3A_27 = %scan3A) -> (i32)  : i32 {
      %broadcast_in_dim3A = arith.constant 0.000000e+00 : bf16
      %broadcast_in_dim3A_28 = vector.broadcast %broadcast_in_dim3A : bf16 to vector<32xbf16>
      %swap3A = arith.index_cast %scan3A_26 : i32 to index
      %swap3A_29 = arith.constant 0 : index
      %swap3A_30 = tpu.vector_load %arg10[%swap3A, %swap3A_29] {strides = array<i32>} : memref<1568x32xbf16, #tpu.memory_space<vmem>>, vector<1x32xbf16>,
      %swap3A_31 = vector.shape_cast %swap3A_30 : vector<1x32xbf16> to vector<32xbf16>
      %swap3A_32 = vector.shape_cast %broadcast_in_dim3A_28 : vector<32xbf16> to vector<1x32xbf16>
      tpu.vector_store %arg10[%swap3A, %swap3A_29], %swap3A_32 {strides = array<i32>} : memref<1568x32xbf16, #tpu.memory_space<vmem>>, vector<1x32xbf16>,
      %scan3A_33 = arith.constant 0 : i32
      scf.yield %scan3A_33 : i32
    }
    %scan3A_6 = arith.constant 1568 : i32
    "tpu.region"() ({
      %run_scoped3A = tpu.sem_alloc : memref<!tpu.dma_semaphore, #tpu.memory_space<semaphore_mem>>
      %dma_start3A = arith.constant 0 : i32
      %dma_start3A_26 = tpu.memref_slice %arg11[%mul3A_0, %dma_start3A] : memref<50176x32xbf16, #tpu.memory_space<vmem_shared>> -> memref<1568x32xbf16, #tpu.memory_space<vmem_shared>>
      %dma_start3A_27 = arith.constant 0 : i32
      %dma_start3A_28 = tpu.memref_slice %arg11[%mul3A_0, %dma_start3A_27] : memref<50176x32xbf16, #tpu.memory_space<vmem_shared>> -> memref<1568x32xbf16, #tpu.memory_space<vmem_shared>>
      tpu.enqueue_dma source(%arg10 : memref<1568x32xbf16, #tpu.memory_space<vmem>>) target(%dma_start3A_28 : memref<1568x32xbf16, #tpu.memory_space<vmem_shared>>) target_semaphore(%run_scoped3A : memref<!tpu.dma_semaphore, #tpu.memory_space<semaphore_mem>>)
      %dma_wait3A = arith.constant 0 : i32
      %dma_wait3A_29 = tpu.memref_slice %arg11[%mul3A_0, %dma_wait3A] : memref<50176x32xbf16, #tpu.memory_space<vmem_shared>> -> memref<1568x32xbf16, #tpu.memory_space<vmem_shared>>
      %dma_wait3A_30 = arith.constant 0 : i32
      %dma_wait3A_31 = tpu.memref_slice %arg11[%mul3A_0, %dma_wait3A_30] : memref<50176x32xbf16, #tpu.memory_space<vmem_shared>> -> memref<1568x32xbf16, #tpu.memory_space<vmem_shared>>
      tpu.wait_dma2 semaphore(%run_scoped3A : memref<!tpu.dma_semaphore, #tpu.memory_space<semaphore_mem>>) src(%arg10 : memref<1568x32xbf16, #tpu.memory_space<vmem>>) dst(%dma_wait3A_31 : memref<1568x32xbf16, #tpu.memory_space<vmem_shared>>)
      tpu.yield
    }) : () -> ()
    %add3A = arith.constant 1568 : i32
    %add3A_7 = arith.addi %mul3A_0, %add3A : i32
    "tpu.region"() ({
      %run_scoped3A = tpu.sem_alloc : memref<!tpu.dma_semaphore, #tpu.memory_space<semaphore_mem>>
      %dma_start3A = arith.constant 0 : i32
      %dma_start3A_26 = tpu.memref_slice %arg11[%add3A_7, %dma_start3A] : memref<50176x32xbf16, #tpu.memory_space<vmem_shared>> -> memref<1568x32xbf16, #tpu.memory_space<vmem_shared>>
      %dma_start3A_27 = arith.constant 0 : i32
      %dma_start3A_28 = tpu.memref_slice %arg11[%add3A_7, %dma_start3A_27] : memref<50176x32xbf16, #tpu.memory_space<vmem_shared>> -> memref<1568x32xbf16, #tpu.memory_space<vmem_shared>>
      tpu.enqueue_dma source(%arg10 : memref<1568x32xbf16, #tpu.memory_space<vmem>>) target(%dma_start3A_28 : memref<1568x32xbf16, #tpu.memory_space<vmem_shared>>) target_semaphore(%run_scoped3A : memref<!tpu.dma_semaphore, #tpu.memory_space<semaphore_mem>>)
      %dma_wait3A = arith.constant 0 : i32
      %dma_wait3A_29 = tpu.memref_slice %arg11[%add3A_7, %dma_wait3A] : memref<50176x32xbf16, #tpu.memory_space<vmem_shared>> -> memref<1568x32xbf16, #tpu.memory_space<vmem_shared>>
      %dma_wait3A_30 = arith.constant 0 : i32
      %dma_wait3A_31 = tpu.memref_slice %arg11[%add3A_7, %dma_wait3A_30] : memref<50176x32xbf16, #tpu.memory_space<vmem_shared>> -> memref<1568x32xbf16, #tpu.memory_space<vmem_shared>>
      tpu.wait_dma2 semaphore(%run_scoped3A : memref<!tpu.dma_semaphore, #tpu.memory_space<semaphore_mem>>) src(%arg10 : memref<1568x32xbf16, #tpu.memory_space<vmem>>) dst(%dma_wait3A_31 : memref<1568x32xbf16, #tpu.memory_space<vmem_shared>>)
      tpu.yield
    }) : () -> ()
    %barrier3A = arith.constant 0 : index
    tpu.barrier barrier_id(%barrier3A)
    %eq3A = arith.constant 0 : i32
    %eq3A_8 = arith.cmpi eq, %arg0, %eq3A : i32
    %convert_element_type3A = arith.extui %eq3A_8 : i1 to i32
    %cond3A = arith.constant 0 : i32
    %cond3A_9 = arith.cmpi ne, %convert_element_type3A, %cond3A : i32
    scf.if %cond3A_9 {
      %mul3A_26 = arith.constant 392 : i32
      %mul3A_27 = arith.muli %arg1, %mul3A_26 : i32
      %scan3A_28 = arith.constant 0 : i32
      %scan3A_29 = arith.constant 0 : i32
      %scan3A_30 = arith.constant 7 : i32
      %scan3A_31 = arith.addi %scan3A_29, %scan3A_30 : i32
      %scan3A_32 = arith.constant 1 : i32
      %scan3A_33 = scf.for %scan3A_130 = %scan3A_29 to %scan3A_31 step %scan3A_32 iter_args(%scan3A_131 = %scan3A_28) -> (i32)  : i32 {
        %gt3A = arith.constant 0 : i32
        %gt3A_132 = arith.cmpi sgt, %scan3A_130, %gt3A : i32
        %convert_element_type3A_133 = arith.extui %gt3A_132 : i1 to i32
        %cond3A_134 = arith.constant 0 : i32
        %cond3A_135 = arith.cmpi ne, %convert_element_type3A_133, %cond3A_134 : i32
        scf.if %cond3A_135 {
          %dma_wait3A_146 = arith.constant 0 : i32
          %dma_wait3A_147 = arith.constant 0 : i32
          %dma_wait3A_148 = arith.constant 0 : i32
          %dma_wait3A_149 = arith.constant 0 : i32
          %dma_wait3A_150 = tpu.memref_slice %arg9[%dma_wait3A_146, %dma_wait3A_148, %dma_wait3A_149] : memref<8x128x32xbf16, #tpu.memory_space<vmem>> -> memref<1x128x32xbf16, #tpu.memory_space<vmem>>
          %dma_wait3A_151 = tpu.memref_squeeze %dma_wait3A_150 : memref<1x128x32xbf16, #tpu.memory_space<vmem>> -> memref<128x32xbf16, #tpu.memory_space<vmem>>
          %dma_wait3A_152 = arith.constant 0 : i32
          %dma_wait3A_153 = tpu.memref_slice %arg8[%dma_wait3A_147, %dma_wait3A_152] : memref<56x128xi32, #tpu.memory_space<vmem>> -> memref<1x128xi32, #tpu.memory_space<vmem>>
          %dma_wait3A_154 = tpu.memref_squeeze %dma_wait3A_153 : memref<1x128xi32, #tpu.memory_space<vmem>> -> memref<128xi32, #tpu.memory_space<vmem>>
          %dma_wait3A_155 = arith.constant 0 : i32
          %dma_wait3A_156 = arith.constant 0 : i32
          %dma_wait3A_157 = tpu.memref_slice %arg11[%dma_wait3A_155, %dma_wait3A_156] : memref<50176x32xbf16, #tpu.memory_space<vmem_shared>> -> memref<50176x32xbf16, #tpu.memory_space<vmem_shared>>
          tpu.wait_indirect_dma semaphore(%arg14 : memref<!tpu.dma_semaphore, #tpu.memory_space<semaphore_mem>>) src(%dma_wait3A_151 : memref<128x32xbf16, #tpu.memory_space<vmem>>) dst(%dma_wait3A_157 : memref<50176x32xbf16, #tpu.memory_space<vmem_shared>>)
          %dma_wait3A_158 = arith.constant 0 : i32
          %dma_wait3A_159 = arith.constant 0 : i32
          %dma_wait3A_160 = arith.constant 0 : i32
          %dma_wait3A_161 = arith.constant 0 : i32
          %dma_wait3A_162 = tpu.memref_slice %arg9[%dma_wait3A_158, %dma_wait3A_160, %dma_wait3A_161] : memref<8x128x32xbf16, #tpu.memory_space<vmem>> -> memref<1x128x32xbf16, #tpu.memory_space<vmem>>
          %dma_wait3A_163 = tpu.memref_squeeze %dma_wait3A_162 : memref<1x128x32xbf16, #tpu.memory_space<vmem>> -> memref<128x32xbf16, #tpu.memory_space<vmem>>
          %dma_wait3A_164 = arith.constant 0 : i32
          %dma_wait3A_165 = tpu.memref_slice %arg8[%dma_wait3A_159, %dma_wait3A_164] : memref<56x128xi32, #tpu.memory_space<vmem>> -> memref<1x128xi32, #tpu.memory_space<vmem>>
          %dma_wait3A_166 = tpu.memref_squeeze %dma_wait3A_165 : memref<1x128xi32, #tpu.memory_space<vmem>> -> memref<128xi32, #tpu.memory_space<vmem>>
          %dma_wait3A_167 = arith.constant 0 : i32
          %dma_wait3A_168 = arith.constant 0 : i32
          %dma_wait3A_169 = tpu.memref_slice %arg11[%dma_wait3A_167, %dma_wait3A_168] : memref<50176x32xbf16, #tpu.memory_space<vmem_shared>> -> memref<50176x32xbf16, #tpu.memory_space<vmem_shared>>
          tpu.wait_indirect_dma semaphore(%arg14 : memref<!tpu.dma_semaphore, #tpu.memory_space<semaphore_mem>>) src(%dma_wait3A_163 : memref<128x32xbf16, #tpu.memory_space<vmem>>) dst(%dma_wait3A_169 : memref<50176x32xbf16, #tpu.memory_space<vmem_shared>>)
          %dma_wait3A_170 = arith.constant 0 : i32
          %dma_wait3A_171 = arith.constant 0 : i32
          %dma_wait3A_172 = arith.constant 0 : i32
          %dma_wait3A_173 = arith.constant 0 : i32
          %dma_wait3A_174 = tpu.memref_slice %arg9[%dma_wait3A_170, %dma_wait3A_172, %dma_wait3A_173] : memref<8x128x32xbf16, #tpu.memory_space<vmem>> -> memref<1x128x32xbf16, #tpu.memory_space<vmem>>
          %dma_wait3A_175 = tpu.memref_squeeze %dma_wait3A_174 : memref<1x128x32xbf16, #tpu.memory_space<vmem>> -> memref<128x32xbf16, #tpu.memory_space<vmem>>
          %dma_wait3A_176 = arith.constant 0 : i32
          %dma_wait3A_177 = tpu.memref_slice %arg8[%dma_wait3A_171, %dma_wait3A_176] : memref<56x128xi32, #tpu.memory_space<vmem>> -> memref<1x128xi32, #tpu.memory_space<vmem>>
          %dma_wait3A_178 = tpu.memref_squeeze %dma_wait3A_177 : memref<1x128xi32, #tpu.memory_space<vmem>> -> memref<128xi32, #tpu.memory_space<vmem>>
          %dma_wait3A_179 = arith.constant 0 : i32
          %dma_wait3A_180 = arith.constant 0 : i32
          %dma_wait3A_181 = tpu.memref_slice %arg11[%dma_wait3A_179, %dma_wait3A_180] : memref<50176x32xbf16, #tpu.memory_space<vmem_shared>> -> memref<50176x32xbf16, #tpu.memory_space<vmem_shared>>
          tpu.wait_indirect_dma semaphore(%arg14 : memref<!tpu.dma_semaphore, #tpu.memory_space<semaphore_mem>>) src(%dma_wait3A_175 : memref<128x32xbf16, #tpu.memory_space<vmem>>) dst(%dma_wait3A_181 : memref<50176x32xbf16, #tpu.memory_space<vmem_shared>>)
          %dma_wait3A_182 = arith.constant 0 : i32
          %dma_wait3A_183 = arith.constant 0 : i32
          %dma_wait3A_184 = arith.constant 0 : i32
          %dma_wait3A_185 = arith.constant 0 : i32
          %dma_wait3A_186 = tpu.memref_slice %arg9[%dma_wait3A_182, %dma_wait3A_184, %dma_wait3A_185] : memref<8x128x32xbf16, #tpu.memory_space<vmem>> -> memref<1x128x32xbf16, #tpu.memory_space<vmem>>
          %dma_wait3A_187 = tpu.memref_squeeze %dma_wait3A_186 : memref<1x128x32xbf16, #tpu.memory_space<vmem>> -> memref<128x32xbf16, #tpu.memory_space<vmem>>
          %dma_wait3A_188 = arith.constant 0 : i32
          %dma_wait3A_189 = tpu.memref_slice %arg8[%dma_wait3A_183, %dma_wait3A_188] : memref<56x128xi32, #tpu.memory_space<vmem>> -> memref<1x128xi32, #tpu.memory_space<vmem>>
          %dma_wait3A_190 = tpu.memref_squeeze %dma_wait3A_189 : memref<1x128xi32, #tpu.memory_space<vmem>> -> memref<128xi32, #tpu.memory_space<vmem>>
          %dma_wait3A_191 = arith.constant 0 : i32
          %dma_wait3A_192 = arith.constant 0 : i32
          %dma_wait3A_193 = tpu.memref_slice %arg11[%dma_wait3A_191, %dma_wait3A_192] : memref<50176x32xbf16, #tpu.memory_space<vmem_shared>> -> memref<50176x32xbf16, #tpu.memory_space<vmem_shared>>
          tpu.wait_indirect_dma semaphore(%arg14 : memref<!tpu.dma_semaphore, #tpu.memory_space<semaphore_mem>>) src(%dma_wait3A_187 : memref<128x32xbf16, #tpu.memory_space<vmem>>) dst(%dma_wait3A_193 : memref<50176x32xbf16, #tpu.memory_space<vmem_shared>>)
          %dma_wait3A_194 = arith.constant 0 : i32
          %dma_wait3A_195 = arith.constant 0 : i32
          %dma_wait3A_196 = arith.constant 0 : i32
          %dma_wait3A_197 = arith.constant 0 : i32
          %dma_wait3A_198 = tpu.memref_slice %arg9[%dma_wait3A_194, %dma_wait3A_196, %dma_wait3A_197] : memref<8x128x32xbf16, #tpu.memory_space<vmem>> -> memref<1x128x32xbf16, #tpu.memory_space<vmem>>
          %dma_wait3A_199 = tpu.memref_squeeze %dma_wait3A_198 : memref<1x128x32xbf16, #tpu.memory_space<vmem>> -> memref<128x32xbf16, #tpu.memory_space<vmem>>
          %dma_wait3A_200 = arith.constant 0 : i32
          %dma_wait3A_201 = tpu.memref_slice %arg8[%dma_wait3A_195, %dma_wait3A_200] : memref<56x128xi32, #tpu.memory_space<vmem>> -> memref<1x128xi32, #tpu.memory_space<vmem>>
          %dma_wait3A_202 = tpu.memref_squeeze %dma_wait3A_201 : memref<1x128xi32, #tpu.memory_space<vmem>> -> memref<128xi32, #tpu.memory_space<vmem>>
          %dma_wait3A_203 = arith.constant 0 : i32
          %dma_wait3A_204 = arith.constant 0 : i32
          %dma_wait3A_205 = tpu.memref_slice %arg11[%dma_wait3A_203, %dma_wait3A_204] : memref<50176x32xbf16, #tpu.memory_space<vmem_shared>> -> memref<50176x32xbf16, #tpu.memory_space<vmem_shared>>
          tpu.wait_indirect_dma semaphore(%arg15 : memref<!tpu.dma_semaphore, #tpu.memory_space<semaphore_mem>>) src(%dma_wait3A_199 : memref<128x32xbf16, #tpu.memory_space<vmem>>) dst(%dma_wait3A_205 : memref<50176x32xbf16, #tpu.memory_space<vmem_shared>>)
          %dma_wait3A_206 = arith.constant 0 : i32
          %dma_wait3A_207 = arith.constant 0 : i32
          %dma_wait3A_208 = arith.constant 0 : i32
          %dma_wait3A_209 = arith.constant 0 : i32
          %dma_wait3A_210 = tpu.memref_slice %arg9[%dma_wait3A_206, %dma_wait3A_208, %dma_wait3A_209] : memref<8x128x32xbf16, #tpu.memory_space<vmem>> -> memref<1x128x32xbf16, #tpu.memory_space<vmem>>
          %dma_wait3A_211 = tpu.memref_squeeze %dma_wait3A_210 : memref<1x128x32xbf16, #tpu.memory_space<vmem>> -> memref<128x32xbf16, #tpu.memory_space<vmem>>
          %dma_wait3A_212 = arith.constant 0 : i32
          %dma_wait3A_213 = tpu.memref_slice %arg8[%dma_wait3A_207, %dma_wait3A_212] : memref<56x128xi32, #tpu.memory_space<vmem>> -> memref<1x128xi32, #tpu.memory_space<vmem>>
          %dma_wait3A_214 = tpu.memref_squeeze %dma_wait3A_213 : memref<1x128xi32, #tpu.memory_space<vmem>> -> memref<128xi32, #tpu.memory_space<vmem>>
          %dma_wait3A_215 = arith.constant 0 : i32
          %dma_wait3A_216 = arith.constant 0 : i32
          %dma_wait3A_217 = tpu.memref_slice %arg11[%dma_wait3A_215, %dma_wait3A_216] : memref<50176x32xbf16, #tpu.memory_space<vmem_shared>> -> memref<50176x32xbf16, #tpu.memory_space<vmem_shared>>
          tpu.wait_indirect_dma semaphore(%arg15 : memref<!tpu.dma_semaphore, #tpu.memory_space<semaphore_mem>>) src(%dma_wait3A_211 : memref<128x32xbf16, #tpu.memory_space<vmem>>) dst(%dma_wait3A_217 : memref<50176x32xbf16, #tpu.memory_space<vmem_shared>>)
          %dma_wait3A_218 = arith.constant 0 : i32
          %dma_wait3A_219 = arith.constant 0 : i32
          %dma_wait3A_220 = arith.constant 0 : i32
          %dma_wait3A_221 = arith.constant 0 : i32
          %dma_wait3A_222 = tpu.memref_slice %arg9[%dma_wait3A_218, %dma_wait3A_220, %dma_wait3A_221] : memref<8x128x32xbf16, #tpu.memory_space<vmem>> -> memref<1x128x32xbf16, #tpu.memory_space<vmem>>
          %dma_wait3A_223 = tpu.memref_squeeze %dma_wait3A_222 : memref<1x128x32xbf16, #tpu.memory_space<vmem>> -> memref<128x32xbf16, #tpu.memory_space<vmem>>
          %dma_wait3A_224 = arith.constant 0 : i32
          %dma_wait3A_225 = tpu.memref_slice %arg8[%dma_wait3A_219, %dma_wait3A_224] : memref<56x128xi32, #tpu.memory_space<vmem>> -> memref<1x128xi32, #tpu.memory_space<vmem>>
          %dma_wait3A_226 = tpu.memref_squeeze %dma_wait3A_225 : memref<1x128xi32, #tpu.memory_space<vmem>> -> memref<128xi32, #tpu.memory_space<vmem>>
          %dma_wait3A_227 = arith.constant 0 : i32
          %dma_wait3A_228 = arith.constant 0 : i32
          %dma_wait3A_229 = tpu.memref_slice %arg11[%dma_wait3A_227, %dma_wait3A_228] : memref<50176x32xbf16, #tpu.memory_space<vmem_shared>> -> memref<50176x32xbf16, #tpu.memory_space<vmem_shared>>
          tpu.wait_indirect_dma semaphore(%arg15 : memref<!tpu.dma_semaphore, #tpu.memory_space<semaphore_mem>>) src(%dma_wait3A_223 : memref<128x32xbf16, #tpu.memory_space<vmem>>) dst(%dma_wait3A_229 : memref<50176x32xbf16, #tpu.memory_space<vmem_shared>>)
          %dma_wait3A_230 = arith.constant 0 : i32
          %dma_wait3A_231 = arith.constant 0 : i32
          %dma_wait3A_232 = arith.constant 0 : i32
          %dma_wait3A_233 = arith.constant 0 : i32
          %dma_wait3A_234 = tpu.memref_slice %arg9[%dma_wait3A_230, %dma_wait3A_232, %dma_wait3A_233] : memref<8x128x32xbf16, #tpu.memory_space<vmem>> -> memref<1x128x32xbf16, #tpu.memory_space<vmem>>
          %dma_wait3A_235 = tpu.memref_squeeze %dma_wait3A_234 : memref<1x128x32xbf16, #tpu.memory_space<vmem>> -> memref<128x32xbf16, #tpu.memory_space<vmem>>
          %dma_wait3A_236 = arith.constant 0 : i32
          %dma_wait3A_237 = tpu.memref_slice %arg8[%dma_wait3A_231, %dma_wait3A_236] : memref<56x128xi32, #tpu.memory_space<vmem>> -> memref<1x128xi32, #tpu.memory_space<vmem>>
          %dma_wait3A_238 = tpu.memref_squeeze %dma_wait3A_237 : memref<1x128xi32, #tpu.memory_space<vmem>> -> memref<128xi32, #tpu.memory_space<vmem>>
          %dma_wait3A_239 = arith.constant 0 : i32
          %dma_wait3A_240 = arith.constant 0 : i32
          %dma_wait3A_241 = tpu.memref_slice %arg11[%dma_wait3A_239, %dma_wait3A_240] : memref<50176x32xbf16, #tpu.memory_space<vmem_shared>> -> memref<50176x32xbf16, #tpu.memory_space<vmem_shared>>
          tpu.wait_indirect_dma semaphore(%arg15 : memref<!tpu.dma_semaphore, #tpu.memory_space<semaphore_mem>>) src(%dma_wait3A_235 : memref<128x32xbf16, #tpu.memory_space<vmem>>) dst(%dma_wait3A_241 : memref<50176x32xbf16, #tpu.memory_space<vmem_shared>>)
        } else {
        }
        %mul3A_136 = arith.constant 56 : i32
        %mul3A_137 = arith.muli %scan3A_130, %mul3A_136 : i32
        %add3A_138 = arith.addi %mul3A_27, %mul3A_137 : i32
        "tpu.region"() ({
          %run_scoped3A = tpu.sem_alloc : memref<!tpu.dma_semaphore, #tpu.memory_space<semaphore_mem>>
          %dma_start3A = arith.constant 0 : i32
          %dma_start3A_146 = tpu.memref_slice %arg3[%add3A_138, %dma_start3A] : memref<6272x128xi32, #tpu.memory_space<hbm>> -> memref<56x128xi32, #tpu.memory_space<hbm>>
          %dma_start3A_147 = arith.constant 0 : i32
          %dma_start3A_148 = tpu.memref_slice %arg3[%add3A_138, %dma_start3A_147] : memref<6272x128xi32, #tpu.memory_space<hbm>> -> memref<56x128xi32, #tpu.memory_space<hbm>>
          tpu.enqueue_dma source(%dma_start3A_148 : memref<56x128xi32, #tpu.memory_space<hbm>>) target(%arg7 : memref<56x128xi32, #tpu.memory_space<vmem>>) target_semaphore(%run_scoped3A : memref<!tpu.dma_semaphore, #tpu.memory_space<semaphore_mem>>)
          %dma_wait3A_149 = arith.constant 0 : i32
          %dma_wait3A_150 = tpu.memref_slice %arg3[%add3A_138, %dma_wait3A_149] : memref<6272x128xi32, #tpu.memory_space<hbm>> -> memref<56x128xi32, #tpu.memory_space<hbm>>
          %dma_wait3A_151 = arith.constant 0 : i32
          %dma_wait3A_152 = tpu.memref_slice %arg3[%add3A_138, %dma_wait3A_151] : memref<6272x128xi32, #tpu.memory_space<hbm>> -> memref<56x128xi32, #tpu.memory_space<hbm>>
          tpu.wait_dma2 semaphore(%run_scoped3A : memref<!tpu.dma_semaphore, #tpu.memory_space<semaphore_mem>>) src(%dma_wait3A_152 : memref<56x128xi32, #tpu.memory_space<hbm>>) dst(%arg7 : memref<56x128xi32, #tpu.memory_space<vmem>>)
          tpu.yield
        }) : () -> ()
        "tpu.region"() ({
          %run_scoped3A = tpu.sem_alloc : memref<!tpu.dma_semaphore, #tpu.memory_space<semaphore_mem>>
          %dma_start3A = arith.constant 0 : i32
          %dma_start3A_146 = tpu.memref_slice %arg5[%add3A_138, %dma_start3A] : memref<6272x128xi32, #tpu.memory_space<hbm>> -> memref<56x128xi32, #tpu.memory_space<hbm>>
          %dma_start3A_147 = arith.constant 0 : i32
          %dma_start3A_148 = tpu.memref_slice %arg5[%add3A_138, %dma_start3A_147] : memref<6272x128xi32, #tpu.memory_space<hbm>> -> memref<56x128xi32, #tpu.memory_space<hbm>>
          tpu.enqueue_dma source(%dma_start3A_148 : memref<56x128xi32, #tpu.memory_space<hbm>>) target(%arg8 : memref<56x128xi32, #tpu.memory_space<vmem>>) target_semaphore(%run_scoped3A : memref<!tpu.dma_semaphore, #tpu.memory_space<semaphore_mem>>)
          %dma_wait3A_149 = arith.constant 0 : i32
          %dma_wait3A_150 = tpu.memref_slice %arg5[%add3A_138, %dma_wait3A_149] : memref<6272x128xi32, #tpu.memory_space<hbm>> -> memref<56x128xi32, #tpu.memory_space<hbm>>
          %dma_wait3A_151 = arith.constant 0 : i32
          %dma_wait3A_152 = tpu.memref_slice %arg5[%add3A_138, %dma_wait3A_151] : memref<6272x128xi32, #tpu.memory_space<hbm>> -> memref<56x128xi32, #tpu.memory_space<hbm>>
          tpu.wait_dma2 semaphore(%run_scoped3A : memref<!tpu.dma_semaphore, #tpu.memory_space<semaphore_mem>>) src(%dma_wait3A_152 : memref<56x128xi32, #tpu.memory_space<hbm>>) dst(%arg8 : memref<56x128xi32, #tpu.memory_space<vmem>>)
          tpu.yield
        }) : () -> ()
        %scan3A_139 = arith.constant 0 : i32
        %scan3A_140 = arith.constant 0 : i32
        %scan3A_141 = arith.constant 7 : i32
        %scan3A_142 = arith.addi %scan3A_140, %scan3A_141 : i32
        %scan3A_143 = arith.constant 1 : i32
        %scan3A_144 = scf.for %scan3A_146 = %scan3A_140 to %scan3A_142 step %scan3A_143 iter_args(%scan3A_147 = %scan3A_139) -> (i32)  : i32 {
          %mul3A_148 = arith.constant 2 : i32
          %mul3A_149 = arith.muli %scan3A_146, %mul3A_148 : i32
          %mul3A_150 = arith.constant 4 : i32
          %mul3A_151 = arith.muli %mul3A_149, %mul3A_150 : i32
          %add3A_152 = arith.constant 4 : i32
          %add3A_153 = arith.addi %mul3A_151, %add3A_152 : i32
          %gt3A_154 = arith.constant 0 : i32
          %gt3A_155 = arith.cmpi sgt, %scan3A_146, %gt3A_154 : i32
          %convert_element_type3A_156 = arith.extui %gt3A_155 : i1 to i32
          %cond3A_157 = arith.constant 0 : i32
          %cond3A_158 = arith.cmpi ne, %convert_element_type3A_156, %cond3A_157 : i32
          scf.if %cond3A_158 {
            %dma_wait3A_460 = arith.constant 0 : i32
            %dma_wait3A_461 = arith.constant 0 : i32
            %dma_wait3A_462 = arith.constant 0 : i32
            %dma_wait3A_463 = arith.constant 0 : i32
            %dma_wait3A_464 = tpu.memref_slice %arg9[%dma_wait3A_460, %dma_wait3A_462, %dma_wait3A_463] : memref<8x128x32xbf16, #tpu.memory_space<vmem>> -> memref<1x128x32xbf16, #tpu.memory_space<vmem>>
            %dma_wait3A_465 = tpu.memref_squeeze %dma_wait3A_464 : memref<1x128x32xbf16, #tpu.memory_space<vmem>> -> memref<128x32xbf16, #tpu.memory_space<vmem>>
            %dma_wait3A_466 = arith.constant 0 : i32
            %dma_wait3A_467 = tpu.memref_slice %arg8[%dma_wait3A_461, %dma_wait3A_466] : memref<56x128xi32, #tpu.memory_space<vmem>> -> memref<1x128xi32, #tpu.memory_space<vmem>>
            %dma_wait3A_468 = tpu.memref_squeeze %dma_wait3A_467 : memref<1x128xi32, #tpu.memory_space<vmem>> -> memref<128xi32, #tpu.memory_space<vmem>>
            %dma_wait3A_469 = arith.constant 0 : i32
            %dma_wait3A_470 = arith.constant 0 : i32
            %dma_wait3A_471 = tpu.memref_slice %arg11[%dma_wait3A_469, %dma_wait3A_470] : memref<50176x32xbf16, #tpu.memory_space<vmem_shared>> -> memref<50176x32xbf16, #tpu.memory_space<vmem_shared>>
            tpu.wait_indirect_dma semaphore(%arg14 : memref<!tpu.dma_semaphore, #tpu.memory_space<semaphore_mem>>) src(%dma_wait3A_465 : memref<128x32xbf16, #tpu.memory_space<vmem>>) dst(%dma_wait3A_471 : memref<50176x32xbf16, #tpu.memory_space<vmem_shared>>)
            %dma_wait3A_472 = arith.constant 0 : i32
            %dma_wait3A_473 = arith.constant 0 : i32
            %dma_wait3A_474 = arith.constant 0 : i32
            %dma_wait3A_475 = arith.constant 0 : i32
            %dma_wait3A_476 = tpu.memref_slice %arg9[%dma_wait3A_472, %dma_wait3A_474, %dma_wait3A_475] : memref<8x128x32xbf16, #tpu.memory_space<vmem>> -> memref<1x128x32xbf16, #tpu.memory_space<vmem>>
            %dma_wait3A_477 = tpu.memref_squeeze %dma_wait3A_476 : memref<1x128x32xbf16, #tpu.memory_space<vmem>> -> memref<128x32xbf16, #tpu.memory_space<vmem>>
            %dma_wait3A_478 = arith.constant 0 : i32
            %dma_wait3A_479 = tpu.memref_slice %arg8[%dma_wait3A_473, %dma_wait3A_478] : memref<56x128xi32, #tpu.memory_space<vmem>> -> memref<1x128xi32, #tpu.memory_space<vmem>>
            %dma_wait3A_480 = tpu.memref_squeeze %dma_wait3A_479 : memref<1x128xi32, #tpu.memory_space<vmem>> -> memref<128xi32, #tpu.memory_space<vmem>>
            %dma_wait3A_481 = arith.constant 0 : i32
            %dma_wait3A_482 = arith.constant 0 : i32
            %dma_wait3A_483 = tpu.memref_slice %arg11[%dma_wait3A_481, %dma_wait3A_482] : memref<50176x32xbf16, #tpu.memory_space<vmem_shared>> -> memref<50176x32xbf16, #tpu.memory_space<vmem_shared>>
            tpu.wait_indirect_dma semaphore(%arg14 : memref<!tpu.dma_semaphore, #tpu.memory_space<semaphore_mem>>) src(%dma_wait3A_477 : memref<128x32xbf16, #tpu.memory_space<vmem>>) dst(%dma_wait3A_483 : memref<50176x32xbf16, #tpu.memory_space<vmem_shared>>)
            %dma_wait3A_484 = arith.constant 0 : i32
            %dma_wait3A_485 = arith.constant 0 : i32
            %dma_wait3A_486 = arith.constant 0 : i32
            %dma_wait3A_487 = arith.constant 0 : i32
            %dma_wait3A_488 = tpu.memref_slice %arg9[%dma_wait3A_484, %dma_wait3A_486, %dma_wait3A_487] : memref<8x128x32xbf16, #tpu.memory_space<vmem>> -> memref<1x128x32xbf16, #tpu.memory_space<vmem>>
            %dma_wait3A_489 = tpu.memref_squeeze %dma_wait3A_488 : memref<1x128x32xbf16, #tpu.memory_space<vmem>> -> memref<128x32xbf16, #tpu.memory_space<vmem>>
            %dma_wait3A_490 = arith.constant 0 : i32
            %dma_wait3A_491 = tpu.memref_slice %arg8[%dma_wait3A_485, %dma_wait3A_490] : memref<56x128xi32, #tpu.memory_space<vmem>> -> memref<1x128xi32, #tpu.memory_space<vmem>>
            %dma_wait3A_492 = tpu.memref_squeeze %dma_wait3A_491 : memref<1x128xi32, #tpu.memory_space<vmem>> -> memref<128xi32, #tpu.memory_space<vmem>>
            %dma_wait3A_493 = arith.constant 0 : i32
            %dma_wait3A_494 = arith.constant 0 : i32
            %dma_wait3A_495 = tpu.memref_slice %arg11[%dma_wait3A_493, %dma_wait3A_494] : memref<50176x32xbf16, #tpu.memory_space<vmem_shared>> -> memref<50176x32xbf16, #tpu.memory_space<vmem_shared>>
            tpu.wait_indirect_dma semaphore(%arg14 : memref<!tpu.dma_semaphore, #tpu.memory_space<semaphore_mem>>) src(%dma_wait3A_489 : memref<128x32xbf16, #tpu.memory_space<vmem>>) dst(%dma_wait3A_495 : memref<50176x32xbf16, #tpu.memory_space<vmem_shared>>)
            %dma_wait3A_496 = arith.constant 0 : i32
            %dma_wait3A_497 = arith.constant 0 : i32
            %dma_wait3A_498 = arith.constant 0 : i32
            %dma_wait3A_499 = arith.constant 0 : i32
            %dma_wait3A_500 = tpu.memref_slice %arg9[%dma_wait3A_496, %dma_wait3A_498, %dma_wait3A_499] : memref<8x128x32xbf16, #tpu.memory_space<vmem>> -> memref<1x128x32xbf16, #tpu.memory_space<vmem>>
            %dma_wait3A_501 = tpu.memref_squeeze %dma_wait3A_500 : memref<1x128x32xbf16, #tpu.memory_space<vmem>> -> memref<128x32xbf16, #tpu.memory_space<vmem>>
            %dma_wait3A_502 = arith.constant 0 : i32
            %dma_wait3A_503 = tpu.memref_slice %arg8[%dma_wait3A_497, %dma_wait3A_502] : memref<56x128xi32, #tpu.memory_space<vmem>> -> memref<1x128xi32, #tpu.memory_space<vmem>>
            %dma_wait3A_504 = tpu.memref_squeeze %dma_wait3A_503 : memref<1x128xi32, #tpu.memory_space<vmem>> -> memref<128xi32, #tpu.memory_space<vmem>>
            %dma_wait3A_505 = arith.constant 0 : i32
            %dma_wait3A_506 = arith.constant 0 : i32
            %dma_wait3A_507 = tpu.memref_slice %arg11[%dma_wait3A_505, %dma_wait3A_506] : memref<50176x32xbf16, #tpu.memory_space<vmem_shared>> -> memref<50176x32xbf16, #tpu.memory_space<vmem_shared>>
            tpu.wait_indirect_dma semaphore(%arg14 : memref<!tpu.dma_semaphore, #tpu.memory_space<semaphore_mem>>) src(%dma_wait3A_501 : memref<128x32xbf16, #tpu.memory_space<vmem>>) dst(%dma_wait3A_507 : memref<50176x32xbf16, #tpu.memory_space<vmem_shared>>)
          } else {
          }
          %add3A_159 = arith.constant 0 : i32
          %add3A_160 = arith.addi %mul3A_151, %add3A_159 : i32
          %dma_start3A = arith.constant 0 : i32
          %dma_start3A_161 = arith.constant 0 : i32
          %dma_start3A_162 = arith.constant 0 : i32
          %dma_start3A_163 = tpu.memref_slice %arg9[%dma_start3A, %dma_start3A_161, %dma_start3A_162] : memref<8x128x32xbf16, #tpu.memory_space<vmem>> -> memref<1x128x32xbf16, #tpu.memory_space<vmem>>
          %dma_start3A_164 = tpu.memref_squeeze %dma_start3A_163 : memref<1x128x32xbf16, #tpu.memory_space<vmem>> -> memref<128x32xbf16, #tpu.memory_space<vmem>>
          %dma_start3A_165 = arith.constant 0 : i32
          %dma_start3A_166 = tpu.memref_slice %arg7[%add3A_160, %dma_start3A_165] : memref<56x128xi32, #tpu.memory_space<vmem>> -> memref<1x128xi32, #tpu.memory_space<vmem>>
          %dma_start3A_167 = tpu.memref_squeeze %dma_start3A_166 : memref<1x128xi32, #tpu.memory_space<vmem>> -> memref<128xi32, #tpu.memory_space<vmem>>
          %dma_start3A_168 = arith.constant 0 : i32
          %dma_start3A_169 = arith.constant 0 : i32
          %dma_start3A_170 = tpu.memref_slice %arg2[%dma_start3A_168, %dma_start3A_169] : memref<400000x32xbf16, #tpu.memory_space<hbm>> -> memref<400000x32xbf16, #tpu.memory_space<hbm>>
          tpu.enqueue_indirect_dma source(%dma_start3A_170 : memref<400000x32xbf16, #tpu.memory_space<hbm>>) target(%dma_start3A_164 : memref<128x32xbf16, #tpu.memory_space<vmem>>) offsets(%dma_start3A_167 : memref<128xi32, #tpu.memory_space<vmem>>) semaphore(%arg12 : memref<!tpu.dma_semaphore, #tpu.memory_space<semaphore_mem>>)
          %add3A_171 = arith.constant 1 : i32
          %add3A_172 = arith.addi %mul3A_151, %add3A_171 : i32
          %dma_start3A_173 = arith.constant 1 : i32
          %dma_start3A_174 = arith.constant 0 : i32
          %dma_start3A_175 = arith.constant 0 : i32
          %dma_start3A_176 = tpu.memref_slice %arg9[%dma_start3A_173, %dma_start3A_174, %dma_start3A_175] : memref<8x128x32xbf16, #tpu.memory_space<vmem>> -> memref<1x128x32xbf16, #tpu.memory_space<vmem>>
          %dma_start3A_177 = tpu.memref_squeeze %dma_start3A_176 : memref<1x128x32xbf16, #tpu.memory_space<vmem>> -> memref<128x32xbf16, #tpu.memory_space<vmem>>
          %dma_start3A_178 = arith.constant 0 : i32
          %dma_start3A_179 = tpu.memref_slice %arg7[%add3A_172, %dma_start3A_178] : memref<56x128xi32, #tpu.memory_space<vmem>> -> memref<1x128xi32, #tpu.memory_space<vmem>>
          %dma_start3A_180 = tpu.memref_squeeze %dma_start3A_179 : memref<1x128xi32, #tpu.memory_space<vmem>> -> memref<128xi32, #tpu.memory_space<vmem>>
          %dma_start3A_181 = arith.constant 0 : i32
          %dma_start3A_182 = arith.constant 0 : i32
          %dma_start3A_183 = tpu.memref_slice %arg2[%dma_start3A_181, %dma_start3A_182] : memref<400000x32xbf16, #tpu.memory_space<hbm>> -> memref<400000x32xbf16, #tpu.memory_space<hbm>>
          tpu.enqueue_indirect_dma source(%dma_start3A_183 : memref<400000x32xbf16, #tpu.memory_space<hbm>>) target(%dma_start3A_177 : memref<128x32xbf16, #tpu.memory_space<vmem>>) offsets(%dma_start3A_180 : memref<128xi32, #tpu.memory_space<vmem>>) semaphore(%arg12 : memref<!tpu.dma_semaphore, #tpu.memory_space<semaphore_mem>>)
          %add3A_184 = arith.constant 2 : i32
          %add3A_185 = arith.addi %mul3A_151, %add3A_184 : i32
          %dma_start3A_186 = arith.constant 2 : i32
          %dma_start3A_187 = arith.constant 0 : i32
          %dma_start3A_188 = arith.constant 0 : i32
          %dma_start3A_189 = tpu.memref_slice %arg9[%dma_start3A_186, %dma_start3A_187, %dma_start3A_188] : memref<8x128x32xbf16, #tpu.memory_space<vmem>> -> memref<1x128x32xbf16, #tpu.memory_space<vmem>>
          %dma_start3A_190 = tpu.memref_squeeze %dma_start3A_189 : memref<1x128x32xbf16, #tpu.memory_space<vmem>> -> memref<128x32xbf16, #tpu.memory_space<vmem>>
          %dma_start3A_191 = arith.constant 0 : i32
          %dma_start3A_192 = tpu.memref_slice %arg7[%add3A_185, %dma_start3A_191] : memref<56x128xi32, #tpu.memory_space<vmem>> -> memref<1x128xi32, #tpu.memory_space<vmem>>
          %dma_start3A_193 = tpu.memref_squeeze %dma_start3A_192 : memref<1x128xi32, #tpu.memory_space<vmem>> -> memref<128xi32, #tpu.memory_space<vmem>>
          %dma_start3A_194 = arith.constant 0 : i32
          %dma_start3A_195 = arith.constant 0 : i32
          %dma_start3A_196 = tpu.memref_slice %arg2[%dma_start3A_194, %dma_start3A_195] : memref<400000x32xbf16, #tpu.memory_space<hbm>> -> memref<400000x32xbf16, #tpu.memory_space<hbm>>
          tpu.enqueue_indirect_dma source(%dma_start3A_196 : memref<400000x32xbf16, #tpu.memory_space<hbm>>) target(%dma_start3A_190 : memref<128x32xbf16, #tpu.memory_space<vmem>>) offsets(%dma_start3A_193 : memref<128xi32, #tpu.memory_space<vmem>>) semaphore(%arg12 : memref<!tpu.dma_semaphore, #tpu.memory_space<semaphore_mem>>)
          %add3A_197 = arith.constant 3 : i32
          %add3A_198 = arith.addi %mul3A_151, %add3A_197 : i32
          %dma_start3A_199 = arith.constant 3 : i32
          %dma_start3A_200 = arith.constant 0 : i32
          %dma_start3A_201 = arith.constant 0 : i32
          %dma_start3A_202 = tpu.memref_slice %arg9[%dma_start3A_199, %dma_start3A_200, %dma_start3A_201] : memref<8x128x32xbf16, #tpu.memory_space<vmem>> -> memref<1x128x32xbf16, #tpu.memory_space<vmem>>
          %dma_start3A_203 = tpu.memref_squeeze %dma_start3A_202 : memref<1x128x32xbf16, #tpu.memory_space<vmem>> -> memref<128x32xbf16, #tpu.memory_space<vmem>>
          %dma_start3A_204 = arith.constant 0 : i32
          %dma_start3A_205 = tpu.memref_slice %arg7[%add3A_198, %dma_start3A_204] : memref<56x128xi32, #tpu.memory_space<vmem>> -> memref<1x128xi32, #tpu.memory_space<vmem>>
          %dma_start3A_206 = tpu.memref_squeeze %dma_start3A_205 : memref<1x128xi32, #tpu.memory_space<vmem>> -> memref<128xi32, #tpu.memory_space<vmem>>
          %dma_start3A_207 = arith.constant 0 : i32
          %dma_start3A_208 = arith.constant 0 : i32
          %dma_start3A_209 = tpu.memref_slice %arg2[%dma_start3A_207, %dma_start3A_208] : memref<400000x32xbf16, #tpu.memory_space<hbm>> -> memref<400000x32xbf16, #tpu.memory_space<hbm>>
          tpu.enqueue_indirect_dma source(%dma_start3A_209 : memref<400000x32xbf16, #tpu.memory_space<hbm>>) target(%dma_start3A_203 : memref<128x32xbf16, #tpu.memory_space<vmem>>) offsets(%dma_start3A_206 : memref<128xi32, #tpu.memory_space<vmem>>) semaphore(%arg12 : memref<!tpu.dma_semaphore, #tpu.memory_space<semaphore_mem>>)
          %gt3A_210 = arith.constant 0 : i32
          %gt3A_211 = arith.cmpi sgt, %scan3A_146, %gt3A_210 : i32
          %convert_element_type3A_212 = arith.extui %gt3A_211 : i1 to i32
          %cond3A_213 = arith.constant 0 : i32
          %cond3A_214 = arith.cmpi ne, %convert_element_type3A_212, %cond3A_213 : i32
          scf.if %cond3A_214 {
            %dma_wait3A_460 = arith.constant 0 : i32
            %dma_wait3A_461 = arith.constant 0 : i32
            %dma_wait3A_462 = arith.constant 0 : i32
            %dma_wait3A_463 = arith.constant 0 : i32
            %dma_wait3A_464 = tpu.memref_slice %arg9[%dma_wait3A_460, %dma_wait3A_462, %dma_wait3A_463] : memref<8x128x32xbf16, #tpu.memory_space<vmem>> -> memref<1x128x32xbf16, #tpu.memory_space<vmem>>
            %dma_wait3A_465 = tpu.memref_squeeze %dma_wait3A_464 : memref<1x128x32xbf16, #tpu.memory_space<vmem>> -> memref<128x32xbf16, #tpu.memory_space<vmem>>
            %dma_wait3A_466 = arith.constant 0 : i32
            %dma_wait3A_467 = tpu.memref_slice %arg8[%dma_wait3A_461, %dma_wait3A_466] : memref<56x128xi32, #tpu.memory_space<vmem>> -> memref<1x128xi32, #tpu.memory_space<vmem>>
            %dma_wait3A_468 = tpu.memref_squeeze %dma_wait3A_467 : memref<1x128xi32, #tpu.memory_space<vmem>> -> memref<128xi32, #tpu.memory_space<vmem>>
            %dma_wait3A_469 = arith.constant 0 : i32
            %dma_wait3A_470 = arith.constant 0 : i32
            %dma_wait3A_471 = tpu.memref_slice %arg11[%dma_wait3A_469, %dma_wait3A_470] : memref<50176x32xbf16, #tpu.memory_space<vmem_shared>> -> memref<50176x32xbf16, #tpu.memory_space<vmem_shared>>
            tpu.wait_indirect_dma semaphore(%arg15 : memref<!tpu.dma_semaphore, #tpu.memory_space<semaphore_mem>>) src(%dma_wait3A_465 : memref<128x32xbf16, #tpu.memory_space<vmem>>) dst(%dma_wait3A_471 : memref<50176x32xbf16, #tpu.memory_space<vmem_shared>>)
            %dma_wait3A_472 = arith.constant 0 : i32
            %dma_wait3A_473 = arith.constant 0 : i32
            %dma_wait3A_474 = arith.constant 0 : i32
            %dma_wait3A_475 = arith.constant 0 : i32
            %dma_wait3A_476 = tpu.memref_slice %arg9[%dma_wait3A_472, %dma_wait3A_474, %dma_wait3A_475] : memref<8x128x32xbf16, #tpu.memory_space<vmem>> -> memref<1x128x32xbf16, #tpu.memory_space<vmem>>
            %dma_wait3A_477 = tpu.memref_squeeze %dma_wait3A_476 : memref<1x128x32xbf16, #tpu.memory_space<vmem>> -> memref<128x32xbf16, #tpu.memory_space<vmem>>
            %dma_wait3A_478 = arith.constant 0 : i32
            %dma_wait3A_479 = tpu.memref_slice %arg8[%dma_wait3A_473, %dma_wait3A_478] : memref<56x128xi32, #tpu.memory_space<vmem>> -> memref<1x128xi32, #tpu.memory_space<vmem>>
            %dma_wait3A_480 = tpu.memref_squeeze %dma_wait3A_479 : memref<1x128xi32, #tpu.memory_space<vmem>> -> memref<128xi32, #tpu.memory_space<vmem>>
            %dma_wait3A_481 = arith.constant 0 : i32
            %dma_wait3A_482 = arith.constant 0 : i32
            %dma_wait3A_483 = tpu.memref_slice %arg11[%dma_wait3A_481, %dma_wait3A_482] : memref<50176x32xbf16, #tpu.memory_space<vmem_shared>> -> memref<50176x32xbf16, #tpu.memory_space<vmem_shared>>
            tpu.wait_indirect_dma semaphore(%arg15 : memref<!tpu.dma_semaphore, #tpu.memory_space<semaphore_mem>>) src(%dma_wait3A_477 : memref<128x32xbf16, #tpu.memory_space<vmem>>) dst(%dma_wait3A_483 : memref<50176x32xbf16, #tpu.memory_space<vmem_shared>>)
            %dma_wait3A_484 = arith.constant 0 : i32
            %dma_wait3A_485 = arith.constant 0 : i32
            %dma_wait3A_486 = arith.constant 0 : i32
            %dma_wait3A_487 = arith.constant 0 : i32
            %dma_wait3A_488 = tpu.memref_slice %arg9[%dma_wait3A_484, %dma_wait3A_486, %dma_wait3A_487] : memref<8x128x32xbf16, #tpu.memory_space<vmem>> -> memref<1x128x32xbf16, #tpu.memory_space<vmem>>
            %dma_wait3A_489 = tpu.memref_squeeze %dma_wait3A_488 : memref<1x128x32xbf16, #tpu.memory_space<vmem>> -> memref<128x32xbf16, #tpu.memory_space<vmem>>
            %dma_wait3A_490 = arith.constant 0 : i32
            %dma_wait3A_491 = tpu.memref_slice %arg8[%dma_wait3A_485, %dma_wait3A_490] : memref<56x128xi32, #tpu.memory_space<vmem>> -> memref<1x128xi32, #tpu.memory_space<vmem>>
            %dma_wait3A_492 = tpu.memref_squeeze %dma_wait3A_491 : memref<1x128xi32, #tpu.memory_space<vmem>> -> memref<128xi32, #tpu.memory_space<vmem>>
            %dma_wait3A_493 = arith.constant 0 : i32
            %dma_wait3A_494 = arith.constant 0 : i32
            %dma_wait3A_495 = tpu.memref_slice %arg11[%dma_wait3A_493, %dma_wait3A_494] : memref<50176x32xbf16, #tpu.memory_space<vmem_shared>> -> memref<50176x32xbf16, #tpu.memory_space<vmem_shared>>
            tpu.wait_indirect_dma semaphore(%arg15 : memref<!tpu.dma_semaphore, #tpu.memory_space<semaphore_mem>>) src(%dma_wait3A_489 : memref<128x32xbf16, #tpu.memory_space<vmem>>) dst(%dma_wait3A_495 : memref<50176x32xbf16, #tpu.memory_space<vmem_shared>>)
            %dma_wait3A_496 = arith.constant 0 : i32
            %dma_wait3A_497 = arith.constant 0 : i32
            %dma_wait3A_498 = arith.constant 0 : i32
            %dma_wait3A_499 = arith.constant 0 : i32
            %dma_wait3A_500 = tpu.memref_slice %arg9[%dma_wait3A_496, %dma_wait3A_498, %dma_wait3A_499] : memref<8x128x32xbf16, #tpu.memory_space<vmem>> -> memref<1x128x32xbf16, #tpu.memory_space<vmem>>
            %dma_wait3A_501 = tpu.memref_squeeze %dma_wait3A_500 : memref<1x128x32xbf16, #tpu.memory_space<vmem>> -> memref<128x32xbf16, #tpu.memory_space<vmem>>
            %dma_wait3A_502 = arith.constant 0 : i32
            %dma_wait3A_503 = tpu.memref_slice %arg8[%dma_wait3A_497, %dma_wait3A_502] : memref<56x128xi32, #tpu.memory_space<vmem>> -> memref<1x128xi32, #tpu.memory_space<vmem>>
            %dma_wait3A_504 = tpu.memref_squeeze %dma_wait3A_503 : memref<1x128xi32, #tpu.memory_space<vmem>> -> memref<128xi32, #tpu.memory_space<vmem>>
            %dma_wait3A_505 = arith.constant 0 : i32
            %dma_wait3A_506 = arith.constant 0 : i32
            %dma_wait3A_507 = tpu.memref_slice %arg11[%dma_wait3A_505, %dma_wait3A_506] : memref<50176x32xbf16, #tpu.memory_space<vmem_shared>> -> memref<50176x32xbf16, #tpu.memory_space<vmem_shared>>
            tpu.wait_indirect_dma semaphore(%arg15 : memref<!tpu.dma_semaphore, #tpu.memory_space<semaphore_mem>>) src(%dma_wait3A_501 : memref<128x32xbf16, #tpu.memory_space<vmem>>) dst(%dma_wait3A_507 : memref<50176x32xbf16, #tpu.memory_space<vmem_shared>>)
          } else {
          }
          %add3A_215 = arith.constant 0 : i32
          %add3A_216 = arith.addi %add3A_153, %add3A_215 : i32
          %dma_start3A_217 = arith.constant 4 : i32
          %dma_start3A_218 = arith.constant 0 : i32
          %dma_start3A_219 = arith.constant 0 : i32
          %dma_start3A_220 = tpu.memref_slice %arg9[%dma_start3A_217, %dma_start3A_218, %dma_start3A_219] : memref<8x128x32xbf16, #tpu.memory_space<vmem>> -> memref<1x128x32xbf16, #tpu.memory_space<vmem>>
          %dma_start3A_221 = tpu.memref_squeeze %dma_start3A_220 : memref<1x128x32xbf16, #tpu.memory_space<vmem>> -> memref<128x32xbf16, #tpu.memory_space<vmem>>
          %dma_start3A_222 = arith.constant 0 : i32
          %dma_start3A_223 = tpu.memref_slice %arg7[%add3A_216, %dma_start3A_222] : memref<56x128xi32, #tpu.memory_space<vmem>> -> memref<1x128xi32, #tpu.memory_space<vmem>>
          %dma_start3A_224 = tpu.memref_squeeze %dma_start3A_223 : memref<1x128xi32, #tpu.memory_space<vmem>> -> memref<128xi32, #tpu.memory_space<vmem>>
          %dma_start3A_225 = arith.constant 0 : i32
          %dma_start3A_226 = arith.constant 0 : i32
          %dma_start3A_227 = tpu.memref_slice %arg2[%dma_start3A_225, %dma_start3A_226] : memref<400000x32xbf16, #tpu.memory_space<hbm>> -> memref<400000x32xbf16, #tpu.memory_space<hbm>>
          tpu.enqueue_indirect_dma source(%dma_start3A_227 : memref<400000x32xbf16, #tpu.memory_space<hbm>>) target(%dma_start3A_221 : memref<128x32xbf16, #tpu.memory_space<vmem>>) offsets(%dma_start3A_224 : memref<128xi32, #tpu.memory_space<vmem>>) semaphore(%arg13 : memref<!tpu.dma_semaphore, #tpu.memory_space<semaphore_mem>>)
          %add3A_228 = arith.constant 1 : i32
          %add3A_229 = arith.addi %add3A_153, %add3A_228 : i32
          %dma_start3A_230 = arith.constant 5 : i32
          %dma_start3A_231 = arith.constant 0 : i32
          %dma_start3A_232 = arith.constant 0 : i32
          %dma_start3A_233 = tpu.memref_slice %arg9[%dma_start3A_230, %dma_start3A_231, %dma_start3A_232] : memref<8x128x32xbf16, #tpu.memory_space<vmem>> -> memref<1x128x32xbf16, #tpu.memory_space<vmem>>
          %dma_start3A_234 = tpu.memref_squeeze %dma_start3A_233 : memref<1x128x32xbf16, #tpu.memory_space<vmem>> -> memref<128x32xbf16, #tpu.memory_space<vmem>>
          %dma_start3A_235 = arith.constant 0 : i32
          %dma_start3A_236 = tpu.memref_slice %arg7[%add3A_229, %dma_start3A_235] : memref<56x128xi32, #tpu.memory_space<vmem>> -> memref<1x128xi32, #tpu.memory_space<vmem>>
          %dma_start3A_237 = tpu.memref_squeeze %dma_start3A_236 : memref<1x128xi32, #tpu.memory_space<vmem>> -> memref<128xi32, #tpu.memory_space<vmem>>
          %dma_start3A_238 = arith.constant 0 : i32
          %dma_start3A_239 = arith.constant 0 : i32
          %dma_start3A_240 = tpu.memref_slice %arg2[%dma_start3A_238, %dma_start3A_239] : memref<400000x32xbf16, #tpu.memory_space<hbm>> -> memref<400000x32xbf16, #tpu.memory_space<hbm>>
          tpu.enqueue_indirect_dma source(%dma_start3A_240 : memref<400000x32xbf16, #tpu.memory_space<hbm>>) target(%dma_start3A_234 : memref<128x32xbf16, #tpu.memory_space<vmem>>) offsets(%dma_start3A_237 : memref<128xi32, #tpu.memory_space<vmem>>) semaphore(%arg13 : memref<!tpu.dma_semaphore, #tpu.memory_space<semaphore_mem>>)
          %add3A_241 = arith.constant 2 : i32
          %add3A_242 = arith.addi %add3A_153, %add3A_241 : i32
          %dma_start3A_243 = arith.constant 6 : i32
          %dma_start3A_244 = arith.constant 0 : i32
          %dma_start3A_245 = arith.constant 0 : i32
          %dma_start3A_246 = tpu.memref_slice %arg9[%dma_start3A_243, %dma_start3A_244, %dma_start3A_245] : memref<8x128x32xbf16, #tpu.memory_space<vmem>> -> memref<1x128x32xbf16, #tpu.memory_space<vmem>>
          %dma_start3A_247 = tpu.memref_squeeze %dma_start3A_246 : memref<1x128x32xbf16, #tpu.memory_space<vmem>> -> memref<128x32xbf16, #tpu.memory_space<vmem>>
          %dma_start3A_248 = arith.constant 0 : i32
          %dma_start3A_249 = tpu.memref_slice %arg7[%add3A_242, %dma_start3A_248] : memref<56x128xi32, #tpu.memory_space<vmem>> -> memref<1x128xi32, #tpu.memory_space<vmem>>
          %dma_start3A_250 = tpu.memref_squeeze %dma_start3A_249 : memref<1x128xi32, #tpu.memory_space<vmem>> -> memref<128xi32, #tpu.memory_space<vmem>>
          %dma_start3A_251 = arith.constant 0 : i32
          %dma_start3A_252 = arith.constant 0 : i32
          %dma_start3A_253 = tpu.memref_slice %arg2[%dma_start3A_251, %dma_start3A_252] : memref<400000x32xbf16, #tpu.memory_space<hbm>> -> memref<400000x32xbf16, #tpu.memory_space<hbm>>
          tpu.enqueue_indirect_dma source(%dma_start3A_253 : memref<400000x32xbf16, #tpu.memory_space<hbm>>) target(%dma_start3A_247 : memref<128x32xbf16, #tpu.memory_space<vmem>>) offsets(%dma_start3A_250 : memref<128xi32, #tpu.memory_space<vmem>>) semaphore(%arg13 : memref<!tpu.dma_semaphore, #tpu.memory_space<semaphore_mem>>)
          %add3A_254 = arith.constant 3 : i32
          %add3A_255 = arith.addi %add3A_153, %add3A_254 : i32
          %dma_start3A_256 = arith.constant 7 : i32
          %dma_start3A_257 = arith.constant 0 : i32
          %dma_start3A_258 = arith.constant 0 : i32
          %dma_start3A_259 = tpu.memref_slice %arg9[%dma_start3A_256, %dma_start3A_257, %dma_start3A_258] : memref<8x128x32xbf16, #tpu.memory_space<vmem>> -> memref<1x128x32xbf16, #tpu.memory_space<vmem>>
          %dma_start3A_260 = tpu.memref_squeeze %dma_start3A_259 : memref<1x128x32xbf16, #tpu.memory_space<vmem>> -> memref<128x32xbf16, #tpu.memory_space<vmem>>
          %dma_start3A_261 = arith.constant 0 : i32
          %dma_start3A_262 = tpu.memref_slice %arg7[%add3A_255, %dma_start3A_261] : memref<56x128xi32, #tpu.memory_space<vmem>> -> memref<1x128xi32, #tpu.memory_space<vmem>>
          %dma_start3A_263 = tpu.memref_squeeze %dma_start3A_262 : memref<1x128xi32, #tpu.memory_space<vmem>> -> memref<128xi32, #tpu.memory_space<vmem>>
          %dma_start3A_264 = arith.constant 0 : i32
          %dma_start3A_265 = arith.constant 0 : i32
          %dma_start3A_266 = tpu.memref_slice %arg2[%dma_start3A_264, %dma_start3A_265] : memref<400000x32xbf16, #tpu.memory_space<hbm>> -> memref<400000x32xbf16, #tpu.memory_space<hbm>>
          tpu.enqueue_indirect_dma source(%dma_start3A_266 : memref<400000x32xbf16, #tpu.memory_space<hbm>>) target(%dma_start3A_260 : memref<128x32xbf16, #tpu.memory_space<vmem>>) offsets(%dma_start3A_263 : memref<128xi32, #tpu.memory_space<vmem>>) semaphore(%arg13 : memref<!tpu.dma_semaphore, #tpu.memory_space<semaphore_mem>>)
          %dma_wait3A_267 = arith.constant 0 : i32
          %dma_wait3A_268 = arith.constant 0 : i32
          %dma_wait3A_269 = arith.constant 0 : i32
          %dma_wait3A_270 = tpu.memref_slice %arg9[%dma_wait3A_267, %dma_wait3A_268, %dma_wait3A_269] : memref<8x128x32xbf16, #tpu.memory_space<vmem>> -> memref<1x128x32xbf16, #tpu.memory_space<vmem>>
          %dma_wait3A_271 = tpu.memref_squeeze %dma_wait3A_270 : memref<1x128x32xbf16, #tpu.memory_space<vmem>> -> memref<128x32xbf16, #tpu.memory_space<vmem>>
          %dma_wait3A_272 = arith.constant 0 : i32
          %dma_wait3A_273 = tpu.memref_slice %arg7[%add3A_160, %dma_wait3A_272] : memref<56x128xi32, #tpu.memory_space<vmem>> -> memref<1x128xi32, #tpu.memory_space<vmem>>
          %dma_wait3A_274 = tpu.memref_squeeze %dma_wait3A_273 : memref<1x128xi32, #tpu.memory_space<vmem>> -> memref<128xi32, #tpu.memory_space<vmem>>
          %dma_wait3A_275 = arith.constant 0 : i32
          %dma_wait3A_276 = arith.constant 0 : i32
          %dma_wait3A_277 = tpu.memref_slice %arg2[%dma_wait3A_275, %dma_wait3A_276] : memref<400000x32xbf16, #tpu.memory_space<hbm>> -> memref<400000x32xbf16, #tpu.memory_space<hbm>>
          tpu.wait_indirect_dma semaphore(%arg12 : memref<!tpu.dma_semaphore, #tpu.memory_space<semaphore_mem>>) src(%dma_wait3A_277 : memref<400000x32xbf16, #tpu.memory_space<hbm>>) dst(%dma_wait3A_271 : memref<128x32xbf16, #tpu.memory_space<vmem>>)
          %dma_wait3A_278 = arith.constant 1 : i32
          %dma_wait3A_279 = arith.constant 0 : i32
          %dma_wait3A_280 = arith.constant 0 : i32
          %dma_wait3A_281 = tpu.memref_slice %arg9[%dma_wait3A_278, %dma_wait3A_279, %dma_wait3A_280] : memref<8x128x32xbf16, #tpu.memory_space<vmem>> -> memref<1x128x32xbf16, #tpu.memory_space<vmem>>
          %dma_wait3A_282 = tpu.memref_squeeze %dma_wait3A_281 : memref<1x128x32xbf16, #tpu.memory_space<vmem>> -> memref<128x32xbf16, #tpu.memory_space<vmem>>
          %dma_wait3A_283 = arith.constant 0 : i32
          %dma_wait3A_284 = tpu.memref_slice %arg7[%add3A_172, %dma_wait3A_283] : memref<56x128xi32, #tpu.memory_space<vmem>> -> memref<1x128xi32, #tpu.memory_space<vmem>>
          %dma_wait3A_285 = tpu.memref_squeeze %dma_wait3A_284 : memref<1x128xi32, #tpu.memory_space<vmem>> -> memref<128xi32, #tpu.memory_space<vmem>>
          %dma_wait3A_286 = arith.constant 0 : i32
          %dma_wait3A_287 = arith.constant 0 : i32
          %dma_wait3A_288 = tpu.memref_slice %arg2[%dma_wait3A_286, %dma_wait3A_287] : memref<400000x32xbf16, #tpu.memory_space<hbm>> -> memref<400000x32xbf16, #tpu.memory_space<hbm>>
          tpu.wait_indirect_dma semaphore(%arg12 : memref<!tpu.dma_semaphore, #tpu.memory_space<semaphore_mem>>) src(%dma_wait3A_288 : memref<400000x32xbf16, #tpu.memory_space<hbm>>) dst(%dma_wait3A_282 : memref<128x32xbf16, #tpu.memory_space<vmem>>)
          %dma_wait3A_289 = arith.constant 2 : i32
          %dma_wait3A_290 = arith.constant 0 : i32
          %dma_wait3A_291 = arith.constant 0 : i32
          %dma_wait3A_292 = tpu.memref_slice %arg9[%dma_wait3A_289, %dma_wait3A_290, %dma_wait3A_291] : memref<8x128x32xbf16, #tpu.memory_space<vmem>> -> memref<1x128x32xbf16, #tpu.memory_space<vmem>>
          %dma_wait3A_293 = tpu.memref_squeeze %dma_wait3A_292 : memref<1x128x32xbf16, #tpu.memory_space<vmem>> -> memref<128x32xbf16, #tpu.memory_space<vmem>>
          %dma_wait3A_294 = arith.constant 0 : i32
          %dma_wait3A_295 = tpu.memref_slice %arg7[%add3A_185, %dma_wait3A_294] : memref<56x128xi32, #tpu.memory_space<vmem>> -> memref<1x128xi32, #tpu.memory_space<vmem>>
          %dma_wait3A_296 = tpu.memref_squeeze %dma_wait3A_295 : memref<1x128xi32, #tpu.memory_space<vmem>> -> memref<128xi32, #tpu.memory_space<vmem>>
          %dma_wait3A_297 = arith.constant 0 : i32
          %dma_wait3A_298 = arith.constant 0 : i32
          %dma_wait3A_299 = tpu.memref_slice %arg2[%dma_wait3A_297, %dma_wait3A_298] : memref<400000x32xbf16, #tpu.memory_space<hbm>> -> memref<400000x32xbf16, #tpu.memory_space<hbm>>
          tpu.wait_indirect_dma semaphore(%arg12 : memref<!tpu.dma_semaphore, #tpu.memory_space<semaphore_mem>>) src(%dma_wait3A_299 : memref<400000x32xbf16, #tpu.memory_space<hbm>>) dst(%dma_wait3A_293 : memref<128x32xbf16, #tpu.memory_space<vmem>>)
          %dma_wait3A_300 = arith.constant 3 : i32
          %dma_wait3A_301 = arith.constant 0 : i32
          %dma_wait3A_302 = arith.constant 0 : i32
          %dma_wait3A_303 = tpu.memref_slice %arg9[%dma_wait3A_300, %dma_wait3A_301, %dma_wait3A_302] : memref<8x128x32xbf16, #tpu.memory_space<vmem>> -> memref<1x128x32xbf16, #tpu.memory_space<vmem>>
          %dma_wait3A_304 = tpu.memref_squeeze %dma_wait3A_303 : memref<1x128x32xbf16, #tpu.memory_space<vmem>> -> memref<128x32xbf16, #tpu.memory_space<vmem>>
          %dma_wait3A_305 = arith.constant 0 : i32
          %dma_wait3A_306 = tpu.memref_slice %arg7[%add3A_198, %dma_wait3A_305] : memref<56x128xi32, #tpu.memory_space<vmem>> -> memref<1x128xi32, #tpu.memory_space<vmem>>
          %dma_wait3A_307 = tpu.memref_squeeze %dma_wait3A_306 : memref<1x128xi32, #tpu.memory_space<vmem>> -> memref<128xi32, #tpu.memory_space<vmem>>
          %dma_wait3A_308 = arith.constant 0 : i32
          %dma_wait3A_309 = arith.constant 0 : i32
          %dma_wait3A_310 = tpu.memref_slice %arg2[%dma_wait3A_308, %dma_wait3A_309] : memref<400000x32xbf16, #tpu.memory_space<hbm>> -> memref<400000x32xbf16, #tpu.memory_space<hbm>>
          tpu.wait_indirect_dma semaphore(%arg12 : memref<!tpu.dma_semaphore, #tpu.memory_space<semaphore_mem>>) src(%dma_wait3A_310 : memref<400000x32xbf16, #tpu.memory_space<hbm>>) dst(%dma_wait3A_304 : memref<128x32xbf16, #tpu.memory_space<vmem>>)
          %add3A_311 = arith.constant 0 : i32
          %add3A_312 = arith.addi %mul3A_151, %add3A_311 : i32
          %dma_start3A_313 = arith.constant 0 : i32
          %dma_start3A_314 = arith.constant 0 : i32
          %dma_start3A_315 = arith.constant 0 : i32
          %dma_start3A_316 = tpu.memref_slice %arg9[%dma_start3A_313, %dma_start3A_314, %dma_start3A_315] : memref<8x128x32xbf16, #tpu.memory_space<vmem>> -> memref<1x128x32xbf16, #tpu.memory_space<vmem>>
          %dma_start3A_317 = tpu.memref_squeeze %dma_start3A_316 : memref<1x128x32xbf16, #tpu.memory_space<vmem>> -> memref<128x32xbf16, #tpu.memory_space<vmem>>
          %dma_start3A_318 = arith.constant 0 : i32
          %dma_start3A_319 = tpu.memref_slice %arg8[%add3A_312, %dma_start3A_318] : memref<56x128xi32, #tpu.memory_space<vmem>> -> memref<1x128xi32, #tpu.memory_space<vmem>>
          %dma_start3A_320 = tpu.memref_squeeze %dma_start3A_319 : memref<1x128xi32, #tpu.memory_space<vmem>> -> memref<128xi32, #tpu.memory_space<vmem>>
          %dma_start3A_321 = arith.constant 0 : i32
          %dma_start3A_322 = arith.constant 0 : i32
          %dma_start3A_323 = tpu.memref_slice %arg11[%dma_start3A_321, %dma_start3A_322] : memref<50176x32xbf16, #tpu.memory_space<vmem_shared>> -> memref<50176x32xbf16, #tpu.memory_space<vmem_shared>>
          tpu.enqueue_indirect_dma source(%dma_start3A_317 : memref<128x32xbf16, #tpu.memory_space<vmem>>) target(%dma_start3A_323 : memref<50176x32xbf16, #tpu.memory_space<vmem_shared>>) offsets(%dma_start3A_320 : memref<128xi32, #tpu.memory_space<vmem>>) semaphore(%arg14 : memref<!tpu.dma_semaphore, #tpu.memory_space<semaphore_mem>>) {add = true}
          %add3A_324 = arith.constant 1 : i32
          %add3A_325 = arith.addi %mul3A_151, %add3A_324 : i32
          %dma_start3A_326 = arith.constant 1 : i32
          %dma_start3A_327 = arith.constant 0 : i32
          %dma_start3A_328 = arith.constant 0 : i32
          %dma_start3A_329 = tpu.memref_slice %arg9[%dma_start3A_326, %dma_start3A_327, %dma_start3A_328] : memref<8x128x32xbf16, #tpu.memory_space<vmem>> -> memref<1x128x32xbf16, #tpu.memory_space<vmem>>
          %dma_start3A_330 = tpu.memref_squeeze %dma_start3A_329 : memref<1x128x32xbf16, #tpu.memory_space<vmem>> -> memref<128x32xbf16, #tpu.memory_space<vmem>>
          %dma_start3A_331 = arith.constant 0 : i32
          %dma_start3A_332 = tpu.memref_slice %arg8[%add3A_325, %dma_start3A_331] : memref<56x128xi32, #tpu.memory_space<vmem>> -> memref<1x128xi32, #tpu.memory_space<vmem>>
          %dma_start3A_333 = tpu.memref_squeeze %dma_start3A_332 : memref<1x128xi32, #tpu.memory_space<vmem>> -> memref<128xi32, #tpu.memory_space<vmem>>
          %dma_start3A_334 = arith.constant 0 : i32
          %dma_start3A_335 = arith.constant 0 : i32
          %dma_start3A_336 = tpu.memref_slice %arg11[%dma_start3A_334, %dma_start3A_335] : memref<50176x32xbf16, #tpu.memory_space<vmem_shared>> -> memref<50176x32xbf16, #tpu.memory_space<vmem_shared>>
          tpu.enqueue_indirect_dma source(%dma_start3A_330 : memref<128x32xbf16, #tpu.memory_space<vmem>>) target(%dma_start3A_336 : memref<50176x32xbf16, #tpu.memory_space<vmem_shared>>) offsets(%dma_start3A_333 : memref<128xi32, #tpu.memory_space<vmem>>) semaphore(%arg14 : memref<!tpu.dma_semaphore, #tpu.memory_space<semaphore_mem>>) {add = true}
          %add3A_337 = arith.constant 2 : i32
          %add3A_338 = arith.addi %mul3A_151, %add3A_337 : i32
          %dma_start3A_339 = arith.constant 2 : i32
          %dma_start3A_340 = arith.constant 0 : i32
          %dma_start3A_341 = arith.constant 0 : i32
          %dma_start3A_342 = tpu.memref_slice %arg9[%dma_start3A_339, %dma_start3A_340, %dma_start3A_341] : memref<8x128x32xbf16, #tpu.memory_space<vmem>> -> memref<1x128x32xbf16, #tpu.memory_space<vmem>>
          %dma_start3A_343 = tpu.memref_squeeze %dma_start3A_342 : memref<1x128x32xbf16, #tpu.memory_space<vmem>> -> memref<128x32xbf16, #tpu.memory_space<vmem>>
          %dma_start3A_344 = arith.constant 0 : i32
          %dma_start3A_345 = tpu.memref_slice %arg8[%add3A_338, %dma_start3A_344] : memref<56x128xi32, #tpu.memory_space<vmem>> -> memref<1x128xi32, #tpu.memory_space<vmem>>
          %dma_start3A_346 = tpu.memref_squeeze %dma_start3A_345 : memref<1x128xi32, #tpu.memory_space<vmem>> -> memref<128xi32, #tpu.memory_space<vmem>>
          %dma_start3A_347 = arith.constant 0 : i32
          %dma_start3A_348 = arith.constant 0 : i32
          %dma_start3A_349 = tpu.memref_slice %arg11[%dma_start3A_347, %dma_start3A_348] : memref<50176x32xbf16, #tpu.memory_space<vmem_shared>> -> memref<50176x32xbf16, #tpu.memory_space<vmem_shared>>
          tpu.enqueue_indirect_dma source(%dma_start3A_343 : memref<128x32xbf16, #tpu.memory_space<vmem>>) target(%dma_start3A_349 : memref<50176x32xbf16, #tpu.memory_space<vmem_shared>>) offsets(%dma_start3A_346 : memref<128xi32, #tpu.memory_space<vmem>>) semaphore(%arg14 : memref<!tpu.dma_semaphore, #tpu.memory_space<semaphore_mem>>) {add = true}
          %add3A_350 = arith.constant 3 : i32
          %add3A_351 = arith.addi %mul3A_151, %add3A_350 : i32
          %dma_start3A_352 = arith.constant 3 : i32
          %dma_start3A_353 = arith.constant 0 : i32
          %dma_start3A_354 = arith.constant 0 : i32
          %dma_start3A_355 = tpu.memref_slice %arg9[%dma_start3A_352, %dma_start3A_353, %dma_start3A_354] : memref<8x128x32xbf16, #tpu.memory_space<vmem>> -> memref<1x128x32xbf16, #tpu.memory_space<vmem>>
          %dma_start3A_356 = tpu.memref_squeeze %dma_start3A_355 : memref<1x128x32xbf16, #tpu.memory_space<vmem>> -> memref<128x32xbf16, #tpu.memory_space<vmem>>
          %dma_start3A_357 = arith.constant 0 : i32
          %dma_start3A_358 = tpu.memref_slice %arg8[%add3A_351, %dma_start3A_357] : memref<56x128xi32, #tpu.memory_space<vmem>> -> memref<1x128xi32, #tpu.memory_space<vmem>>
          %dma_start3A_359 = tpu.memref_squeeze %dma_start3A_358 : memref<1x128xi32, #tpu.memory_space<vmem>> -> memref<128xi32, #tpu.memory_space<vmem>>
          %dma_start3A_360 = arith.constant 0 : i32
          %dma_start3A_361 = arith.constant 0 : i32
          %dma_start3A_362 = tpu.memref_slice %arg11[%dma_start3A_360, %dma_start3A_361] : memref<50176x32xbf16, #tpu.memory_space<vmem_shared>> -> memref<50176x32xbf16, #tpu.memory_space<vmem_shared>>
          tpu.enqueue_indirect_dma source(%dma_start3A_356 : memref<128x32xbf16, #tpu.memory_space<vmem>>) target(%dma_start3A_362 : memref<50176x32xbf16, #tpu.memory_space<vmem_shared>>) offsets(%dma_start3A_359 : memref<128xi32, #tpu.memory_space<vmem>>) semaphore(%arg14 : memref<!tpu.dma_semaphore, #tpu.memory_space<semaphore_mem>>) {add = true}
          %dma_wait3A_363 = arith.constant 4 : i32
          %dma_wait3A_364 = arith.constant 0 : i32
          %dma_wait3A_365 = arith.constant 0 : i32
          %dma_wait3A_366 = tpu.memref_slice %arg9[%dma_wait3A_363, %dma_wait3A_364, %dma_wait3A_365] : memref<8x128x32xbf16, #tpu.memory_space<vmem>> -> memref<1x128x32xbf16, #tpu.memory_space<vmem>>
          %dma_wait3A_367 = tpu.memref_squeeze %dma_wait3A_366 : memref<1x128x32xbf16, #tpu.memory_space<vmem>> -> memref<128x32xbf16, #tpu.memory_space<vmem>>
          %dma_wait3A_368 = arith.constant 0 : i32
          %dma_wait3A_369 = tpu.memref_slice %arg7[%add3A_216, %dma_wait3A_368] : memref<56x128xi32, #tpu.memory_space<vmem>> -> memref<1x128xi32, #tpu.memory_space<vmem>>
          %dma_wait3A_370 = tpu.memref_squeeze %dma_wait3A_369 : memref<1x128xi32, #tpu.memory_space<vmem>> -> memref<128xi32, #tpu.memory_space<vmem>>
          %dma_wait3A_371 = arith.constant 0 : i32
          %dma_wait3A_372 = arith.constant 0 : i32
          %dma_wait3A_373 = tpu.memref_slice %arg2[%dma_wait3A_371, %dma_wait3A_372] : memref<400000x32xbf16, #tpu.memory_space<hbm>> -> memref<400000x32xbf16, #tpu.memory_space<hbm>>
          tpu.wait_indirect_dma semaphore(%arg13 : memref<!tpu.dma_semaphore, #tpu.memory_space<semaphore_mem>>) src(%dma_wait3A_373 : memref<400000x32xbf16, #tpu.memory_space<hbm>>) dst(%dma_wait3A_367 : memref<128x32xbf16, #tpu.memory_space<vmem>>)
          %dma_wait3A_374 = arith.constant 5 : i32
          %dma_wait3A_375 = arith.constant 0 : i32
          %dma_wait3A_376 = arith.constant 0 : i32
          %dma_wait3A_377 = tpu.memref_slice %arg9[%dma_wait3A_374, %dma_wait3A_375, %dma_wait3A_376] : memref<8x128x32xbf16, #tpu.memory_space<vmem>> -> memref<1x128x32xbf16, #tpu.memory_space<vmem>>
          %dma_wait3A_378 = tpu.memref_squeeze %dma_wait3A_377 : memref<1x128x32xbf16, #tpu.memory_space<vmem>> -> memref<128x32xbf16, #tpu.memory_space<vmem>>
          %dma_wait3A_379 = arith.constant 0 : i32
          %dma_wait3A_380 = tpu.memref_slice %arg7[%add3A_229, %dma_wait3A_379] : memref<56x128xi32, #tpu.memory_space<vmem>> -> memref<1x128xi32, #tpu.memory_space<vmem>>
          %dma_wait3A_381 = tpu.memref_squeeze %dma_wait3A_380 : memref<1x128xi32, #tpu.memory_space<vmem>> -> memref<128xi32, #tpu.memory_space<vmem>>
          %dma_wait3A_382 = arith.constant 0 : i32
          %dma_wait3A_383 = arith.constant 0 : i32
          %dma_wait3A_384 = tpu.memref_slice %arg2[%dma_wait3A_382, %dma_wait3A_383] : memref<400000x32xbf16, #tpu.memory_space<hbm>> -> memref<400000x32xbf16, #tpu.memory_space<hbm>>
          tpu.wait_indirect_dma semaphore(%arg13 : memref<!tpu.dma_semaphore, #tpu.memory_space<semaphore_mem>>) src(%dma_wait3A_384 : memref<400000x32xbf16, #tpu.memory_space<hbm>>) dst(%dma_wait3A_378 : memref<128x32xbf16, #tpu.memory_space<vmem>>)
          %dma_wait3A_385 = arith.constant 6 : i32
          %dma_wait3A_386 = arith.constant 0 : i32
          %dma_wait3A_387 = arith.constant 0 : i32
          %dma_wait3A_388 = tpu.memref_slice %arg9[%dma_wait3A_385, %dma_wait3A_386, %dma_wait3A_387] : memref<8x128x32xbf16, #tpu.memory_space<vmem>> -> memref<1x128x32xbf16, #tpu.memory_space<vmem>>
          %dma_wait3A_389 = tpu.memref_squeeze %dma_wait3A_388 : memref<1x128x32xbf16, #tpu.memory_space<vmem>> -> memref<128x32xbf16, #tpu.memory_space<vmem>>
          %dma_wait3A_390 = arith.constant 0 : i32
          %dma_wait3A_391 = tpu.memref_slice %arg7[%add3A_242, %dma_wait3A_390] : memref<56x128xi32, #tpu.memory_space<vmem>> -> memref<1x128xi32, #tpu.memory_space<vmem>>
          %dma_wait3A_392 = tpu.memref_squeeze %dma_wait3A_391 : memref<1x128xi32, #tpu.memory_space<vmem>> -> memref<128xi32, #tpu.memory_space<vmem>>
          %dma_wait3A_393 = arith.constant 0 : i32
          %dma_wait3A_394 = arith.constant 0 : i32
          %dma_wait3A_395 = tpu.memref_slice %arg2[%dma_wait3A_393, %dma_wait3A_394] : memref<400000x32xbf16, #tpu.memory_space<hbm>> -> memref<400000x32xbf16, #tpu.memory_space<hbm>>
          tpu.wait_indirect_dma semaphore(%arg13 : memref<!tpu.dma_semaphore, #tpu.memory_space<semaphore_mem>>) src(%dma_wait3A_395 : memref<400000x32xbf16, #tpu.memory_space<hbm>>) dst(%dma_wait3A_389 : memref<128x32xbf16, #tpu.memory_space<vmem>>)
          %dma_wait3A_396 = arith.constant 7 : i32
          %dma_wait3A_397 = arith.constant 0 : i32
          %dma_wait3A_398 = arith.constant 0 : i32
          %dma_wait3A_399 = tpu.memref_slice %arg9[%dma_wait3A_396, %dma_wait3A_397, %dma_wait3A_398] : memref<8x128x32xbf16, #tpu.memory_space<vmem>> -> memref<1x128x32xbf16, #tpu.memory_space<vmem>>
          %dma_wait3A_400 = tpu.memref_squeeze %dma_wait3A_399 : memref<1x128x32xbf16, #tpu.memory_space<vmem>> -> memref<128x32xbf16, #tpu.memory_space<vmem>>
          %dma_wait3A_401 = arith.constant 0 : i32
          %dma_wait3A_402 = tpu.memref_slice %arg7[%add3A_255, %dma_wait3A_401] : memref<56x128xi32, #tpu.memory_space<vmem>> -> memref<1x128xi32, #tpu.memory_space<vmem>>
          %dma_wait3A_403 = tpu.memref_squeeze %dma_wait3A_402 : memref<1x128xi32, #tpu.memory_space<vmem>> -> memref<128xi32, #tpu.memory_space<vmem>>
          %dma_wait3A_404 = arith.constant 0 : i32
          %dma_wait3A_405 = arith.constant 0 : i32
          %dma_wait3A_406 = tpu.memref_slice %arg2[%dma_wait3A_404, %dma_wait3A_405] : memref<400000x32xbf16, #tpu.memory_space<hbm>> -> memref<400000x32xbf16, #tpu.memory_space<hbm>>
          tpu.wait_indirect_dma semaphore(%arg13 : memref<!tpu.dma_semaphore, #tpu.memory_space<semaphore_mem>>) src(%dma_wait3A_406 : memref<400000x32xbf16, #tpu.memory_space<hbm>>) dst(%dma_wait3A_400 : memref<128x32xbf16, #tpu.memory_space<vmem>>)
          %add3A_407 = arith.constant 0 : i32
          %add3A_408 = arith.addi %add3A_153, %add3A_407 : i32
          %dma_start3A_409 = arith.constant 4 : i32
          %dma_start3A_410 = arith.constant 0 : i32
          %dma_start3A_411 = arith.constant 0 : i32
          %dma_start3A_412 = tpu.memref_slice %arg9[%dma_start3A_409, %dma_start3A_410, %dma_start3A_411] : memref<8x128x32xbf16, #tpu.memory_space<vmem>> -> memref<1x128x32xbf16, #tpu.memory_space<vmem>>
          %dma_start3A_413 = tpu.memref_squeeze %dma_start3A_412 : memref<1x128x32xbf16, #tpu.memory_space<vmem>> -> memref<128x32xbf16, #tpu.memory_space<vmem>>
          %dma_start3A_414 = arith.constant 0 : i32
          %dma_start3A_415 = tpu.memref_slice %arg8[%add3A_408, %dma_start3A_414] : memref<56x128xi32, #tpu.memory_space<vmem>> -> memref<1x128xi32, #tpu.memory_space<vmem>>
          %dma_start3A_416 = tpu.memref_squeeze %dma_start3A_415 : memref<1x128xi32, #tpu.memory_space<vmem>> -> memref<128xi32, #tpu.memory_space<vmem>>
          %dma_start3A_417 = arith.constant 0 : i32
          %dma_start3A_418 = arith.constant 0 : i32
          %dma_start3A_419 = tpu.memref_slice %arg11[%dma_start3A_417, %dma_start3A_418] : memref<50176x32xbf16, #tpu.memory_space<vmem_shared>> -> memref<50176x32xbf16, #tpu.memory_space<vmem_shared>>
          tpu.enqueue_indirect_dma source(%dma_start3A_413 : memref<128x32xbf16, #tpu.memory_space<vmem>>) target(%dma_start3A_419 : memref<50176x32xbf16, #tpu.memory_space<vmem_shared>>) offsets(%dma_start3A_416 : memref<128xi32, #tpu.memory_space<vmem>>) semaphore(%arg15 : memref<!tpu.dma_semaphore, #tpu.memory_space<semaphore_mem>>) {add = true}
          %add3A_420 = arith.constant 1 : i32
          %add3A_421 = arith.addi %add3A_153, %add3A_420 : i32
          %dma_start3A_422 = arith.constant 5 : i32
          %dma_start3A_423 = arith.constant 0 : i32
          %dma_start3A_424 = arith.constant 0 : i32
          %dma_start3A_425 = tpu.memref_slice %arg9[%dma_start3A_422, %dma_start3A_423, %dma_start3A_424] : memref<8x128x32xbf16, #tpu.memory_space<vmem>> -> memref<1x128x32xbf16, #tpu.memory_space<vmem>>
          %dma_start3A_426 = tpu.memref_squeeze %dma_start3A_425 : memref<1x128x32xbf16, #tpu.memory_space<vmem>> -> memref<128x32xbf16, #tpu.memory_space<vmem>>
          %dma_start3A_427 = arith.constant 0 : i32
          %dma_start3A_428 = tpu.memref_slice %arg8[%add3A_421, %dma_start3A_427] : memref<56x128xi32, #tpu.memory_space<vmem>> -> memref<1x128xi32, #tpu.memory_space<vmem>>
          %dma_start3A_429 = tpu.memref_squeeze %dma_start3A_428 : memref<1x128xi32, #tpu.memory_space<vmem>> -> memref<128xi32, #tpu.memory_space<vmem>>
          %dma_start3A_430 = arith.constant 0 : i32
          %dma_start3A_431 = arith.constant 0 : i32
          %dma_start3A_432 = tpu.memref_slice %arg11[%dma_start3A_430, %dma_start3A_431] : memref<50176x32xbf16, #tpu.memory_space<vmem_shared>> -> memref<50176x32xbf16, #tpu.memory_space<vmem_shared>>
          tpu.enqueue_indirect_dma source(%dma_start3A_426 : memref<128x32xbf16, #tpu.memory_space<vmem>>) target(%dma_start3A_432 : memref<50176x32xbf16, #tpu.memory_space<vmem_shared>>) offsets(%dma_start3A_429 : memref<128xi32, #tpu.memory_space<vmem>>) semaphore(%arg15 : memref<!tpu.dma_semaphore, #tpu.memory_space<semaphore_mem>>) {add = true}
          %add3A_433 = arith.constant 2 : i32
          %add3A_434 = arith.addi %add3A_153, %add3A_433 : i32
          %dma_start3A_435 = arith.constant 6 : i32
          %dma_start3A_436 = arith.constant 0 : i32
          %dma_start3A_437 = arith.constant 0 : i32
          %dma_start3A_438 = tpu.memref_slice %arg9[%dma_start3A_435, %dma_start3A_436, %dma_start3A_437] : memref<8x128x32xbf16, #tpu.memory_space<vmem>> -> memref<1x128x32xbf16, #tpu.memory_space<vmem>>
          %dma_start3A_439 = tpu.memref_squeeze %dma_start3A_438 : memref<1x128x32xbf16, #tpu.memory_space<vmem>> -> memref<128x32xbf16, #tpu.memory_space<vmem>>
          %dma_start3A_440 = arith.constant 0 : i32
          %dma_start3A_441 = tpu.memref_slice %arg8[%add3A_434, %dma_start3A_440] : memref<56x128xi32, #tpu.memory_space<vmem>> -> memref<1x128xi32, #tpu.memory_space<vmem>>
          %dma_start3A_442 = tpu.memref_squeeze %dma_start3A_441 : memref<1x128xi32, #tpu.memory_space<vmem>> -> memref<128xi32, #tpu.memory_space<vmem>>
          %dma_start3A_443 = arith.constant 0 : i32
          %dma_start3A_444 = arith.constant 0 : i32
          %dma_start3A_445 = tpu.memref_slice %arg11[%dma_start3A_443, %dma_start3A_444] : memref<50176x32xbf16, #tpu.memory_space<vmem_shared>> -> memref<50176x32xbf16, #tpu.memory_space<vmem_shared>>
          tpu.enqueue_indirect_dma source(%dma_start3A_439 : memref<128x32xbf16, #tpu.memory_space<vmem>>) target(%dma_start3A_445 : memref<50176x32xbf16, #tpu.memory_space<vmem_shared>>) offsets(%dma_start3A_442 : memref<128xi32, #tpu.memory_space<vmem>>) semaphore(%arg15 : memref<!tpu.dma_semaphore, #tpu.memory_space<semaphore_mem>>) {add = true}
          %add3A_446 = arith.constant 3 : i32
          %add3A_447 = arith.addi %add3A_153, %add3A_446 : i32
          %dma_start3A_448 = arith.constant 7 : i32
          %dma_start3A_449 = arith.constant 0 : i32
          %dma_start3A_450 = arith.constant 0 : i32
          %dma_start3A_451 = tpu.memref_slice %arg9[%dma_start3A_448, %dma_start3A_449, %dma_start3A_450] : memref<8x128x32xbf16, #tpu.memory_space<vmem>> -> memref<1x128x32xbf16, #tpu.memory_space<vmem>>
          %dma_start3A_452 = tpu.memref_squeeze %dma_start3A_451 : memref<1x128x32xbf16, #tpu.memory_space<vmem>> -> memref<128x32xbf16, #tpu.memory_space<vmem>>
          %dma_start3A_453 = arith.constant 0 : i32
          %dma_start3A_454 = tpu.memref_slice %arg8[%add3A_447, %dma_start3A_453] : memref<56x128xi32, #tpu.memory_space<vmem>> -> memref<1x128xi32, #tpu.memory_space<vmem>>
          %dma_start3A_455 = tpu.memref_squeeze %dma_start3A_454 : memref<1x128xi32, #tpu.memory_space<vmem>> -> memref<128xi32, #tpu.memory_space<vmem>>
          %dma_start3A_456 = arith.constant 0 : i32
          %dma_start3A_457 = arith.constant 0 : i32
          %dma_start3A_458 = tpu.memref_slice %arg11[%dma_start3A_456, %dma_start3A_457] : memref<50176x32xbf16, #tpu.memory_space<vmem_shared>> -> memref<50176x32xbf16, #tpu.memory_space<vmem_shared>>
          tpu.enqueue_indirect_dma source(%dma_start3A_452 : memref<128x32xbf16, #tpu.memory_space<vmem>>) target(%dma_start3A_458 : memref<50176x32xbf16, #tpu.memory_space<vmem_shared>>) offsets(%dma_start3A_455 : memref<128xi32, #tpu.memory_space<vmem>>) semaphore(%arg15 : memref<!tpu.dma_semaphore, #tpu.memory_space<semaphore_mem>>) {add = true}
          %scan3A_459 = arith.constant 0 : i32
          scf.yield %scan3A_459 : i32
        }
        %scan3A_145 = arith.constant 7 : i32
        scf.yield %scan3A_144 : i32
      }
      %scan3A_34 = arith.constant 7 : i32
      %dma_wait3A = arith.constant 0 : i32
      %dma_wait3A_35 = arith.constant 0 : i32
      %dma_wait3A_36 = arith.constant 0 : i32
      %dma_wait3A_37 = arith.constant 0 : i32
      %dma_wait3A_38 = tpu.memref_slice %arg9[%dma_wait3A, %dma_wait3A_36, %dma_wait3A_37] : memref<8x128x32xbf16, #tpu.memory_space<vmem>> -> memref<1x128x32xbf16, #tpu.memory_space<vmem>>
      %dma_wait3A_39 = tpu.memref_squeeze %dma_wait3A_38 : memref<1x128x32xbf16, #tpu.memory_space<vmem>> -> memref<128x32xbf16, #tpu.memory_space<vmem>>
      %dma_wait3A_40 = arith.constant 0 : i32
      %dma_wait3A_41 = tpu.memref_slice %arg8[%dma_wait3A_35, %dma_wait3A_40] : memref<56x128xi32, #tpu.memory_space<vmem>> -> memref<1x128xi32, #tpu.memory_space<vmem>>
      %dma_wait3A_42 = tpu.memref_squeeze %dma_wait3A_41 : memref<1x128xi32, #tpu.memory_space<vmem>> -> memref<128xi32, #tpu.memory_space<vmem>>
      %dma_wait3A_43 = arith.constant 0 : i32
      %dma_wait3A_44 = arith.constant 0 : i32
      %dma_wait3A_45 = tpu.memref_slice %arg11[%dma_wait3A_43, %dma_wait3A_44] : memref<50176x32xbf16, #tpu.memory_space<vmem_shared>> -> memref<50176x32xbf16, #tpu.memory_space<vmem_shared>>
      tpu.wait_indirect_dma semaphore(%arg14 : memref<!tpu.dma_semaphore, #tpu.memory_space<semaphore_mem>>) src(%dma_wait3A_39 : memref<128x32xbf16, #tpu.memory_space<vmem>>) dst(%dma_wait3A_45 : memref<50176x32xbf16, #tpu.memory_space<vmem_shared>>)
      %dma_wait3A_46 = arith.constant 0 : i32
      %dma_wait3A_47 = arith.constant 0 : i32
      %dma_wait3A_48 = arith.constant 0 : i32
      %dma_wait3A_49 = arith.constant 0 : i32
      %dma_wait3A_50 = tpu.memref_slice %arg9[%dma_wait3A_46, %dma_wait3A_48, %dma_wait3A_49] : memref<8x128x32xbf16, #tpu.memory_space<vmem>> -> memref<1x128x32xbf16, #tpu.memory_space<vmem>>
      %dma_wait3A_51 = tpu.memref_squeeze %dma_wait3A_50 : memref<1x128x32xbf16, #tpu.memory_space<vmem>> -> memref<128x32xbf16, #tpu.memory_space<vmem>>
      %dma_wait3A_52 = arith.constant 0 : i32
      %dma_wait3A_53 = tpu.memref_slice %arg8[%dma_wait3A_47, %dma_wait3A_52] : memref<56x128xi32, #tpu.memory_space<vmem>> -> memref<1x128xi32, #tpu.memory_space<vmem>>
      %dma_wait3A_54 = tpu.memref_squeeze %dma_wait3A_53 : memref<1x128xi32, #tpu.memory_space<vmem>> -> memref<128xi32, #tpu.memory_space<vmem>>
      %dma_wait3A_55 = arith.constant 0 : i32
      %dma_wait3A_56 = arith.constant 0 : i32
      %dma_wait3A_57 = tpu.memref_slice %arg11[%dma_wait3A_55, %dma_wait3A_56] : memref<50176x32xbf16, #tpu.memory_space<vmem_shared>> -> memref<50176x32xbf16, #tpu.memory_space<vmem_shared>>
      tpu.wait_indirect_dma semaphore(%arg14 : memref<!tpu.dma_semaphore, #tpu.memory_space<semaphore_mem>>) src(%dma_wait3A_51 : memref<128x32xbf16, #tpu.memory_space<vmem>>) dst(%dma_wait3A_57 : memref<50176x32xbf16, #tpu.memory_space<vmem_shared>>)
      %dma_wait3A_58 = arith.constant 0 : i32
      %dma_wait3A_59 = arith.constant 0 : i32
      %dma_wait3A_60 = arith.constant 0 : i32
      %dma_wait3A_61 = arith.constant 0 : i32
      %dma_wait3A_62 = tpu.memref_slice %arg9[%dma_wait3A_58, %dma_wait3A_60, %dma_wait3A_61] : memref<8x128x32xbf16, #tpu.memory_space<vmem>> -> memref<1x128x32xbf16, #tpu.memory_space<vmem>>
      %dma_wait3A_63 = tpu.memref_squeeze %dma_wait3A_62 : memref<1x128x32xbf16, #tpu.memory_space<vmem>> -> memref<128x32xbf16, #tpu.memory_space<vmem>>
      %dma_wait3A_64 = arith.constant 0 : i32
      %dma_wait3A_65 = tpu.memref_slice %arg8[%dma_wait3A_59, %dma_wait3A_64] : memref<56x128xi32, #tpu.memory_space<vmem>> -> memref<1x128xi32, #tpu.memory_space<vmem>>
      %dma_wait3A_66 = tpu.memref_squeeze %dma_wait3A_65 : memref<1x128xi32, #tpu.memory_space<vmem>> -> memref<128xi32, #tpu.memory_space<vmem>>
      %dma_wait3A_67 = arith.constant 0 : i32
      %dma_wait3A_68 = arith.constant 0 : i32
      %dma_wait3A_69 = tpu.memref_slice %arg11[%dma_wait3A_67, %dma_wait3A_68] : memref<50176x32xbf16, #tpu.memory_space<vmem_shared>> -> memref<50176x32xbf16, #tpu.memory_space<vmem_shared>>
      tpu.wait_indirect_dma semaphore(%arg14 : memref<!tpu.dma_semaphore, #tpu.memory_space<semaphore_mem>>) src(%dma_wait3A_63 : memref<128x32xbf16, #tpu.memory_space<vmem>>) dst(%dma_wait3A_69 : memref<50176x32xbf16, #tpu.memory_space<vmem_shared>>)
      %dma_wait3A_70 = arith.constant 0 : i32
      %dma_wait3A_71 = arith.constant 0 : i32
      %dma_wait3A_72 = arith.constant 0 : i32
      %dma_wait3A_73 = arith.constant 0 : i32
      %dma_wait3A_74 = tpu.memref_slice %arg9[%dma_wait3A_70, %dma_wait3A_72, %dma_wait3A_73] : memref<8x128x32xbf16, #tpu.memory_space<vmem>> -> memref<1x128x32xbf16, #tpu.memory_space<vmem>>
      %dma_wait3A_75 = tpu.memref_squeeze %dma_wait3A_74 : memref<1x128x32xbf16, #tpu.memory_space<vmem>> -> memref<128x32xbf16, #tpu.memory_space<vmem>>
      %dma_wait3A_76 = arith.constant 0 : i32
      %dma_wait3A_77 = tpu.memref_slice %arg8[%dma_wait3A_71, %dma_wait3A_76] : memref<56x128xi32, #tpu.memory_space<vmem>> -> memref<1x128xi32, #tpu.memory_space<vmem>>
      %dma_wait3A_78 = tpu.memref_squeeze %dma_wait3A_77 : memref<1x128xi32, #tpu.memory_space<vmem>> -> memref<128xi32, #tpu.memory_space<vmem>>
      %dma_wait3A_79 = arith.constant 0 : i32
      %dma_wait3A_80 = arith.constant 0 : i32
      %dma_wait3A_81 = tpu.memref_slice %arg11[%dma_wait3A_79, %dma_wait3A_80] : memref<50176x32xbf16, #tpu.memory_space<vmem_shared>> -> memref<50176x32xbf16, #tpu.memory_space<vmem_shared>>
      tpu.wait_indirect_dma semaphore(%arg14 : memref<!tpu.dma_semaphore, #tpu.memory_space<semaphore_mem>>) src(%dma_wait3A_75 : memref<128x32xbf16, #tpu.memory_space<vmem>>) dst(%dma_wait3A_81 : memref<50176x32xbf16, #tpu.memory_space<vmem_shared>>)
      %dma_wait3A_82 = arith.constant 0 : i32
      %dma_wait3A_83 = arith.constant 0 : i32
      %dma_wait3A_84 = arith.constant 0 : i32
      %dma_wait3A_85 = arith.constant 0 : i32
      %dma_wait3A_86 = tpu.memref_slice %arg9[%dma_wait3A_82, %dma_wait3A_84, %dma_wait3A_85] : memref<8x128x32xbf16, #tpu.memory_space<vmem>> -> memref<1x128x32xbf16, #tpu.memory_space<vmem>>
      %dma_wait3A_87 = tpu.memref_squeeze %dma_wait3A_86 : memref<1x128x32xbf16, #tpu.memory_space<vmem>> -> memref<128x32xbf16, #tpu.memory_space<vmem>>
      %dma_wait3A_88 = arith.constant 0 : i32
      %dma_wait3A_89 = tpu.memref_slice %arg8[%dma_wait3A_83, %dma_wait3A_88] : memref<56x128xi32, #tpu.memory_space<vmem>> -> memref<1x128xi32, #tpu.memory_space<vmem>>
      %dma_wait3A_90 = tpu.memref_squeeze %dma_wait3A_89 : memref<1x128xi32, #tpu.memory_space<vmem>> -> memref<128xi32, #tpu.memory_space<vmem>>
      %dma_wait3A_91 = arith.constant 0 : i32
      %dma_wait3A_92 = arith.constant 0 : i32
      %dma_wait3A_93 = tpu.memref_slice %arg11[%dma_wait3A_91, %dma_wait3A_92] : memref<50176x32xbf16, #tpu.memory_space<vmem_shared>> -> memref<50176x32xbf16, #tpu.memory_space<vmem_shared>>
      tpu.wait_indirect_dma semaphore(%arg15 : memref<!tpu.dma_semaphore, #tpu.memory_space<semaphore_mem>>) src(%dma_wait3A_87 : memref<128x32xbf16, #tpu.memory_space<vmem>>) dst(%dma_wait3A_93 : memref<50176x32xbf16, #tpu.memory_space<vmem_shared>>)
      %dma_wait3A_94 = arith.constant 0 : i32
      %dma_wait3A_95 = arith.constant 0 : i32
      %dma_wait3A_96 = arith.constant 0 : i32
      %dma_wait3A_97 = arith.constant 0 : i32
      %dma_wait3A_98 = tpu.memref_slice %arg9[%dma_wait3A_94, %dma_wait3A_96, %dma_wait3A_97] : memref<8x128x32xbf16, #tpu.memory_space<vmem>> -> memref<1x128x32xbf16, #tpu.memory_space<vmem>>
      %dma_wait3A_99 = tpu.memref_squeeze %dma_wait3A_98 : memref<1x128x32xbf16, #tpu.memory_space<vmem>> -> memref<128x32xbf16, #tpu.memory_space<vmem>>
      %dma_wait3A_100 = arith.constant 0 : i32
      %dma_wait3A_101 = tpu.memref_slice %arg8[%dma_wait3A_95, %dma_wait3A_100] : memref<56x128xi32, #tpu.memory_space<vmem>> -> memref<1x128xi32, #tpu.memory_space<vmem>>
      %dma_wait3A_102 = tpu.memref_squeeze %dma_wait3A_101 : memref<1x128xi32, #tpu.memory_space<vmem>> -> memref<128xi32, #tpu.memory_space<vmem>>
      %dma_wait3A_103 = arith.constant 0 : i32
      %dma_wait3A_104 = arith.constant 0 : i32
      %dma_wait3A_105 = tpu.memref_slice %arg11[%dma_wait3A_103, %dma_wait3A_104] : memref<50176x32xbf16, #tpu.memory_space<vmem_shared>> -> memref<50176x32xbf16, #tpu.memory_space<vmem_shared>>
      tpu.wait_indirect_dma semaphore(%arg15 : memref<!tpu.dma_semaphore, #tpu.memory_space<semaphore_mem>>) src(%dma_wait3A_99 : memref<128x32xbf16, #tpu.memory_space<vmem>>) dst(%dma_wait3A_105 : memref<50176x32xbf16, #tpu.memory_space<vmem_shared>>)
      %dma_wait3A_106 = arith.constant 0 : i32
      %dma_wait3A_107 = arith.constant 0 : i32
      %dma_wait3A_108 = arith.constant 0 : i32
      %dma_wait3A_109 = arith.constant 0 : i32
      %dma_wait3A_110 = tpu.memref_slice %arg9[%dma_wait3A_106, %dma_wait3A_108, %dma_wait3A_109] : memref<8x128x32xbf16, #tpu.memory_space<vmem>> -> memref<1x128x32xbf16, #tpu.memory_space<vmem>>
      %dma_wait3A_111 = tpu.memref_squeeze %dma_wait3A_110 : memref<1x128x32xbf16, #tpu.memory_space<vmem>> -> memref<128x32xbf16, #tpu.memory_space<vmem>>
      %dma_wait3A_112 = arith.constant 0 : i32
      %dma_wait3A_113 = tpu.memref_slice %arg8[%dma_wait3A_107, %dma_wait3A_112] : memref<56x128xi32, #tpu.memory_space<vmem>> -> memref<1x128xi32, #tpu.memory_space<vmem>>
      %dma_wait3A_114 = tpu.memref_squeeze %dma_wait3A_113 : memref<1x128xi32, #tpu.memory_space<vmem>> -> memref<128xi32, #tpu.memory_space<vmem>>
      %dma_wait3A_115 = arith.constant 0 : i32
      %dma_wait3A_116 = arith.constant 0 : i32
      %dma_wait3A_117 = tpu.memref_slice %arg11[%dma_wait3A_115, %dma_wait3A_116] : memref<50176x32xbf16, #tpu.memory_space<vmem_shared>> -> memref<50176x32xbf16, #tpu.memory_space<vmem_shared>>
      tpu.wait_indirect_dma semaphore(%arg15 : memref<!tpu.dma_semaphore, #tpu.memory_space<semaphore_mem>>) src(%dma_wait3A_111 : memref<128x32xbf16, #tpu.memory_space<vmem>>) dst(%dma_wait3A_117 : memref<50176x32xbf16, #tpu.memory_space<vmem_shared>>)
      %dma_wait3A_118 = arith.constant 0 : i32
      %dma_wait3A_119 = arith.constant 0 : i32
      %dma_wait3A_120 = arith.constant 0 : i32
      %dma_wait3A_121 = arith.constant 0 : i32
      %dma_wait3A_122 = tpu.memref_slice %arg9[%dma_wait3A_118, %dma_wait3A_120, %dma_wait3A_121] : memref<8x128x32xbf16, #tpu.memory_space<vmem>> -> memref<1x128x32xbf16, #tpu.memory_space<vmem>>
      %dma_wait3A_123 = tpu.memref_squeeze %dma_wait3A_122 : memref<1x128x32xbf16, #tpu.memory_space<vmem>> -> memref<128x32xbf16, #tpu.memory_space<vmem>>
      %dma_wait3A_124 = arith.constant 0 : i32
      %dma_wait3A_125 = tpu.memref_slice %arg8[%dma_wait3A_119, %dma_wait3A_124] : memref<56x128xi32, #tpu.memory_space<vmem>> -> memref<1x128xi32, #tpu.memory_space<vmem>>
      %dma_wait3A_126 = tpu.memref_squeeze %dma_wait3A_125 : memref<1x128xi32, #tpu.memory_space<vmem>> -> memref<128xi32, #tpu.memory_space<vmem>>
      %dma_wait3A_127 = arith.constant 0 : i32
      %dma_wait3A_128 = arith.constant 0 : i32
      %dma_wait3A_129 = tpu.memref_slice %arg11[%dma_wait3A_127, %dma_wait3A_128] : memref<50176x32xbf16, #tpu.memory_space<vmem_shared>> -> memref<50176x32xbf16, #tpu.memory_space<vmem_shared>>
      tpu.wait_indirect_dma semaphore(%arg15 : memref<!tpu.dma_semaphore, #tpu.memory_space<semaphore_mem>>) src(%dma_wait3A_123 : memref<128x32xbf16, #tpu.memory_space<vmem>>) dst(%dma_wait3A_129 : memref<50176x32xbf16, #tpu.memory_space<vmem_shared>>)
    } else {
    }
    %eq3A_10 = arith.constant 1 : i32
    %eq3A_11 = arith.cmpi eq, %arg0, %eq3A_10 : i32
    %convert_element_type3A_12 = arith.extui %eq3A_11 : i1 to i32
    %cond3A_13 = arith.constant 0 : i32
    %cond3A_14 = arith.cmpi ne, %convert_element_type3A_12, %cond3A_13 : i32
    scf.if %cond3A_14 {
      %mul3A_26 = arith.constant 392 : i32
      %mul3A_27 = arith.muli %arg1, %mul3A_26 : i32
      %scan3A_28 = arith.constant 0 : i32
      %scan3A_29 = arith.constant 0 : i32
      %scan3A_30 = arith.constant 7 : i32
      %scan3A_31 = arith.addi %scan3A_29, %scan3A_30 : i32
      %scan3A_32 = arith.constant 1 : i32
      %scan3A_33 = scf.for %scan3A_130 = %scan3A_29 to %scan3A_31 step %scan3A_32 iter_args(%scan3A_131 = %scan3A_28) -> (i32)  : i32 {
        %gt3A = arith.constant 0 : i32
        %gt3A_132 = arith.cmpi sgt, %scan3A_130, %gt3A : i32
        %convert_element_type3A_133 = arith.extui %gt3A_132 : i1 to i32
        %cond3A_134 = arith.constant 0 : i32
        %cond3A_135 = arith.cmpi ne, %convert_element_type3A_133, %cond3A_134 : i32
        scf.if %cond3A_135 {
          %dma_wait3A_146 = arith.constant 0 : i32
          %dma_wait3A_147 = arith.constant 0 : i32
          %dma_wait3A_148 = arith.constant 0 : i32
          %dma_wait3A_149 = arith.constant 0 : i32
          %dma_wait3A_150 = tpu.memref_slice %arg9[%dma_wait3A_146, %dma_wait3A_148, %dma_wait3A_149] : memref<8x128x32xbf16, #tpu.memory_space<vmem>> -> memref<1x128x32xbf16, #tpu.memory_space<vmem>>
          %dma_wait3A_151 = tpu.memref_squeeze %dma_wait3A_150 : memref<1x128x32xbf16, #tpu.memory_space<vmem>> -> memref<128x32xbf16, #tpu.memory_space<vmem>>
          %dma_wait3A_152 = arith.constant 0 : i32
          %dma_wait3A_153 = tpu.memref_slice %arg8[%dma_wait3A_147, %dma_wait3A_152] : memref<56x128xi32, #tpu.memory_space<vmem>> -> memref<1x128xi32, #tpu.memory_space<vmem>>
          %dma_wait3A_154 = tpu.memref_squeeze %dma_wait3A_153 : memref<1x128xi32, #tpu.memory_space<vmem>> -> memref<128xi32, #tpu.memory_space<vmem>>
          %dma_wait3A_155 = arith.constant 0 : i32
          %dma_wait3A_156 = arith.constant 0 : i32
          %dma_wait3A_157 = tpu.memref_slice %arg11[%dma_wait3A_155, %dma_wait3A_156] : memref<50176x32xbf16, #tpu.memory_space<vmem_shared>> -> memref<50176x32xbf16, #tpu.memory_space<vmem_shared>>
          tpu.wait_indirect_dma semaphore(%arg14 : memref<!tpu.dma_semaphore, #tpu.memory_space<semaphore_mem>>) src(%dma_wait3A_151 : memref<128x32xbf16, #tpu.memory_space<vmem>>) dst(%dma_wait3A_157 : memref<50176x32xbf16, #tpu.memory_space<vmem_shared>>)
          %dma_wait3A_158 = arith.constant 0 : i32
          %dma_wait3A_159 = arith.constant 0 : i32
          %dma_wait3A_160 = arith.constant 0 : i32
          %dma_wait3A_161 = arith.constant 0 : i32
          %dma_wait3A_162 = tpu.memref_slice %arg9[%dma_wait3A_158, %dma_wait3A_160, %dma_wait3A_161] : memref<8x128x32xbf16, #tpu.memory_space<vmem>> -> memref<1x128x32xbf16, #tpu.memory_space<vmem>>
          %dma_wait3A_163 = tpu.memref_squeeze %dma_wait3A_162 : memref<1x128x32xbf16, #tpu.memory_space<vmem>> -> memref<128x32xbf16, #tpu.memory_space<vmem>>
          %dma_wait3A_164 = arith.constant 0 : i32
          %dma_wait3A_165 = tpu.memref_slice %arg8[%dma_wait3A_159, %dma_wait3A_164] : memref<56x128xi32, #tpu.memory_space<vmem>> -> memref<1x128xi32, #tpu.memory_space<vmem>>
          %dma_wait3A_166 = tpu.memref_squeeze %dma_wait3A_165 : memref<1x128xi32, #tpu.memory_space<vmem>> -> memref<128xi32, #tpu.memory_space<vmem>>
          %dma_wait3A_167 = arith.constant 0 : i32
          %dma_wait3A_168 = arith.constant 0 : i32
          %dma_wait3A_169 = tpu.memref_slice %arg11[%dma_wait3A_167, %dma_wait3A_168] : memref<50176x32xbf16, #tpu.memory_space<vmem_shared>> -> memref<50176x32xbf16, #tpu.memory_space<vmem_shared>>
          tpu.wait_indirect_dma semaphore(%arg14 : memref<!tpu.dma_semaphore, #tpu.memory_space<semaphore_mem>>) src(%dma_wait3A_163 : memref<128x32xbf16, #tpu.memory_space<vmem>>) dst(%dma_wait3A_169 : memref<50176x32xbf16, #tpu.memory_space<vmem_shared>>)
          %dma_wait3A_170 = arith.constant 0 : i32
          %dma_wait3A_171 = arith.constant 0 : i32
          %dma_wait3A_172 = arith.constant 0 : i32
          %dma_wait3A_173 = arith.constant 0 : i32
          %dma_wait3A_174 = tpu.memref_slice %arg9[%dma_wait3A_170, %dma_wait3A_172, %dma_wait3A_173] : memref<8x128x32xbf16, #tpu.memory_space<vmem>> -> memref<1x128x32xbf16, #tpu.memory_space<vmem>>
          %dma_wait3A_175 = tpu.memref_squeeze %dma_wait3A_174 : memref<1x128x32xbf16, #tpu.memory_space<vmem>> -> memref<128x32xbf16, #tpu.memory_space<vmem>>
          %dma_wait3A_176 = arith.constant 0 : i32
          %dma_wait3A_177 = tpu.memref_slice %arg8[%dma_wait3A_171, %dma_wait3A_176] : memref<56x128xi32, #tpu.memory_space<vmem>> -> memref<1x128xi32, #tpu.memory_space<vmem>>
          %dma_wait3A_178 = tpu.memref_squeeze %dma_wait3A_177 : memref<1x128xi32, #tpu.memory_space<vmem>> -> memref<128xi32, #tpu.memory_space<vmem>>
          %dma_wait3A_179 = arith.constant 0 : i32
          %dma_wait3A_180 = arith.constant 0 : i32
          %dma_wait3A_181 = tpu.memref_slice %arg11[%dma_wait3A_179, %dma_wait3A_180] : memref<50176x32xbf16, #tpu.memory_space<vmem_shared>> -> memref<50176x32xbf16, #tpu.memory_space<vmem_shared>>
          tpu.wait_indirect_dma semaphore(%arg14 : memref<!tpu.dma_semaphore, #tpu.memory_space<semaphore_mem>>) src(%dma_wait3A_175 : memref<128x32xbf16, #tpu.memory_space<vmem>>) dst(%dma_wait3A_181 : memref<50176x32xbf16, #tpu.memory_space<vmem_shared>>)
          %dma_wait3A_182 = arith.constant 0 : i32
          %dma_wait3A_183 = arith.constant 0 : i32
          %dma_wait3A_184 = arith.constant 0 : i32
          %dma_wait3A_185 = arith.constant 0 : i32
          %dma_wait3A_186 = tpu.memref_slice %arg9[%dma_wait3A_182, %dma_wait3A_184, %dma_wait3A_185] : memref<8x128x32xbf16, #tpu.memory_space<vmem>> -> memref<1x128x32xbf16, #tpu.memory_space<vmem>>
          %dma_wait3A_187 = tpu.memref_squeeze %dma_wait3A_186 : memref<1x128x32xbf16, #tpu.memory_space<vmem>> -> memref<128x32xbf16, #tpu.memory_space<vmem>>
          %dma_wait3A_188 = arith.constant 0 : i32
          %dma_wait3A_189 = tpu.memref_slice %arg8[%dma_wait3A_183, %dma_wait3A_188] : memref<56x128xi32, #tpu.memory_space<vmem>> -> memref<1x128xi32, #tpu.memory_space<vmem>>
          %dma_wait3A_190 = tpu.memref_squeeze %dma_wait3A_189 : memref<1x128xi32, #tpu.memory_space<vmem>> -> memref<128xi32, #tpu.memory_space<vmem>>
          %dma_wait3A_191 = arith.constant 0 : i32
          %dma_wait3A_192 = arith.constant 0 : i32
          %dma_wait3A_193 = tpu.memref_slice %arg11[%dma_wait3A_191, %dma_wait3A_192] : memref<50176x32xbf16, #tpu.memory_space<vmem_shared>> -> memref<50176x32xbf16, #tpu.memory_space<vmem_shared>>
          tpu.wait_indirect_dma semaphore(%arg14 : memref<!tpu.dma_semaphore, #tpu.memory_space<semaphore_mem>>) src(%dma_wait3A_187 : memref<128x32xbf16, #tpu.memory_space<vmem>>) dst(%dma_wait3A_193 : memref<50176x32xbf16, #tpu.memory_space<vmem_shared>>)
          %dma_wait3A_194 = arith.constant 0 : i32
          %dma_wait3A_195 = arith.constant 0 : i32
          %dma_wait3A_196 = arith.constant 0 : i32
          %dma_wait3A_197 = arith.constant 0 : i32
          %dma_wait3A_198 = tpu.memref_slice %arg9[%dma_wait3A_194, %dma_wait3A_196, %dma_wait3A_197] : memref<8x128x32xbf16, #tpu.memory_space<vmem>> -> memref<1x128x32xbf16, #tpu.memory_space<vmem>>
          %dma_wait3A_199 = tpu.memref_squeeze %dma_wait3A_198 : memref<1x128x32xbf16, #tpu.memory_space<vmem>> -> memref<128x32xbf16, #tpu.memory_space<vmem>>
          %dma_wait3A_200 = arith.constant 0 : i32
          %dma_wait3A_201 = tpu.memref_slice %arg8[%dma_wait3A_195, %dma_wait3A_200] : memref<56x128xi32, #tpu.memory_space<vmem>> -> memref<1x128xi32, #tpu.memory_space<vmem>>
          %dma_wait3A_202 = tpu.memref_squeeze %dma_wait3A_201 : memref<1x128xi32, #tpu.memory_space<vmem>> -> memref<128xi32, #tpu.memory_space<vmem>>
          %dma_wait3A_203 = arith.constant 0 : i32
          %dma_wait3A_204 = arith.constant 0 : i32
          %dma_wait3A_205 = tpu.memref_slice %arg11[%dma_wait3A_203, %dma_wait3A_204] : memref<50176x32xbf16, #tpu.memory_space<vmem_shared>> -> memref<50176x32xbf16, #tpu.memory_space<vmem_shared>>
          tpu.wait_indirect_dma semaphore(%arg15 : memref<!tpu.dma_semaphore, #tpu.memory_space<semaphore_mem>>) src(%dma_wait3A_199 : memref<128x32xbf16, #tpu.memory_space<vmem>>) dst(%dma_wait3A_205 : memref<50176x32xbf16, #tpu.memory_space<vmem_shared>>)
          %dma_wait3A_206 = arith.constant 0 : i32
          %dma_wait3A_207 = arith.constant 0 : i32
          %dma_wait3A_208 = arith.constant 0 : i32
          %dma_wait3A_209 = arith.constant 0 : i32
          %dma_wait3A_210 = tpu.memref_slice %arg9[%dma_wait3A_206, %dma_wait3A_208, %dma_wait3A_209] : memref<8x128x32xbf16, #tpu.memory_space<vmem>> -> memref<1x128x32xbf16, #tpu.memory_space<vmem>>
          %dma_wait3A_211 = tpu.memref_squeeze %dma_wait3A_210 : memref<1x128x32xbf16, #tpu.memory_space<vmem>> -> memref<128x32xbf16, #tpu.memory_space<vmem>>
          %dma_wait3A_212 = arith.constant 0 : i32
          %dma_wait3A_213 = tpu.memref_slice %arg8[%dma_wait3A_207, %dma_wait3A_212] : memref<56x128xi32, #tpu.memory_space<vmem>> -> memref<1x128xi32, #tpu.memory_space<vmem>>
          %dma_wait3A_214 = tpu.memref_squeeze %dma_wait3A_213 : memref<1x128xi32, #tpu.memory_space<vmem>> -> memref<128xi32, #tpu.memory_space<vmem>>
          %dma_wait3A_215 = arith.constant 0 : i32
          %dma_wait3A_216 = arith.constant 0 : i32
          %dma_wait3A_217 = tpu.memref_slice %arg11[%dma_wait3A_215, %dma_wait3A_216] : memref<50176x32xbf16, #tpu.memory_space<vmem_shared>> -> memref<50176x32xbf16, #tpu.memory_space<vmem_shared>>
          tpu.wait_indirect_dma semaphore(%arg15 : memref<!tpu.dma_semaphore, #tpu.memory_space<semaphore_mem>>) src(%dma_wait3A_211 : memref<128x32xbf16, #tpu.memory_space<vmem>>) dst(%dma_wait3A_217 : memref<50176x32xbf16, #tpu.memory_space<vmem_shared>>)
          %dma_wait3A_218 = arith.constant 0 : i32
          %dma_wait3A_219 = arith.constant 0 : i32
          %dma_wait3A_220 = arith.constant 0 : i32
          %dma_wait3A_221 = arith.constant 0 : i32
          %dma_wait3A_222 = tpu.memref_slice %arg9[%dma_wait3A_218, %dma_wait3A_220, %dma_wait3A_221] : memref<8x128x32xbf16, #tpu.memory_space<vmem>> -> memref<1x128x32xbf16, #tpu.memory_space<vmem>>
          %dma_wait3A_223 = tpu.memref_squeeze %dma_wait3A_222 : memref<1x128x32xbf16, #tpu.memory_space<vmem>> -> memref<128x32xbf16, #tpu.memory_space<vmem>>
          %dma_wait3A_224 = arith.constant 0 : i32
          %dma_wait3A_225 = tpu.memref_slice %arg8[%dma_wait3A_219, %dma_wait3A_224] : memref<56x128xi32, #tpu.memory_space<vmem>> -> memref<1x128xi32, #tpu.memory_space<vmem>>
          %dma_wait3A_226 = tpu.memref_squeeze %dma_wait3A_225 : memref<1x128xi32, #tpu.memory_space<vmem>> -> memref<128xi32, #tpu.memory_space<vmem>>
          %dma_wait3A_227 = arith.constant 0 : i32
          %dma_wait3A_228 = arith.constant 0 : i32
          %dma_wait3A_229 = tpu.memref_slice %arg11[%dma_wait3A_227, %dma_wait3A_228] : memref<50176x32xbf16, #tpu.memory_space<vmem_shared>> -> memref<50176x32xbf16, #tpu.memory_space<vmem_shared>>
          tpu.wait_indirect_dma semaphore(%arg15 : memref<!tpu.dma_semaphore, #tpu.memory_space<semaphore_mem>>) src(%dma_wait3A_223 : memref<128x32xbf16, #tpu.memory_space<vmem>>) dst(%dma_wait3A_229 : memref<50176x32xbf16, #tpu.memory_space<vmem_shared>>)
          %dma_wait3A_230 = arith.constant 0 : i32
          %dma_wait3A_231 = arith.constant 0 : i32
          %dma_wait3A_232 = arith.constant 0 : i32
          %dma_wait3A_233 = arith.constant 0 : i32
          %dma_wait3A_234 = tpu.memref_slice %arg9[%dma_wait3A_230, %dma_wait3A_232, %dma_wait3A_233] : memref<8x128x32xbf16, #tpu.memory_space<vmem>> -> memref<1x128x32xbf16, #tpu.memory_space<vmem>>
          %dma_wait3A_235 = tpu.memref_squeeze %dma_wait3A_234 : memref<1x128x32xbf16, #tpu.memory_space<vmem>> -> memref<128x32xbf16, #tpu.memory_space<vmem>>
          %dma_wait3A_236 = arith.constant 0 : i32
          %dma_wait3A_237 = tpu.memref_slice %arg8[%dma_wait3A_231, %dma_wait3A_236] : memref<56x128xi32, #tpu.memory_space<vmem>> -> memref<1x128xi32, #tpu.memory_space<vmem>>
          %dma_wait3A_238 = tpu.memref_squeeze %dma_wait3A_237 : memref<1x128xi32, #tpu.memory_space<vmem>> -> memref<128xi32, #tpu.memory_space<vmem>>
          %dma_wait3A_239 = arith.constant 0 : i32
          %dma_wait3A_240 = arith.constant 0 : i32
          %dma_wait3A_241 = tpu.memref_slice %arg11[%dma_wait3A_239, %dma_wait3A_240] : memref<50176x32xbf16, #tpu.memory_space<vmem_shared>> -> memref<50176x32xbf16, #tpu.memory_space<vmem_shared>>
          tpu.wait_indirect_dma semaphore(%arg15 : memref<!tpu.dma_semaphore, #tpu.memory_space<semaphore_mem>>) src(%dma_wait3A_235 : memref<128x32xbf16, #tpu.memory_space<vmem>>) dst(%dma_wait3A_241 : memref<50176x32xbf16, #tpu.memory_space<vmem_shared>>)
        } else {
        }
        %mul3A_136 = arith.constant 56 : i32
        %mul3A_137 = arith.muli %scan3A_130, %mul3A_136 : i32
        %add3A_138 = arith.addi %mul3A_27, %mul3A_137 : i32
        "tpu.region"() ({
          %run_scoped3A = tpu.sem_alloc : memref<!tpu.dma_semaphore, #tpu.memory_space<semaphore_mem>>
          %dma_start3A = arith.constant 0 : i32
          %dma_start3A_146 = tpu.memref_slice %arg4[%add3A_138, %dma_start3A] : memref<6272x128xi32, #tpu.memory_space<hbm>> -> memref<56x128xi32, #tpu.memory_space<hbm>>
          %dma_start3A_147 = arith.constant 0 : i32
          %dma_start3A_148 = tpu.memref_slice %arg4[%add3A_138, %dma_start3A_147] : memref<6272x128xi32, #tpu.memory_space<hbm>> -> memref<56x128xi32, #tpu.memory_space<hbm>>
          tpu.enqueue_dma source(%dma_start3A_148 : memref<56x128xi32, #tpu.memory_space<hbm>>) target(%arg7 : memref<56x128xi32, #tpu.memory_space<vmem>>) target_semaphore(%run_scoped3A : memref<!tpu.dma_semaphore, #tpu.memory_space<semaphore_mem>>)
          %dma_wait3A_149 = arith.constant 0 : i32
          %dma_wait3A_150 = tpu.memref_slice %arg4[%add3A_138, %dma_wait3A_149] : memref<6272x128xi32, #tpu.memory_space<hbm>> -> memref<56x128xi32, #tpu.memory_space<hbm>>
          %dma_wait3A_151 = arith.constant 0 : i32
          %dma_wait3A_152 = tpu.memref_slice %arg4[%add3A_138, %dma_wait3A_151] : memref<6272x128xi32, #tpu.memory_space<hbm>> -> memref<56x128xi32, #tpu.memory_space<hbm>>
          tpu.wait_dma2 semaphore(%run_scoped3A : memref<!tpu.dma_semaphore, #tpu.memory_space<semaphore_mem>>) src(%dma_wait3A_152 : memref<56x128xi32, #tpu.memory_space<hbm>>) dst(%arg7 : memref<56x128xi32, #tpu.memory_space<vmem>>)
          tpu.yield
        }) : () -> ()
        "tpu.region"() ({
          %run_scoped3A = tpu.sem_alloc : memref<!tpu.dma_semaphore, #tpu.memory_space<semaphore_mem>>
          %dma_start3A = arith.constant 0 : i32
          %dma_start3A_146 = tpu.memref_slice %arg5[%add3A_138, %dma_start3A] : memref<6272x128xi32, #tpu.memory_space<hbm>> -> memref<56x128xi32, #tpu.memory_space<hbm>>
          %dma_start3A_147 = arith.constant 0 : i32
          %dma_start3A_148 = tpu.memref_slice %arg5[%add3A_138, %dma_start3A_147] : memref<6272x128xi32, #tpu.memory_space<hbm>> -> memref<56x128xi32, #tpu.memory_space<hbm>>
          tpu.enqueue_dma source(%dma_start3A_148 : memref<56x128xi32, #tpu.memory_space<hbm>>) target(%arg8 : memref<56x128xi32, #tpu.memory_space<vmem>>) target_semaphore(%run_scoped3A : memref<!tpu.dma_semaphore, #tpu.memory_space<semaphore_mem>>)
          %dma_wait3A_149 = arith.constant 0 : i32
          %dma_wait3A_150 = tpu.memref_slice %arg5[%add3A_138, %dma_wait3A_149] : memref<6272x128xi32, #tpu.memory_space<hbm>> -> memref<56x128xi32, #tpu.memory_space<hbm>>
          %dma_wait3A_151 = arith.constant 0 : i32
          %dma_wait3A_152 = tpu.memref_slice %arg5[%add3A_138, %dma_wait3A_151] : memref<6272x128xi32, #tpu.memory_space<hbm>> -> memref<56x128xi32, #tpu.memory_space<hbm>>
          tpu.wait_dma2 semaphore(%run_scoped3A : memref<!tpu.dma_semaphore, #tpu.memory_space<semaphore_mem>>) src(%dma_wait3A_152 : memref<56x128xi32, #tpu.memory_space<hbm>>) dst(%arg8 : memref<56x128xi32, #tpu.memory_space<vmem>>)
          tpu.yield
        }) : () -> ()
        %scan3A_139 = arith.constant 0 : i32
        %scan3A_140 = arith.constant 0 : i32
        %scan3A_141 = arith.constant 7 : i32
        %scan3A_142 = arith.addi %scan3A_140, %scan3A_141 : i32
        %scan3A_143 = arith.constant 1 : i32
        %scan3A_144 = scf.for %scan3A_146 = %scan3A_140 to %scan3A_142 step %scan3A_143 iter_args(%scan3A_147 = %scan3A_139) -> (i32)  : i32 {
          %mul3A_148 = arith.constant 2 : i32
          %mul3A_149 = arith.muli %scan3A_146, %mul3A_148 : i32
          %mul3A_150 = arith.constant 4 : i32
          %mul3A_151 = arith.muli %mul3A_149, %mul3A_150 : i32
          %add3A_152 = arith.constant 4 : i32
          %add3A_153 = arith.addi %mul3A_151, %add3A_152 : i32
          %gt3A_154 = arith.constant 0 : i32
          %gt3A_155 = arith.cmpi sgt, %scan3A_146, %gt3A_154 : i32
          %convert_element_type3A_156 = arith.extui %gt3A_155 : i1 to i32
          %cond3A_157 = arith.constant 0 : i32
          %cond3A_158 = arith.cmpi ne, %convert_element_type3A_156, %cond3A_157 : i32
          scf.if %cond3A_158 {
            %dma_wait3A_460 = arith.constant 0 : i32
            %dma_wait3A_461 = arith.constant 0 : i32
            %dma_wait3A_462 = arith.constant 0 : i32
            %dma_wait3A_463 = arith.constant 0 : i32
            %dma_wait3A_464 = tpu.memref_slice %arg9[%dma_wait3A_460, %dma_wait3A_462, %dma_wait3A_463] : memref<8x128x32xbf16, #tpu.memory_space<vmem>> -> memref<1x128x32xbf16, #tpu.memory_space<vmem>>
            %dma_wait3A_465 = tpu.memref_squeeze %dma_wait3A_464 : memref<1x128x32xbf16, #tpu.memory_space<vmem>> -> memref<128x32xbf16, #tpu.memory_space<vmem>>
            %dma_wait3A_466 = arith.constant 0 : i32
            %dma_wait3A_467 = tpu.memref_slice %arg8[%dma_wait3A_461, %dma_wait3A_466] : memref<56x128xi32, #tpu.memory_space<vmem>> -> memref<1x128xi32, #tpu.memory_space<vmem>>
            %dma_wait3A_468 = tpu.memref_squeeze %dma_wait3A_467 : memref<1x128xi32, #tpu.memory_space<vmem>> -> memref<128xi32, #tpu.memory_space<vmem>>
            %dma_wait3A_469 = arith.constant 0 : i32
            %dma_wait3A_470 = arith.constant 0 : i32
            %dma_wait3A_471 = tpu.memref_slice %arg11[%dma_wait3A_469, %dma_wait3A_470] : memref<50176x32xbf16, #tpu.memory_space<vmem_shared>> -> memref<50176x32xbf16, #tpu.memory_space<vmem_shared>>
            tpu.wait_indirect_dma semaphore(%arg14 : memref<!tpu.dma_semaphore, #tpu.memory_space<semaphore_mem>>) src(%dma_wait3A_465 : memref<128x32xbf16, #tpu.memory_space<vmem>>) dst(%dma_wait3A_471 : memref<50176x32xbf16, #tpu.memory_space<vmem_shared>>)
            %dma_wait3A_472 = arith.constant 0 : i32
            %dma_wait3A_473 = arith.constant 0 : i32
            %dma_wait3A_474 = arith.constant 0 : i32
            %dma_wait3A_475 = arith.constant 0 : i32
            %dma_wait3A_476 = tpu.memref_slice %arg9[%dma_wait3A_472, %dma_wait3A_474, %dma_wait3A_475] : memref<8x128x32xbf16, #tpu.memory_space<vmem>> -> memref<1x128x32xbf16, #tpu.memory_space<vmem>>
            %dma_wait3A_477 = tpu.memref_squeeze %dma_wait3A_476 : memref<1x128x32xbf16, #tpu.memory_space<vmem>> -> memref<128x32xbf16, #tpu.memory_space<vmem>>
            %dma_wait3A_478 = arith.constant 0 : i32
            %dma_wait3A_479 = tpu.memref_slice %arg8[%dma_wait3A_473, %dma_wait3A_478] : memref<56x128xi32, #tpu.memory_space<vmem>> -> memref<1x128xi32, #tpu.memory_space<vmem>>
            %dma_wait3A_480 = tpu.memref_squeeze %dma_wait3A_479 : memref<1x128xi32, #tpu.memory_space<vmem>> -> memref<128xi32, #tpu.memory_space<vmem>>
            %dma_wait3A_481 = arith.constant 0 : i32
            %dma_wait3A_482 = arith.constant 0 : i32
            %dma_wait3A_483 = tpu.memref_slice %arg11[%dma_wait3A_481, %dma_wait3A_482] : memref<50176x32xbf16, #tpu.memory_space<vmem_shared>> -> memref<50176x32xbf16, #tpu.memory_space<vmem_shared>>
            tpu.wait_indirect_dma semaphore(%arg14 : memref<!tpu.dma_semaphore, #tpu.memory_space<semaphore_mem>>) src(%dma_wait3A_477 : memref<128x32xbf16, #tpu.memory_space<vmem>>) dst(%dma_wait3A_483 : memref<50176x32xbf16, #tpu.memory_space<vmem_shared>>)
            %dma_wait3A_484 = arith.constant 0 : i32
            %dma_wait3A_485 = arith.constant 0 : i32
            %dma_wait3A_486 = arith.constant 0 : i32
            %dma_wait3A_487 = arith.constant 0 : i32
            %dma_wait3A_488 = tpu.memref_slice %arg9[%dma_wait3A_484, %dma_wait3A_486, %dma_wait3A_487] : memref<8x128x32xbf16, #tpu.memory_space<vmem>> -> memref<1x128x32xbf16, #tpu.memory_space<vmem>>
            %dma_wait3A_489 = tpu.memref_squeeze %dma_wait3A_488 : memref<1x128x32xbf16, #tpu.memory_space<vmem>> -> memref<128x32xbf16, #tpu.memory_space<vmem>>
            %dma_wait3A_490 = arith.constant 0 : i32
            %dma_wait3A_491 = tpu.memref_slice %arg8[%dma_wait3A_485, %dma_wait3A_490] : memref<56x128xi32, #tpu.memory_space<vmem>> -> memref<1x128xi32, #tpu.memory_space<vmem>>
            %dma_wait3A_492 = tpu.memref_squeeze %dma_wait3A_491 : memref<1x128xi32, #tpu.memory_space<vmem>> -> memref<128xi32, #tpu.memory_space<vmem>>
            %dma_wait3A_493 = arith.constant 0 : i32
            %dma_wait3A_494 = arith.constant 0 : i32
            %dma_wait3A_495 = tpu.memref_slice %arg11[%dma_wait3A_493, %dma_wait3A_494] : memref<50176x32xbf16, #tpu.memory_space<vmem_shared>> -> memref<50176x32xbf16, #tpu.memory_space<vmem_shared>>
            tpu.wait_indirect_dma semaphore(%arg14 : memref<!tpu.dma_semaphore, #tpu.memory_space<semaphore_mem>>) src(%dma_wait3A_489 : memref<128x32xbf16, #tpu.memory_space<vmem>>) dst(%dma_wait3A_495 : memref<50176x32xbf16, #tpu.memory_space<vmem_shared>>)
            %dma_wait3A_496 = arith.constant 0 : i32
            %dma_wait3A_497 = arith.constant 0 : i32
            %dma_wait3A_498 = arith.constant 0 : i32
            %dma_wait3A_499 = arith.constant 0 : i32
            %dma_wait3A_500 = tpu.memref_slice %arg9[%dma_wait3A_496, %dma_wait3A_498, %dma_wait3A_499] : memref<8x128x32xbf16, #tpu.memory_space<vmem>> -> memref<1x128x32xbf16, #tpu.memory_space<vmem>>
            %dma_wait3A_501 = tpu.memref_squeeze %dma_wait3A_500 : memref<1x128x32xbf16, #tpu.memory_space<vmem>> -> memref<128x32xbf16, #tpu.memory_space<vmem>>
            %dma_wait3A_502 = arith.constant 0 : i32
            %dma_wait3A_503 = tpu.memref_slice %arg8[%dma_wait3A_497, %dma_wait3A_502] : memref<56x128xi32, #tpu.memory_space<vmem>> -> memref<1x128xi32, #tpu.memory_space<vmem>>
            %dma_wait3A_504 = tpu.memref_squeeze %dma_wait3A_503 : memref<1x128xi32, #tpu.memory_space<vmem>> -> memref<128xi32, #tpu.memory_space<vmem>>
            %dma_wait3A_505 = arith.constant 0 : i32
            %dma_wait3A_506 = arith.constant 0 : i32
            %dma_wait3A_507 = tpu.memref_slice %arg11[%dma_wait3A_505, %dma_wait3A_506] : memref<50176x32xbf16, #tpu.memory_space<vmem_shared>> -> memref<50176x32xbf16, #tpu.memory_space<vmem_shared>>
            tpu.wait_indirect_dma semaphore(%arg14 : memref<!tpu.dma_semaphore, #tpu.memory_space<semaphore_mem>>) src(%dma_wait3A_501 : memref<128x32xbf16, #tpu.memory_space<vmem>>) dst(%dma_wait3A_507 : memref<50176x32xbf16, #tpu.memory_space<vmem_shared>>)
          } else {
          }
          %add3A_159 = arith.constant 0 : i32
          %add3A_160 = arith.addi %mul3A_151, %add3A_159 : i32
          %dma_start3A = arith.constant 0 : i32
          %dma_start3A_161 = arith.constant 0 : i32
          %dma_start3A_162 = arith.constant 0 : i32
          %dma_start3A_163 = tpu.memref_slice %arg9[%dma_start3A, %dma_start3A_161, %dma_start3A_162] : memref<8x128x32xbf16, #tpu.memory_space<vmem>> -> memref<1x128x32xbf16, #tpu.memory_space<vmem>>
          %dma_start3A_164 = tpu.memref_squeeze %dma_start3A_163 : memref<1x128x32xbf16, #tpu.memory_space<vmem>> -> memref<128x32xbf16, #tpu.memory_space<vmem>>
          %dma_start3A_165 = arith.constant 0 : i32
          %dma_start3A_166 = tpu.memref_slice %arg7[%add3A_160, %dma_start3A_165] : memref<56x128xi32, #tpu.memory_space<vmem>> -> memref<1x128xi32, #tpu.memory_space<vmem>>
          %dma_start3A_167 = tpu.memref_squeeze %dma_start3A_166 : memref<1x128xi32, #tpu.memory_space<vmem>> -> memref<128xi32, #tpu.memory_space<vmem>>
          %dma_start3A_168 = arith.constant 0 : i32
          %dma_start3A_169 = arith.constant 0 : i32
          %dma_start3A_170 = tpu.memref_slice %arg2[%dma_start3A_168, %dma_start3A_169] : memref<400000x32xbf16, #tpu.memory_space<hbm>> -> memref<400000x32xbf16, #tpu.memory_space<hbm>>
          tpu.enqueue_indirect_dma source(%dma_start3A_170 : memref<400000x32xbf16, #tpu.memory_space<hbm>>) target(%dma_start3A_164 : memref<128x32xbf16, #tpu.memory_space<vmem>>) offsets(%dma_start3A_167 : memref<128xi32, #tpu.memory_space<vmem>>) semaphore(%arg12 : memref<!tpu.dma_semaphore, #tpu.memory_space<semaphore_mem>>)
          %add3A_171 = arith.constant 1 : i32
          %add3A_172 = arith.addi %mul3A_151, %add3A_171 : i32
          %dma_start3A_173 = arith.constant 1 : i32
          %dma_start3A_174 = arith.constant 0 : i32
          %dma_start3A_175 = arith.constant 0 : i32
          %dma_start3A_176 = tpu.memref_slice %arg9[%dma_start3A_173, %dma_start3A_174, %dma_start3A_175] : memref<8x128x32xbf16, #tpu.memory_space<vmem>> -> memref<1x128x32xbf16, #tpu.memory_space<vmem>>
          %dma_start3A_177 = tpu.memref_squeeze %dma_start3A_176 : memref<1x128x32xbf16, #tpu.memory_space<vmem>> -> memref<128x32xbf16, #tpu.memory_space<vmem>>
          %dma_start3A_178 = arith.constant 0 : i32
          %dma_start3A_179 = tpu.memref_slice %arg7[%add3A_172, %dma_start3A_178] : memref<56x128xi32, #tpu.memory_space<vmem>> -> memref<1x128xi32, #tpu.memory_space<vmem>>
          %dma_start3A_180 = tpu.memref_squeeze %dma_start3A_179 : memref<1x128xi32, #tpu.memory_space<vmem>> -> memref<128xi32, #tpu.memory_space<vmem>>
          %dma_start3A_181 = arith.constant 0 : i32
          %dma_start3A_182 = arith.constant 0 : i32
          %dma_start3A_183 = tpu.memref_slice %arg2[%dma_start3A_181, %dma_start3A_182] : memref<400000x32xbf16, #tpu.memory_space<hbm>> -> memref<400000x32xbf16, #tpu.memory_space<hbm>>
          tpu.enqueue_indirect_dma source(%dma_start3A_183 : memref<400000x32xbf16, #tpu.memory_space<hbm>>) target(%dma_start3A_177 : memref<128x32xbf16, #tpu.memory_space<vmem>>) offsets(%dma_start3A_180 : memref<128xi32, #tpu.memory_space<vmem>>) semaphore(%arg12 : memref<!tpu.dma_semaphore, #tpu.memory_space<semaphore_mem>>)
          %add3A_184 = arith.constant 2 : i32
          %add3A_185 = arith.addi %mul3A_151, %add3A_184 : i32
          %dma_start3A_186 = arith.constant 2 : i32
          %dma_start3A_187 = arith.constant 0 : i32
          %dma_start3A_188 = arith.constant 0 : i32
          %dma_start3A_189 = tpu.memref_slice %arg9[%dma_start3A_186, %dma_start3A_187, %dma_start3A_188] : memref<8x128x32xbf16, #tpu.memory_space<vmem>> -> memref<1x128x32xbf16, #tpu.memory_space<vmem>>
          %dma_start3A_190 = tpu.memref_squeeze %dma_start3A_189 : memref<1x128x32xbf16, #tpu.memory_space<vmem>> -> memref<128x32xbf16, #tpu.memory_space<vmem>>
          %dma_start3A_191 = arith.constant 0 : i32
          %dma_start3A_192 = tpu.memref_slice %arg7[%add3A_185, %dma_start3A_191] : memref<56x128xi32, #tpu.memory_space<vmem>> -> memref<1x128xi32, #tpu.memory_space<vmem>>
          %dma_start3A_193 = tpu.memref_squeeze %dma_start3A_192 : memref<1x128xi32, #tpu.memory_space<vmem>> -> memref<128xi32, #tpu.memory_space<vmem>>
          %dma_start3A_194 = arith.constant 0 : i32
          %dma_start3A_195 = arith.constant 0 : i32
          %dma_start3A_196 = tpu.memref_slice %arg2[%dma_start3A_194, %dma_start3A_195] : memref<400000x32xbf16, #tpu.memory_space<hbm>> -> memref<400000x32xbf16, #tpu.memory_space<hbm>>
          tpu.enqueue_indirect_dma source(%dma_start3A_196 : memref<400000x32xbf16, #tpu.memory_space<hbm>>) target(%dma_start3A_190 : memref<128x32xbf16, #tpu.memory_space<vmem>>) offsets(%dma_start3A_193 : memref<128xi32, #tpu.memory_space<vmem>>) semaphore(%arg12 : memref<!tpu.dma_semaphore, #tpu.memory_space<semaphore_mem>>)
          %add3A_197 = arith.constant 3 : i32
          %add3A_198 = arith.addi %mul3A_151, %add3A_197 : i32
          %dma_start3A_199 = arith.constant 3 : i32
          %dma_start3A_200 = arith.constant 0 : i32
          %dma_start3A_201 = arith.constant 0 : i32
          %dma_start3A_202 = tpu.memref_slice %arg9[%dma_start3A_199, %dma_start3A_200, %dma_start3A_201] : memref<8x128x32xbf16, #tpu.memory_space<vmem>> -> memref<1x128x32xbf16, #tpu.memory_space<vmem>>
          %dma_start3A_203 = tpu.memref_squeeze %dma_start3A_202 : memref<1x128x32xbf16, #tpu.memory_space<vmem>> -> memref<128x32xbf16, #tpu.memory_space<vmem>>
          %dma_start3A_204 = arith.constant 0 : i32
          %dma_start3A_205 = tpu.memref_slice %arg7[%add3A_198, %dma_start3A_204] : memref<56x128xi32, #tpu.memory_space<vmem>> -> memref<1x128xi32, #tpu.memory_space<vmem>>
          %dma_start3A_206 = tpu.memref_squeeze %dma_start3A_205 : memref<1x128xi32, #tpu.memory_space<vmem>> -> memref<128xi32, #tpu.memory_space<vmem>>
          %dma_start3A_207 = arith.constant 0 : i32
          %dma_start3A_208 = arith.constant 0 : i32
          %dma_start3A_209 = tpu.memref_slice %arg2[%dma_start3A_207, %dma_start3A_208] : memref<400000x32xbf16, #tpu.memory_space<hbm>> -> memref<400000x32xbf16, #tpu.memory_space<hbm>>
          tpu.enqueue_indirect_dma source(%dma_start3A_209 : memref<400000x32xbf16, #tpu.memory_space<hbm>>) target(%dma_start3A_203 : memref<128x32xbf16, #tpu.memory_space<vmem>>) offsets(%dma_start3A_206 : memref<128xi32, #tpu.memory_space<vmem>>) semaphore(%arg12 : memref<!tpu.dma_semaphore, #tpu.memory_space<semaphore_mem>>)
          %gt3A_210 = arith.constant 0 : i32
          %gt3A_211 = arith.cmpi sgt, %scan3A_146, %gt3A_210 : i32
          %convert_element_type3A_212 = arith.extui %gt3A_211 : i1 to i32
          %cond3A_213 = arith.constant 0 : i32
          %cond3A_214 = arith.cmpi ne, %convert_element_type3A_212, %cond3A_213 : i32
          scf.if %cond3A_214 {
            %dma_wait3A_460 = arith.constant 0 : i32
            %dma_wait3A_461 = arith.constant 0 : i32
            %dma_wait3A_462 = arith.constant 0 : i32
            %dma_wait3A_463 = arith.constant 0 : i32
            %dma_wait3A_464 = tpu.memref_slice %arg9[%dma_wait3A_460, %dma_wait3A_462, %dma_wait3A_463] : memref<8x128x32xbf16, #tpu.memory_space<vmem>> -> memref<1x128x32xbf16, #tpu.memory_space<vmem>>
            %dma_wait3A_465 = tpu.memref_squeeze %dma_wait3A_464 : memref<1x128x32xbf16, #tpu.memory_space<vmem>> -> memref<128x32xbf16, #tpu.memory_space<vmem>>
            %dma_wait3A_466 = arith.constant 0 : i32
            %dma_wait3A_467 = tpu.memref_slice %arg8[%dma_wait3A_461, %dma_wait3A_466] : memref<56x128xi32, #tpu.memory_space<vmem>> -> memref<1x128xi32, #tpu.memory_space<vmem>>
            %dma_wait3A_468 = tpu.memref_squeeze %dma_wait3A_467 : memref<1x128xi32, #tpu.memory_space<vmem>> -> memref<128xi32, #tpu.memory_space<vmem>>
            %dma_wait3A_469 = arith.constant 0 : i32
            %dma_wait3A_470 = arith.constant 0 : i32
            %dma_wait3A_471 = tpu.memref_slice %arg11[%dma_wait3A_469, %dma_wait3A_470] : memref<50176x32xbf16, #tpu.memory_space<vmem_shared>> -> memref<50176x32xbf16, #tpu.memory_space<vmem_shared>>
            tpu.wait_indirect_dma semaphore(%arg15 : memref<!tpu.dma_semaphore, #tpu.memory_space<semaphore_mem>>) src(%dma_wait3A_465 : memref<128x32xbf16, #tpu.memory_space<vmem>>) dst(%dma_wait3A_471 : memref<50176x32xbf16, #tpu.memory_space<vmem_shared>>)
            %dma_wait3A_472 = arith.constant 0 : i32
            %dma_wait3A_473 = arith.constant 0 : i32
            %dma_wait3A_474 = arith.constant 0 : i32
            %dma_wait3A_475 = arith.constant 0 : i32
            %dma_wait3A_476 = tpu.memref_slice %arg9[%dma_wait3A_472, %dma_wait3A_474, %dma_wait3A_475] : memref<8x128x32xbf16, #tpu.memory_space<vmem>> -> memref<1x128x32xbf16, #tpu.memory_space<vmem>>
            %dma_wait3A_477 = tpu.memref_squeeze %dma_wait3A_476 : memref<1x128x32xbf16, #tpu.memory_space<vmem>> -> memref<128x32xbf16, #tpu.memory_space<vmem>>
            %dma_wait3A_478 = arith.constant 0 : i32
            %dma_wait3A_479 = tpu.memref_slice %arg8[%dma_wait3A_473, %dma_wait3A_478] : memref<56x128xi32, #tpu.memory_space<vmem>> -> memref<1x128xi32, #tpu.memory_space<vmem>>
            %dma_wait3A_480 = tpu.memref_squeeze %dma_wait3A_479 : memref<1x128xi32, #tpu.memory_space<vmem>> -> memref<128xi32, #tpu.memory_space<vmem>>
            %dma_wait3A_481 = arith.constant 0 : i32
            %dma_wait3A_482 = arith.constant 0 : i32
            %dma_wait3A_483 = tpu.memref_slice %arg11[%dma_wait3A_481, %dma_wait3A_482] : memref<50176x32xbf16, #tpu.memory_space<vmem_shared>> -> memref<50176x32xbf16, #tpu.memory_space<vmem_shared>>
            tpu.wait_indirect_dma semaphore(%arg15 : memref<!tpu.dma_semaphore, #tpu.memory_space<semaphore_mem>>) src(%dma_wait3A_477 : memref<128x32xbf16, #tpu.memory_space<vmem>>) dst(%dma_wait3A_483 : memref<50176x32xbf16, #tpu.memory_space<vmem_shared>>)
            %dma_wait3A_484 = arith.constant 0 : i32
            %dma_wait3A_485 = arith.constant 0 : i32
            %dma_wait3A_486 = arith.constant 0 : i32
            %dma_wait3A_487 = arith.constant 0 : i32
            %dma_wait3A_488 = tpu.memref_slice %arg9[%dma_wait3A_484, %dma_wait3A_486, %dma_wait3A_487] : memref<8x128x32xbf16, #tpu.memory_space<vmem>> -> memref<1x128x32xbf16, #tpu.memory_space<vmem>>
            %dma_wait3A_489 = tpu.memref_squeeze %dma_wait3A_488 : memref<1x128x32xbf16, #tpu.memory_space<vmem>> -> memref<128x32xbf16, #tpu.memory_space<vmem>>
            %dma_wait3A_490 = arith.constant 0 : i32
            %dma_wait3A_491 = tpu.memref_slice %arg8[%dma_wait3A_485, %dma_wait3A_490] : memref<56x128xi32, #tpu.memory_space<vmem>> -> memref<1x128xi32, #tpu.memory_space<vmem>>
            %dma_wait3A_492 = tpu.memref_squeeze %dma_wait3A_491 : memref<1x128xi32, #tpu.memory_space<vmem>> -> memref<128xi32, #tpu.memory_space<vmem>>
            %dma_wait3A_493 = arith.constant 0 : i32
            %dma_wait3A_494 = arith.constant 0 : i32
            %dma_wait3A_495 = tpu.memref_slice %arg11[%dma_wait3A_493, %dma_wait3A_494] : memref<50176x32xbf16, #tpu.memory_space<vmem_shared>> -> memref<50176x32xbf16, #tpu.memory_space<vmem_shared>>
            tpu.wait_indirect_dma semaphore(%arg15 : memref<!tpu.dma_semaphore, #tpu.memory_space<semaphore_mem>>) src(%dma_wait3A_489 : memref<128x32xbf16, #tpu.memory_space<vmem>>) dst(%dma_wait3A_495 : memref<50176x32xbf16, #tpu.memory_space<vmem_shared>>)
            %dma_wait3A_496 = arith.constant 0 : i32
            %dma_wait3A_497 = arith.constant 0 : i32
            %dma_wait3A_498 = arith.constant 0 : i32
            %dma_wait3A_499 = arith.constant 0 : i32
            %dma_wait3A_500 = tpu.memref_slice %arg9[%dma_wait3A_496, %dma_wait3A_498, %dma_wait3A_499] : memref<8x128x32xbf16, #tpu.memory_space<vmem>> -> memref<1x128x32xbf16, #tpu.memory_space<vmem>>
            %dma_wait3A_501 = tpu.memref_squeeze %dma_wait3A_500 : memref<1x128x32xbf16, #tpu.memory_space<vmem>> -> memref<128x32xbf16, #tpu.memory_space<vmem>>
            %dma_wait3A_502 = arith.constant 0 : i32
            %dma_wait3A_503 = tpu.memref_slice %arg8[%dma_wait3A_497, %dma_wait3A_502] : memref<56x128xi32, #tpu.memory_space<vmem>> -> memref<1x128xi32, #tpu.memory_space<vmem>>
            %dma_wait3A_504 = tpu.memref_squeeze %dma_wait3A_503 : memref<1x128xi32, #tpu.memory_space<vmem>> -> memref<128xi32, #tpu.memory_space<vmem>>
            %dma_wait3A_505 = arith.constant 0 : i32
            %dma_wait3A_506 = arith.constant 0 : i32
            %dma_wait3A_507 = tpu.memref_slice %arg11[%dma_wait3A_505, %dma_wait3A_506] : memref<50176x32xbf16, #tpu.memory_space<vmem_shared>> -> memref<50176x32xbf16, #tpu.memory_space<vmem_shared>>
            tpu.wait_indirect_dma semaphore(%arg15 : memref<!tpu.dma_semaphore, #tpu.memory_space<semaphore_mem>>) src(%dma_wait3A_501 : memref<128x32xbf16, #tpu.memory_space<vmem>>) dst(%dma_wait3A_507 : memref<50176x32xbf16, #tpu.memory_space<vmem_shared>>)
          } else {
          }
          %add3A_215 = arith.constant 0 : i32
          %add3A_216 = arith.addi %add3A_153, %add3A_215 : i32
          %dma_start3A_217 = arith.constant 4 : i32
          %dma_start3A_218 = arith.constant 0 : i32
          %dma_start3A_219 = arith.constant 0 : i32
          %dma_start3A_220 = tpu.memref_slice %arg9[%dma_start3A_217, %dma_start3A_218, %dma_start3A_219] : memref<8x128x32xbf16, #tpu.memory_space<vmem>> -> memref<1x128x32xbf16, #tpu.memory_space<vmem>>
          %dma_start3A_221 = tpu.memref_squeeze %dma_start3A_220 : memref<1x128x32xbf16, #tpu.memory_space<vmem>> -> memref<128x32xbf16, #tpu.memory_space<vmem>>
          %dma_start3A_222 = arith.constant 0 : i32
          %dma_start3A_223 = tpu.memref_slice %arg7[%add3A_216, %dma_start3A_222] : memref<56x128xi32, #tpu.memory_space<vmem>> -> memref<1x128xi32, #tpu.memory_space<vmem>>
          %dma_start3A_224 = tpu.memref_squeeze %dma_start3A_223 : memref<1x128xi32, #tpu.memory_space<vmem>> -> memref<128xi32, #tpu.memory_space<vmem>>
          %dma_start3A_225 = arith.constant 0 : i32
          %dma_start3A_226 = arith.constant 0 : i32
          %dma_start3A_227 = tpu.memref_slice %arg2[%dma_start3A_225, %dma_start3A_226] : memref<400000x32xbf16, #tpu.memory_space<hbm>> -> memref<400000x32xbf16, #tpu.memory_space<hbm>>
          tpu.enqueue_indirect_dma source(%dma_start3A_227 : memref<400000x32xbf16, #tpu.memory_space<hbm>>) target(%dma_start3A_221 : memref<128x32xbf16, #tpu.memory_space<vmem>>) offsets(%dma_start3A_224 : memref<128xi32, #tpu.memory_space<vmem>>) semaphore(%arg13 : memref<!tpu.dma_semaphore, #tpu.memory_space<semaphore_mem>>)
          %add3A_228 = arith.constant 1 : i32
          %add3A_229 = arith.addi %add3A_153, %add3A_228 : i32
          %dma_start3A_230 = arith.constant 5 : i32
          %dma_start3A_231 = arith.constant 0 : i32
          %dma_start3A_232 = arith.constant 0 : i32
          %dma_start3A_233 = tpu.memref_slice %arg9[%dma_start3A_230, %dma_start3A_231, %dma_start3A_232] : memref<8x128x32xbf16, #tpu.memory_space<vmem>> -> memref<1x128x32xbf16, #tpu.memory_space<vmem>>
          %dma_start3A_234 = tpu.memref_squeeze %dma_start3A_233 : memref<1x128x32xbf16, #tpu.memory_space<vmem>> -> memref<128x32xbf16, #tpu.memory_space<vmem>>
          %dma_start3A_235 = arith.constant 0 : i32
          %dma_start3A_236 = tpu.memref_slice %arg7[%add3A_229, %dma_start3A_235] : memref<56x128xi32, #tpu.memory_space<vmem>> -> memref<1x128xi32, #tpu.memory_space<vmem>>
          %dma_start3A_237 = tpu.memref_squeeze %dma_start3A_236 : memref<1x128xi32, #tpu.memory_space<vmem>> -> memref<128xi32, #tpu.memory_space<vmem>>
          %dma_start3A_238 = arith.constant 0 : i32
          %dma_start3A_239 = arith.constant 0 : i32
          %dma_start3A_240 = tpu.memref_slice %arg2[%dma_start3A_238, %dma_start3A_239] : memref<400000x32xbf16, #tpu.memory_space<hbm>> -> memref<400000x32xbf16, #tpu.memory_space<hbm>>
          tpu.enqueue_indirect_dma source(%dma_start3A_240 : memref<400000x32xbf16, #tpu.memory_space<hbm>>) target(%dma_start3A_234 : memref<128x32xbf16, #tpu.memory_space<vmem>>) offsets(%dma_start3A_237 : memref<128xi32, #tpu.memory_space<vmem>>) semaphore(%arg13 : memref<!tpu.dma_semaphore, #tpu.memory_space<semaphore_mem>>)
          %add3A_241 = arith.constant 2 : i32
          %add3A_242 = arith.addi %add3A_153, %add3A_241 : i32
          %dma_start3A_243 = arith.constant 6 : i32
          %dma_start3A_244 = arith.constant 0 : i32
          %dma_start3A_245 = arith.constant 0 : i32
          %dma_start3A_246 = tpu.memref_slice %arg9[%dma_start3A_243, %dma_start3A_244, %dma_start3A_245] : memref<8x128x32xbf16, #tpu.memory_space<vmem>> -> memref<1x128x32xbf16, #tpu.memory_space<vmem>>
          %dma_start3A_247 = tpu.memref_squeeze %dma_start3A_246 : memref<1x128x32xbf16, #tpu.memory_space<vmem>> -> memref<128x32xbf16, #tpu.memory_space<vmem>>
          %dma_start3A_248 = arith.constant 0 : i32
          %dma_start3A_249 = tpu.memref_slice %arg7[%add3A_242, %dma_start3A_248] : memref<56x128xi32, #tpu.memory_space<vmem>> -> memref<1x128xi32, #tpu.memory_space<vmem>>
          %dma_start3A_250 = tpu.memref_squeeze %dma_start3A_249 : memref<1x128xi32, #tpu.memory_space<vmem>> -> memref<128xi32, #tpu.memory_space<vmem>>
          %dma_start3A_251 = arith.constant 0 : i32
          %dma_start3A_252 = arith.constant 0 : i32
          %dma_start3A_253 = tpu.memref_slice %arg2[%dma_start3A_251, %dma_start3A_252] : memref<400000x32xbf16, #tpu.memory_space<hbm>> -> memref<400000x32xbf16, #tpu.memory_space<hbm>>
          tpu.enqueue_indirect_dma source(%dma_start3A_253 : memref<400000x32xbf16, #tpu.memory_space<hbm>>) target(%dma_start3A_247 : memref<128x32xbf16, #tpu.memory_space<vmem>>) offsets(%dma_start3A_250 : memref<128xi32, #tpu.memory_space<vmem>>) semaphore(%arg13 : memref<!tpu.dma_semaphore, #tpu.memory_space<semaphore_mem>>)
          %add3A_254 = arith.constant 3 : i32
          %add3A_255 = arith.addi %add3A_153, %add3A_254 : i32
          %dma_start3A_256 = arith.constant 7 : i32
          %dma_start3A_257 = arith.constant 0 : i32
          %dma_start3A_258 = arith.constant 0 : i32
          %dma_start3A_259 = tpu.memref_slice %arg9[%dma_start3A_256, %dma_start3A_257, %dma_start3A_258] : memref<8x128x32xbf16, #tpu.memory_space<vmem>> -> memref<1x128x32xbf16, #tpu.memory_space<vmem>>
          %dma_start3A_260 = tpu.memref_squeeze %dma_start3A_259 : memref<1x128x32xbf16, #tpu.memory_space<vmem>> -> memref<128x32xbf16, #tpu.memory_space<vmem>>
          %dma_start3A_261 = arith.constant 0 : i32
          %dma_start3A_262 = tpu.memref_slice %arg7[%add3A_255, %dma_start3A_261] : memref<56x128xi32, #tpu.memory_space<vmem>> -> memref<1x128xi32, #tpu.memory_space<vmem>>
          %dma_start3A_263 = tpu.memref_squeeze %dma_start3A_262 : memref<1x128xi32, #tpu.memory_space<vmem>> -> memref<128xi32, #tpu.memory_space<vmem>>
          %dma_start3A_264 = arith.constant 0 : i32
          %dma_start3A_265 = arith.constant 0 : i32
          %dma_start3A_266 = tpu.memref_slice %arg2[%dma_start3A_264, %dma_start3A_265] : memref<400000x32xbf16, #tpu.memory_space<hbm>> -> memref<400000x32xbf16, #tpu.memory_space<hbm>>
          tpu.enqueue_indirect_dma source(%dma_start3A_266 : memref<400000x32xbf16, #tpu.memory_space<hbm>>) target(%dma_start3A_260 : memref<128x32xbf16, #tpu.memory_space<vmem>>) offsets(%dma_start3A_263 : memref<128xi32, #tpu.memory_space<vmem>>) semaphore(%arg13 : memref<!tpu.dma_semaphore, #tpu.memory_space<semaphore_mem>>)
          %dma_wait3A_267 = arith.constant 0 : i32
          %dma_wait3A_268 = arith.constant 0 : i32
          %dma_wait3A_269 = arith.constant 0 : i32
          %dma_wait3A_270 = tpu.memref_slice %arg9[%dma_wait3A_267, %dma_wait3A_268, %dma_wait3A_269] : memref<8x128x32xbf16, #tpu.memory_space<vmem>> -> memref<1x128x32xbf16, #tpu.memory_space<vmem>>
          %dma_wait3A_271 = tpu.memref_squeeze %dma_wait3A_270 : memref<1x128x32xbf16, #tpu.memory_space<vmem>> -> memref<128x32xbf16, #tpu.memory_space<vmem>>
          %dma_wait3A_272 = arith.constant 0 : i32
          %dma_wait3A_273 = tpu.memref_slice %arg7[%add3A_160, %dma_wait3A_272] : memref<56x128xi32, #tpu.memory_space<vmem>> -> memref<1x128xi32, #tpu.memory_space<vmem>>
          %dma_wait3A_274 = tpu.memref_squeeze %dma_wait3A_273 : memref<1x128xi32, #tpu.memory_space<vmem>> -> memref<128xi32, #tpu.memory_space<vmem>>
          %dma_wait3A_275 = arith.constant 0 : i32
          %dma_wait3A_276 = arith.constant 0 : i32
          %dma_wait3A_277 = tpu.memref_slice %arg2[%dma_wait3A_275, %dma_wait3A_276] : memref<400000x32xbf16, #tpu.memory_space<hbm>> -> memref<400000x32xbf16, #tpu.memory_space<hbm>>
          tpu.wait_indirect_dma semaphore(%arg12 : memref<!tpu.dma_semaphore, #tpu.memory_space<semaphore_mem>>) src(%dma_wait3A_277 : memref<400000x32xbf16, #tpu.memory_space<hbm>>) dst(%dma_wait3A_271 : memref<128x32xbf16, #tpu.memory_space<vmem>>)
          %dma_wait3A_278 = arith.constant 1 : i32
          %dma_wait3A_279 = arith.constant 0 : i32
          %dma_wait3A_280 = arith.constant 0 : i32
          %dma_wait3A_281 = tpu.memref_slice %arg9[%dma_wait3A_278, %dma_wait3A_279, %dma_wait3A_280] : memref<8x128x32xbf16, #tpu.memory_space<vmem>> -> memref<1x128x32xbf16, #tpu.memory_space<vmem>>
          %dma_wait3A_282 = tpu.memref_squeeze %dma_wait3A_281 : memref<1x128x32xbf16, #tpu.memory_space<vmem>> -> memref<128x32xbf16, #tpu.memory_space<vmem>>
          %dma_wait3A_283 = arith.constant 0 : i32
          %dma_wait3A_284 = tpu.memref_slice %arg7[%add3A_172, %dma_wait3A_283] : memref<56x128xi32, #tpu.memory_space<vmem>> -> memref<1x128xi32, #tpu.memory_space<vmem>>
          %dma_wait3A_285 = tpu.memref_squeeze %dma_wait3A_284 : memref<1x128xi32, #tpu.memory_space<vmem>> -> memref<128xi32, #tpu.memory_space<vmem>>
          %dma_wait3A_286 = arith.constant 0 : i32
          %dma_wait3A_287 = arith.constant 0 : i32
          %dma_wait3A_288 = tpu.memref_slice %arg2[%dma_wait3A_286, %dma_wait3A_287] : memref<400000x32xbf16, #tpu.memory_space<hbm>> -> memref<400000x32xbf16, #tpu.memory_space<hbm>>
          tpu.wait_indirect_dma semaphore(%arg12 : memref<!tpu.dma_semaphore, #tpu.memory_space<semaphore_mem>>) src(%dma_wait3A_288 : memref<400000x32xbf16, #tpu.memory_space<hbm>>) dst(%dma_wait3A_282 : memref<128x32xbf16, #tpu.memory_space<vmem>>)
          %dma_wait3A_289 = arith.constant 2 : i32
          %dma_wait3A_290 = arith.constant 0 : i32
          %dma_wait3A_291 = arith.constant 0 : i32
          %dma_wait3A_292 = tpu.memref_slice %arg9[%dma_wait3A_289, %dma_wait3A_290, %dma_wait3A_291] : memref<8x128x32xbf16, #tpu.memory_space<vmem>> -> memref<1x128x32xbf16, #tpu.memory_space<vmem>>
          %dma_wait3A_293 = tpu.memref_squeeze %dma_wait3A_292 : memref<1x128x32xbf16, #tpu.memory_space<vmem>> -> memref<128x32xbf16, #tpu.memory_space<vmem>>
          %dma_wait3A_294 = arith.constant 0 : i32
          %dma_wait3A_295 = tpu.memref_slice %arg7[%add3A_185, %dma_wait3A_294] : memref<56x128xi32, #tpu.memory_space<vmem>> -> memref<1x128xi32, #tpu.memory_space<vmem>>
          %dma_wait3A_296 = tpu.memref_squeeze %dma_wait3A_295 : memref<1x128xi32, #tpu.memory_space<vmem>> -> memref<128xi32, #tpu.memory_space<vmem>>
          %dma_wait3A_297 = arith.constant 0 : i32
          %dma_wait3A_298 = arith.constant 0 : i32
          %dma_wait3A_299 = tpu.memref_slice %arg2[%dma_wait3A_297, %dma_wait3A_298] : memref<400000x32xbf16, #tpu.memory_space<hbm>> -> memref<400000x32xbf16, #tpu.memory_space<hbm>>
          tpu.wait_indirect_dma semaphore(%arg12 : memref<!tpu.dma_semaphore, #tpu.memory_space<semaphore_mem>>) src(%dma_wait3A_299 : memref<400000x32xbf16, #tpu.memory_space<hbm>>) dst(%dma_wait3A_293 : memref<128x32xbf16, #tpu.memory_space<vmem>>)
          %dma_wait3A_300 = arith.constant 3 : i32
          %dma_wait3A_301 = arith.constant 0 : i32
          %dma_wait3A_302 = arith.constant 0 : i32
          %dma_wait3A_303 = tpu.memref_slice %arg9[%dma_wait3A_300, %dma_wait3A_301, %dma_wait3A_302] : memref<8x128x32xbf16, #tpu.memory_space<vmem>> -> memref<1x128x32xbf16, #tpu.memory_space<vmem>>
          %dma_wait3A_304 = tpu.memref_squeeze %dma_wait3A_303 : memref<1x128x32xbf16, #tpu.memory_space<vmem>> -> memref<128x32xbf16, #tpu.memory_space<vmem>>
          %dma_wait3A_305 = arith.constant 0 : i32
          %dma_wait3A_306 = tpu.memref_slice %arg7[%add3A_198, %dma_wait3A_305] : memref<56x128xi32, #tpu.memory_space<vmem>> -> memref<1x128xi32, #tpu.memory_space<vmem>>
          %dma_wait3A_307 = tpu.memref_squeeze %dma_wait3A_306 : memref<1x128xi32, #tpu.memory_space<vmem>> -> memref<128xi32, #tpu.memory_space<vmem>>
          %dma_wait3A_308 = arith.constant 0 : i32
          %dma_wait3A_309 = arith.constant 0 : i32
          %dma_wait3A_310 = tpu.memref_slice %arg2[%dma_wait3A_308, %dma_wait3A_309] : memref<400000x32xbf16, #tpu.memory_space<hbm>> -> memref<400000x32xbf16, #tpu.memory_space<hbm>>
          tpu.wait_indirect_dma semaphore(%arg12 : memref<!tpu.dma_semaphore, #tpu.memory_space<semaphore_mem>>) src(%dma_wait3A_310 : memref<400000x32xbf16, #tpu.memory_space<hbm>>) dst(%dma_wait3A_304 : memref<128x32xbf16, #tpu.memory_space<vmem>>)
          %add3A_311 = arith.constant 0 : i32
          %add3A_312 = arith.addi %mul3A_151, %add3A_311 : i32
          %dma_start3A_313 = arith.constant 0 : i32
          %dma_start3A_314 = arith.constant 0 : i32
          %dma_start3A_315 = arith.constant 0 : i32
          %dma_start3A_316 = tpu.memref_slice %arg9[%dma_start3A_313, %dma_start3A_314, %dma_start3A_315] : memref<8x128x32xbf16, #tpu.memory_space<vmem>> -> memref<1x128x32xbf16, #tpu.memory_space<vmem>>
          %dma_start3A_317 = tpu.memref_squeeze %dma_start3A_316 : memref<1x128x32xbf16, #tpu.memory_space<vmem>> -> memref<128x32xbf16, #tpu.memory_space<vmem>>
          %dma_start3A_318 = arith.constant 0 : i32
          %dma_start3A_319 = tpu.memref_slice %arg8[%add3A_312, %dma_start3A_318] : memref<56x128xi32, #tpu.memory_space<vmem>> -> memref<1x128xi32, #tpu.memory_space<vmem>>
          %dma_start3A_320 = tpu.memref_squeeze %dma_start3A_319 : memref<1x128xi32, #tpu.memory_space<vmem>> -> memref<128xi32, #tpu.memory_space<vmem>>
          %dma_start3A_321 = arith.constant 0 : i32
          %dma_start3A_322 = arith.constant 0 : i32
          %dma_start3A_323 = tpu.memref_slice %arg11[%dma_start3A_321, %dma_start3A_322] : memref<50176x32xbf16, #tpu.memory_space<vmem_shared>> -> memref<50176x32xbf16, #tpu.memory_space<vmem_shared>>
          tpu.enqueue_indirect_dma source(%dma_start3A_317 : memref<128x32xbf16, #tpu.memory_space<vmem>>) target(%dma_start3A_323 : memref<50176x32xbf16, #tpu.memory_space<vmem_shared>>) offsets(%dma_start3A_320 : memref<128xi32, #tpu.memory_space<vmem>>) semaphore(%arg14 : memref<!tpu.dma_semaphore, #tpu.memory_space<semaphore_mem>>) {add = true}
          %add3A_324 = arith.constant 1 : i32
          %add3A_325 = arith.addi %mul3A_151, %add3A_324 : i32
          %dma_start3A_326 = arith.constant 1 : i32
          %dma_start3A_327 = arith.constant 0 : i32
          %dma_start3A_328 = arith.constant 0 : i32
          %dma_start3A_329 = tpu.memref_slice %arg9[%dma_start3A_326, %dma_start3A_327, %dma_start3A_328] : memref<8x128x32xbf16, #tpu.memory_space<vmem>> -> memref<1x128x32xbf16, #tpu.memory_space<vmem>>
          %dma_start3A_330 = tpu.memref_squeeze %dma_start3A_329 : memref<1x128x32xbf16, #tpu.memory_space<vmem>> -> memref<128x32xbf16, #tpu.memory_space<vmem>>
          %dma_start3A_331 = arith.constant 0 : i32
          %dma_start3A_332 = tpu.memref_slice %arg8[%add3A_325, %dma_start3A_331] : memref<56x128xi32, #tpu.memory_space<vmem>> -> memref<1x128xi32, #tpu.memory_space<vmem>>
          %dma_start3A_333 = tpu.memref_squeeze %dma_start3A_332 : memref<1x128xi32, #tpu.memory_space<vmem>> -> memref<128xi32, #tpu.memory_space<vmem>>
          %dma_start3A_334 = arith.constant 0 : i32
          %dma_start3A_335 = arith.constant 0 : i32
          %dma_start3A_336 = tpu.memref_slice %arg11[%dma_start3A_334, %dma_start3A_335] : memref<50176x32xbf16, #tpu.memory_space<vmem_shared>> -> memref<50176x32xbf16, #tpu.memory_space<vmem_shared>>
          tpu.enqueue_indirect_dma source(%dma_start3A_330 : memref<128x32xbf16, #tpu.memory_space<vmem>>) target(%dma_start3A_336 : memref<50176x32xbf16, #tpu.memory_space<vmem_shared>>) offsets(%dma_start3A_333 : memref<128xi32, #tpu.memory_space<vmem>>) semaphore(%arg14 : memref<!tpu.dma_semaphore, #tpu.memory_space<semaphore_mem>>) {add = true}
          %add3A_337 = arith.constant 2 : i32
          %add3A_338 = arith.addi %mul3A_151, %add3A_337 : i32
          %dma_start3A_339 = arith.constant 2 : i32
          %dma_start3A_340 = arith.constant 0 : i32
          %dma_start3A_341 = arith.constant 0 : i32
          %dma_start3A_342 = tpu.memref_slice %arg9[%dma_start3A_339, %dma_start3A_340, %dma_start3A_341] : memref<8x128x32xbf16, #tpu.memory_space<vmem>> -> memref<1x128x32xbf16, #tpu.memory_space<vmem>>
          %dma_start3A_343 = tpu.memref_squeeze %dma_start3A_342 : memref<1x128x32xbf16, #tpu.memory_space<vmem>> -> memref<128x32xbf16, #tpu.memory_space<vmem>>
          %dma_start3A_344 = arith.constant 0 : i32
          %dma_start3A_345 = tpu.memref_slice %arg8[%add3A_338, %dma_start3A_344] : memref<56x128xi32, #tpu.memory_space<vmem>> -> memref<1x128xi32, #tpu.memory_space<vmem>>
          %dma_start3A_346 = tpu.memref_squeeze %dma_start3A_345 : memref<1x128xi32, #tpu.memory_space<vmem>> -> memref<128xi32, #tpu.memory_space<vmem>>
          %dma_start3A_347 = arith.constant 0 : i32
          %dma_start3A_348 = arith.constant 0 : i32
          %dma_start3A_349 = tpu.memref_slice %arg11[%dma_start3A_347, %dma_start3A_348] : memref<50176x32xbf16, #tpu.memory_space<vmem_shared>> -> memref<50176x32xbf16, #tpu.memory_space<vmem_shared>>
          tpu.enqueue_indirect_dma source(%dma_start3A_343 : memref<128x32xbf16, #tpu.memory_space<vmem>>) target(%dma_start3A_349 : memref<50176x32xbf16, #tpu.memory_space<vmem_shared>>) offsets(%dma_start3A_346 : memref<128xi32, #tpu.memory_space<vmem>>) semaphore(%arg14 : memref<!tpu.dma_semaphore, #tpu.memory_space<semaphore_mem>>) {add = true}
          %add3A_350 = arith.constant 3 : i32
          %add3A_351 = arith.addi %mul3A_151, %add3A_350 : i32
          %dma_start3A_352 = arith.constant 3 : i32
          %dma_start3A_353 = arith.constant 0 : i32
          %dma_start3A_354 = arith.constant 0 : i32
          %dma_start3A_355 = tpu.memref_slice %arg9[%dma_start3A_352, %dma_start3A_353, %dma_start3A_354] : memref<8x128x32xbf16, #tpu.memory_space<vmem>> -> memref<1x128x32xbf16, #tpu.memory_space<vmem>>
          %dma_start3A_356 = tpu.memref_squeeze %dma_start3A_355 : memref<1x128x32xbf16, #tpu.memory_space<vmem>> -> memref<128x32xbf16, #tpu.memory_space<vmem>>
          %dma_start3A_357 = arith.constant 0 : i32
          %dma_start3A_358 = tpu.memref_slice %arg8[%add3A_351, %dma_start3A_357] : memref<56x128xi32, #tpu.memory_space<vmem>> -> memref<1x128xi32, #tpu.memory_space<vmem>>
          %dma_start3A_359 = tpu.memref_squeeze %dma_start3A_358 : memref<1x128xi32, #tpu.memory_space<vmem>> -> memref<128xi32, #tpu.memory_space<vmem>>
          %dma_start3A_360 = arith.constant 0 : i32
          %dma_start3A_361 = arith.constant 0 : i32
          %dma_start3A_362 = tpu.memref_slice %arg11[%dma_start3A_360, %dma_start3A_361] : memref<50176x32xbf16, #tpu.memory_space<vmem_shared>> -> memref<50176x32xbf16, #tpu.memory_space<vmem_shared>>
          tpu.enqueue_indirect_dma source(%dma_start3A_356 : memref<128x32xbf16, #tpu.memory_space<vmem>>) target(%dma_start3A_362 : memref<50176x32xbf16, #tpu.memory_space<vmem_shared>>) offsets(%dma_start3A_359 : memref<128xi32, #tpu.memory_space<vmem>>) semaphore(%arg14 : memref<!tpu.dma_semaphore, #tpu.memory_space<semaphore_mem>>) {add = true}
          %dma_wait3A_363 = arith.constant 4 : i32
          %dma_wait3A_364 = arith.constant 0 : i32
          %dma_wait3A_365 = arith.constant 0 : i32
          %dma_wait3A_366 = tpu.memref_slice %arg9[%dma_wait3A_363, %dma_wait3A_364, %dma_wait3A_365] : memref<8x128x32xbf16, #tpu.memory_space<vmem>> -> memref<1x128x32xbf16, #tpu.memory_space<vmem>>
          %dma_wait3A_367 = tpu.memref_squeeze %dma_wait3A_366 : memref<1x128x32xbf16, #tpu.memory_space<vmem>> -> memref<128x32xbf16, #tpu.memory_space<vmem>>
          %dma_wait3A_368 = arith.constant 0 : i32
          %dma_wait3A_369 = tpu.memref_slice %arg7[%add3A_216, %dma_wait3A_368] : memref<56x128xi32, #tpu.memory_space<vmem>> -> memref<1x128xi32, #tpu.memory_space<vmem>>
          %dma_wait3A_370 = tpu.memref_squeeze %dma_wait3A_369 : memref<1x128xi32, #tpu.memory_space<vmem>> -> memref<128xi32, #tpu.memory_space<vmem>>
          %dma_wait3A_371 = arith.constant 0 : i32
          %dma_wait3A_372 = arith.constant 0 : i32
          %dma_wait3A_373 = tpu.memref_slice %arg2[%dma_wait3A_371, %dma_wait3A_372] : memref<400000x32xbf16, #tpu.memory_space<hbm>> -> memref<400000x32xbf16, #tpu.memory_space<hbm>>
          tpu.wait_indirect_dma semaphore(%arg13 : memref<!tpu.dma_semaphore, #tpu.memory_space<semaphore_mem>>) src(%dma_wait3A_373 : memref<400000x32xbf16, #tpu.memory_space<hbm>>) dst(%dma_wait3A_367 : memref<128x32xbf16, #tpu.memory_space<vmem>>)
          %dma_wait3A_374 = arith.constant 5 : i32
          %dma_wait3A_375 = arith.constant 0 : i32
          %dma_wait3A_376 = arith.constant 0 : i32
          %dma_wait3A_377 = tpu.memref_slice %arg9[%dma_wait3A_374, %dma_wait3A_375, %dma_wait3A_376] : memref<8x128x32xbf16, #tpu.memory_space<vmem>> -> memref<1x128x32xbf16, #tpu.memory_space<vmem>>
          %dma_wait3A_378 = tpu.memref_squeeze %dma_wait3A_377 : memref<1x128x32xbf16, #tpu.memory_space<vmem>> -> memref<128x32xbf16, #tpu.memory_space<vmem>>
          %dma_wait3A_379 = arith.constant 0 : i32
          %dma_wait3A_380 = tpu.memref_slice %arg7[%add3A_229, %dma_wait3A_379] : memref<56x128xi32, #tpu.memory_space<vmem>> -> memref<1x128xi32, #tpu.memory_space<vmem>>
          %dma_wait3A_381 = tpu.memref_squeeze %dma_wait3A_380 : memref<1x128xi32, #tpu.memory_space<vmem>> -> memref<128xi32, #tpu.memory_space<vmem>>
          %dma_wait3A_382 = arith.constant 0 : i32
          %dma_wait3A_383 = arith.constant 0 : i32
          %dma_wait3A_384 = tpu.memref_slice %arg2[%dma_wait3A_382, %dma_wait3A_383] : memref<400000x32xbf16, #tpu.memory_space<hbm>> -> memref<400000x32xbf16, #tpu.memory_space<hbm>>
          tpu.wait_indirect_dma semaphore(%arg13 : memref<!tpu.dma_semaphore, #tpu.memory_space<semaphore_mem>>) src(%dma_wait3A_384 : memref<400000x32xbf16, #tpu.memory_space<hbm>>) dst(%dma_wait3A_378 : memref<128x32xbf16, #tpu.memory_space<vmem>>)
          %dma_wait3A_385 = arith.constant 6 : i32
          %dma_wait3A_386 = arith.constant 0 : i32
          %dma_wait3A_387 = arith.constant 0 : i32
          %dma_wait3A_388 = tpu.memref_slice %arg9[%dma_wait3A_385, %dma_wait3A_386, %dma_wait3A_387] : memref<8x128x32xbf16, #tpu.memory_space<vmem>> -> memref<1x128x32xbf16, #tpu.memory_space<vmem>>
          %dma_wait3A_389 = tpu.memref_squeeze %dma_wait3A_388 : memref<1x128x32xbf16, #tpu.memory_space<vmem>> -> memref<128x32xbf16, #tpu.memory_space<vmem>>
          %dma_wait3A_390 = arith.constant 0 : i32
          %dma_wait3A_391 = tpu.memref_slice %arg7[%add3A_242, %dma_wait3A_390] : memref<56x128xi32, #tpu.memory_space<vmem>> -> memref<1x128xi32, #tpu.memory_space<vmem>>
          %dma_wait3A_392 = tpu.memref_squeeze %dma_wait3A_391 : memref<1x128xi32, #tpu.memory_space<vmem>> -> memref<128xi32, #tpu.memory_space<vmem>>
          %dma_wait3A_393 = arith.constant 0 : i32
          %dma_wait3A_394 = arith.constant 0 : i32
          %dma_wait3A_395 = tpu.memref_slice %arg2[%dma_wait3A_393, %dma_wait3A_394] : memref<400000x32xbf16, #tpu.memory_space<hbm>> -> memref<400000x32xbf16, #tpu.memory_space<hbm>>
          tpu.wait_indirect_dma semaphore(%arg13 : memref<!tpu.dma_semaphore, #tpu.memory_space<semaphore_mem>>) src(%dma_wait3A_395 : memref<400000x32xbf16, #tpu.memory_space<hbm>>) dst(%dma_wait3A_389 : memref<128x32xbf16, #tpu.memory_space<vmem>>)
          %dma_wait3A_396 = arith.constant 7 : i32
          %dma_wait3A_397 = arith.constant 0 : i32
          %dma_wait3A_398 = arith.constant 0 : i32
          %dma_wait3A_399 = tpu.memref_slice %arg9[%dma_wait3A_396, %dma_wait3A_397, %dma_wait3A_398] : memref<8x128x32xbf16, #tpu.memory_space<vmem>> -> memref<1x128x32xbf16, #tpu.memory_space<vmem>>
          %dma_wait3A_400 = tpu.memref_squeeze %dma_wait3A_399 : memref<1x128x32xbf16, #tpu.memory_space<vmem>> -> memref<128x32xbf16, #tpu.memory_space<vmem>>
          %dma_wait3A_401 = arith.constant 0 : i32
          %dma_wait3A_402 = tpu.memref_slice %arg7[%add3A_255, %dma_wait3A_401] : memref<56x128xi32, #tpu.memory_space<vmem>> -> memref<1x128xi32, #tpu.memory_space<vmem>>
          %dma_wait3A_403 = tpu.memref_squeeze %dma_wait3A_402 : memref<1x128xi32, #tpu.memory_space<vmem>> -> memref<128xi32, #tpu.memory_space<vmem>>
          %dma_wait3A_404 = arith.constant 0 : i32
          %dma_wait3A_405 = arith.constant 0 : i32
          %dma_wait3A_406 = tpu.memref_slice %arg2[%dma_wait3A_404, %dma_wait3A_405] : memref<400000x32xbf16, #tpu.memory_space<hbm>> -> memref<400000x32xbf16, #tpu.memory_space<hbm>>
          tpu.wait_indirect_dma semaphore(%arg13 : memref<!tpu.dma_semaphore, #tpu.memory_space<semaphore_mem>>) src(%dma_wait3A_406 : memref<400000x32xbf16, #tpu.memory_space<hbm>>) dst(%dma_wait3A_400 : memref<128x32xbf16, #tpu.memory_space<vmem>>)
          %add3A_407 = arith.constant 0 : i32
          %add3A_408 = arith.addi %add3A_153, %add3A_407 : i32
          %dma_start3A_409 = arith.constant 4 : i32
          %dma_start3A_410 = arith.constant 0 : i32
          %dma_start3A_411 = arith.constant 0 : i32
          %dma_start3A_412 = tpu.memref_slice %arg9[%dma_start3A_409, %dma_start3A_410, %dma_start3A_411] : memref<8x128x32xbf16, #tpu.memory_space<vmem>> -> memref<1x128x32xbf16, #tpu.memory_space<vmem>>
          %dma_start3A_413 = tpu.memref_squeeze %dma_start3A_412 : memref<1x128x32xbf16, #tpu.memory_space<vmem>> -> memref<128x32xbf16, #tpu.memory_space<vmem>>
          %dma_start3A_414 = arith.constant 0 : i32
          %dma_start3A_415 = tpu.memref_slice %arg8[%add3A_408, %dma_start3A_414] : memref<56x128xi32, #tpu.memory_space<vmem>> -> memref<1x128xi32, #tpu.memory_space<vmem>>
          %dma_start3A_416 = tpu.memref_squeeze %dma_start3A_415 : memref<1x128xi32, #tpu.memory_space<vmem>> -> memref<128xi32, #tpu.memory_space<vmem>>
          %dma_start3A_417 = arith.constant 0 : i32
          %dma_start3A_418 = arith.constant 0 : i32
          %dma_start3A_419 = tpu.memref_slice %arg11[%dma_start3A_417, %dma_start3A_418] : memref<50176x32xbf16, #tpu.memory_space<vmem_shared>> -> memref<50176x32xbf16, #tpu.memory_space<vmem_shared>>
          tpu.enqueue_indirect_dma source(%dma_start3A_413 : memref<128x32xbf16, #tpu.memory_space<vmem>>) target(%dma_start3A_419 : memref<50176x32xbf16, #tpu.memory_space<vmem_shared>>) offsets(%dma_start3A_416 : memref<128xi32, #tpu.memory_space<vmem>>) semaphore(%arg15 : memref<!tpu.dma_semaphore, #tpu.memory_space<semaphore_mem>>) {add = true}
          %add3A_420 = arith.constant 1 : i32
          %add3A_421 = arith.addi %add3A_153, %add3A_420 : i32
          %dma_start3A_422 = arith.constant 5 : i32
          %dma_start3A_423 = arith.constant 0 : i32
          %dma_start3A_424 = arith.constant 0 : i32
          %dma_start3A_425 = tpu.memref_slice %arg9[%dma_start3A_422, %dma_start3A_423, %dma_start3A_424] : memref<8x128x32xbf16, #tpu.memory_space<vmem>> -> memref<1x128x32xbf16, #tpu.memory_space<vmem>>
          %dma_start3A_426 = tpu.memref_squeeze %dma_start3A_425 : memref<1x128x32xbf16, #tpu.memory_space<vmem>> -> memref<128x32xbf16, #tpu.memory_space<vmem>>
          %dma_start3A_427 = arith.constant 0 : i32
          %dma_start3A_428 = tpu.memref_slice %arg8[%add3A_421, %dma_start3A_427] : memref<56x128xi32, #tpu.memory_space<vmem>> -> memref<1x128xi32, #tpu.memory_space<vmem>>
          %dma_start3A_429 = tpu.memref_squeeze %dma_start3A_428 : memref<1x128xi32, #tpu.memory_space<vmem>> -> memref<128xi32, #tpu.memory_space<vmem>>
          %dma_start3A_430 = arith.constant 0 : i32
          %dma_start3A_431 = arith.constant 0 : i32
          %dma_start3A_432 = tpu.memref_slice %arg11[%dma_start3A_430, %dma_start3A_431] : memref<50176x32xbf16, #tpu.memory_space<vmem_shared>> -> memref<50176x32xbf16, #tpu.memory_space<vmem_shared>>
          tpu.enqueue_indirect_dma source(%dma_start3A_426 : memref<128x32xbf16, #tpu.memory_space<vmem>>) target(%dma_start3A_432 : memref<50176x32xbf16, #tpu.memory_space<vmem_shared>>) offsets(%dma_start3A_429 : memref<128xi32, #tpu.memory_space<vmem>>) semaphore(%arg15 : memref<!tpu.dma_semaphore, #tpu.memory_space<semaphore_mem>>) {add = true}
          %add3A_433 = arith.constant 2 : i32
          %add3A_434 = arith.addi %add3A_153, %add3A_433 : i32
          %dma_start3A_435 = arith.constant 6 : i32
          %dma_start3A_436 = arith.constant 0 : i32
          %dma_start3A_437 = arith.constant 0 : i32
          %dma_start3A_438 = tpu.memref_slice %arg9[%dma_start3A_435, %dma_start3A_436, %dma_start3A_437] : memref<8x128x32xbf16, #tpu.memory_space<vmem>> -> memref<1x128x32xbf16, #tpu.memory_space<vmem>>
          %dma_start3A_439 = tpu.memref_squeeze %dma_start3A_438 : memref<1x128x32xbf16, #tpu.memory_space<vmem>> -> memref<128x32xbf16, #tpu.memory_space<vmem>>
          %dma_start3A_440 = arith.constant 0 : i32
          %dma_start3A_441 = tpu.memref_slice %arg8[%add3A_434, %dma_start3A_440] : memref<56x128xi32, #tpu.memory_space<vmem>> -> memref<1x128xi32, #tpu.memory_space<vmem>>
          %dma_start3A_442 = tpu.memref_squeeze %dma_start3A_441 : memref<1x128xi32, #tpu.memory_space<vmem>> -> memref<128xi32, #tpu.memory_space<vmem>>
          %dma_start3A_443 = arith.constant 0 : i32
          %dma_start3A_444 = arith.constant 0 : i32
          %dma_start3A_445 = tpu.memref_slice %arg11[%dma_start3A_443, %dma_start3A_444] : memref<50176x32xbf16, #tpu.memory_space<vmem_shared>> -> memref<50176x32xbf16, #tpu.memory_space<vmem_shared>>
          tpu.enqueue_indirect_dma source(%dma_start3A_439 : memref<128x32xbf16, #tpu.memory_space<vmem>>) target(%dma_start3A_445 : memref<50176x32xbf16, #tpu.memory_space<vmem_shared>>) offsets(%dma_start3A_442 : memref<128xi32, #tpu.memory_space<vmem>>) semaphore(%arg15 : memref<!tpu.dma_semaphore, #tpu.memory_space<semaphore_mem>>) {add = true}
          %add3A_446 = arith.constant 3 : i32
          %add3A_447 = arith.addi %add3A_153, %add3A_446 : i32
          %dma_start3A_448 = arith.constant 7 : i32
          %dma_start3A_449 = arith.constant 0 : i32
          %dma_start3A_450 = arith.constant 0 : i32
          %dma_start3A_451 = tpu.memref_slice %arg9[%dma_start3A_448, %dma_start3A_449, %dma_start3A_450] : memref<8x128x32xbf16, #tpu.memory_space<vmem>> -> memref<1x128x32xbf16, #tpu.memory_space<vmem>>
          %dma_start3A_452 = tpu.memref_squeeze %dma_start3A_451 : memref<1x128x32xbf16, #tpu.memory_space<vmem>> -> memref<128x32xbf16, #tpu.memory_space<vmem>>
          %dma_start3A_453 = arith.constant 0 : i32
          %dma_start3A_454 = tpu.memref_slice %arg8[%add3A_447, %dma_start3A_453] : memref<56x128xi32, #tpu.memory_space<vmem>> -> memref<1x128xi32, #tpu.memory_space<vmem>>
          %dma_start3A_455 = tpu.memref_squeeze %dma_start3A_454 : memref<1x128xi32, #tpu.memory_space<vmem>> -> memref<128xi32, #tpu.memory_space<vmem>>
          %dma_start3A_456 = arith.constant 0 : i32
          %dma_start3A_457 = arith.constant 0 : i32
          %dma_start3A_458 = tpu.memref_slice %arg11[%dma_start3A_456, %dma_start3A_457] : memref<50176x32xbf16, #tpu.memory_space<vmem_shared>> -> memref<50176x32xbf16, #tpu.memory_space<vmem_shared>>
          tpu.enqueue_indirect_dma source(%dma_start3A_452 : memref<128x32xbf16, #tpu.memory_space<vmem>>) target(%dma_start3A_458 : memref<50176x32xbf16, #tpu.memory_space<vmem_shared>>) offsets(%dma_start3A_455 : memref<128xi32, #tpu.memory_space<vmem>>) semaphore(%arg15 : memref<!tpu.dma_semaphore, #tpu.memory_space<semaphore_mem>>) {add = true}
          %scan3A_459 = arith.constant 0 : i32
          scf.yield %scan3A_459 : i32
        }
        %scan3A_145 = arith.constant 7 : i32
        scf.yield %scan3A_144 : i32
      }
      %scan3A_34 = arith.constant 7 : i32
      %dma_wait3A = arith.constant 0 : i32
      %dma_wait3A_35 = arith.constant 0 : i32
      %dma_wait3A_36 = arith.constant 0 : i32
      %dma_wait3A_37 = arith.constant 0 : i32
      %dma_wait3A_38 = tpu.memref_slice %arg9[%dma_wait3A, %dma_wait3A_36, %dma_wait3A_37] : memref<8x128x32xbf16, #tpu.memory_space<vmem>> -> memref<1x128x32xbf16, #tpu.memory_space<vmem>>
      %dma_wait3A_39 = tpu.memref_squeeze %dma_wait3A_38 : memref<1x128x32xbf16, #tpu.memory_space<vmem>> -> memref<128x32xbf16, #tpu.memory_space<vmem>>
      %dma_wait3A_40 = arith.constant 0 : i32
      %dma_wait3A_41 = tpu.memref_slice %arg8[%dma_wait3A_35, %dma_wait3A_40] : memref<56x128xi32, #tpu.memory_space<vmem>> -> memref<1x128xi32, #tpu.memory_space<vmem>>
      %dma_wait3A_42 = tpu.memref_squeeze %dma_wait3A_41 : memref<1x128xi32, #tpu.memory_space<vmem>> -> memref<128xi32, #tpu.memory_space<vmem>>
      %dma_wait3A_43 = arith.constant 0 : i32
      %dma_wait3A_44 = arith.constant 0 : i32
      %dma_wait3A_45 = tpu.memref_slice %arg11[%dma_wait3A_43, %dma_wait3A_44] : memref<50176x32xbf16, #tpu.memory_space<vmem_shared>> -> memref<50176x32xbf16, #tpu.memory_space<vmem_shared>>
      tpu.wait_indirect_dma semaphore(%arg14 : memref<!tpu.dma_semaphore, #tpu.memory_space<semaphore_mem>>) src(%dma_wait3A_39 : memref<128x32xbf16, #tpu.memory_space<vmem>>) dst(%dma_wait3A_45 : memref<50176x32xbf16, #tpu.memory_space<vmem_shared>>)
      %dma_wait3A_46 = arith.constant 0 : i32
      %dma_wait3A_47 = arith.constant 0 : i32
      %dma_wait3A_48 = arith.constant 0 : i32
      %dma_wait3A_49 = arith.constant 0 : i32
      %dma_wait3A_50 = tpu.memref_slice %arg9[%dma_wait3A_46, %dma_wait3A_48, %dma_wait3A_49] : memref<8x128x32xbf16, #tpu.memory_space<vmem>> -> memref<1x128x32xbf16, #tpu.memory_space<vmem>>
      %dma_wait3A_51 = tpu.memref_squeeze %dma_wait3A_50 : memref<1x128x32xbf16, #tpu.memory_space<vmem>> -> memref<128x32xbf16, #tpu.memory_space<vmem>>
      %dma_wait3A_52 = arith.constant 0 : i32
      %dma_wait3A_53 = tpu.memref_slice %arg8[%dma_wait3A_47, %dma_wait3A_52] : memref<56x128xi32, #tpu.memory_space<vmem>> -> memref<1x128xi32, #tpu.memory_space<vmem>>
      %dma_wait3A_54 = tpu.memref_squeeze %dma_wait3A_53 : memref<1x128xi32, #tpu.memory_space<vmem>> -> memref<128xi32, #tpu.memory_space<vmem>>
      %dma_wait3A_55 = arith.constant 0 : i32
      %dma_wait3A_56 = arith.constant 0 : i32
      %dma_wait3A_57 = tpu.memref_slice %arg11[%dma_wait3A_55, %dma_wait3A_56] : memref<50176x32xbf16, #tpu.memory_space<vmem_shared>> -> memref<50176x32xbf16, #tpu.memory_space<vmem_shared>>
      tpu.wait_indirect_dma semaphore(%arg14 : memref<!tpu.dma_semaphore, #tpu.memory_space<semaphore_mem>>) src(%dma_wait3A_51 : memref<128x32xbf16, #tpu.memory_space<vmem>>) dst(%dma_wait3A_57 : memref<50176x32xbf16, #tpu.memory_space<vmem_shared>>)
      %dma_wait3A_58 = arith.constant 0 : i32
      %dma_wait3A_59 = arith.constant 0 : i32
      %dma_wait3A_60 = arith.constant 0 : i32
      %dma_wait3A_61 = arith.constant 0 : i32
      %dma_wait3A_62 = tpu.memref_slice %arg9[%dma_wait3A_58, %dma_wait3A_60, %dma_wait3A_61] : memref<8x128x32xbf16, #tpu.memory_space<vmem>> -> memref<1x128x32xbf16, #tpu.memory_space<vmem>>
      %dma_wait3A_63 = tpu.memref_squeeze %dma_wait3A_62 : memref<1x128x32xbf16, #tpu.memory_space<vmem>> -> memref<128x32xbf16, #tpu.memory_space<vmem>>
      %dma_wait3A_64 = arith.constant 0 : i32
      %dma_wait3A_65 = tpu.memref_slice %arg8[%dma_wait3A_59, %dma_wait3A_64] : memref<56x128xi32, #tpu.memory_space<vmem>> -> memref<1x128xi32, #tpu.memory_space<vmem>>
      %dma_wait3A_66 = tpu.memref_squeeze %dma_wait3A_65 : memref<1x128xi32, #tpu.memory_space<vmem>> -> memref<128xi32, #tpu.memory_space<vmem>>
      %dma_wait3A_67 = arith.constant 0 : i32
      %dma_wait3A_68 = arith.constant 0 : i32
      %dma_wait3A_69 = tpu.memref_slice %arg11[%dma_wait3A_67, %dma_wait3A_68] : memref<50176x32xbf16, #tpu.memory_space<vmem_shared>> -> memref<50176x32xbf16, #tpu.memory_space<vmem_shared>>
      tpu.wait_indirect_dma semaphore(%arg14 : memref<!tpu.dma_semaphore, #tpu.memory_space<semaphore_mem>>) src(%dma_wait3A_63 : memref<128x32xbf16, #tpu.memory_space<vmem>>) dst(%dma_wait3A_69 : memref<50176x32xbf16, #tpu.memory_space<vmem_shared>>)
      %dma_wait3A_70 = arith.constant 0 : i32
      %dma_wait3A_71 = arith.constant 0 : i32
      %dma_wait3A_72 = arith.constant 0 : i32
      %dma_wait3A_73 = arith.constant 0 : i32
      %dma_wait3A_74 = tpu.memref_slice %arg9[%dma_wait3A_70, %dma_wait3A_72, %dma_wait3A_73] : memref<8x128x32xbf16, #tpu.memory_space<vmem>> -> memref<1x128x32xbf16, #tpu.memory_space<vmem>>
      %dma_wait3A_75 = tpu.memref_squeeze %dma_wait3A_74 : memref<1x128x32xbf16, #tpu.memory_space<vmem>> -> memref<128x32xbf16, #tpu.memory_space<vmem>>
      %dma_wait3A_76 = arith.constant 0 : i32
      %dma_wait3A_77 = tpu.memref_slice %arg8[%dma_wait3A_71, %dma_wait3A_76] : memref<56x128xi32, #tpu.memory_space<vmem>> -> memref<1x128xi32, #tpu.memory_space<vmem>>
      %dma_wait3A_78 = tpu.memref_squeeze %dma_wait3A_77 : memref<1x128xi32, #tpu.memory_space<vmem>> -> memref<128xi32, #tpu.memory_space<vmem>>
      %dma_wait3A_79 = arith.constant 0 : i32
      %dma_wait3A_80 = arith.constant 0 : i32
      %dma_wait3A_81 = tpu.memref_slice %arg11[%dma_wait3A_79, %dma_wait3A_80] : memref<50176x32xbf16, #tpu.memory_space<vmem_shared>> -> memref<50176x32xbf16, #tpu.memory_space<vmem_shared>>
      tpu.wait_indirect_dma semaphore(%arg14 : memref<!tpu.dma_semaphore, #tpu.memory_space<semaphore_mem>>) src(%dma_wait3A_75 : memref<128x32xbf16, #tpu.memory_space<vmem>>) dst(%dma_wait3A_81 : memref<50176x32xbf16, #tpu.memory_space<vmem_shared>>)
      %dma_wait3A_82 = arith.constant 0 : i32
      %dma_wait3A_83 = arith.constant 0 : i32
      %dma_wait3A_84 = arith.constant 0 : i32
      %dma_wait3A_85 = arith.constant 0 : i32
      %dma_wait3A_86 = tpu.memref_slice %arg9[%dma_wait3A_82, %dma_wait3A_84, %dma_wait3A_85] : memref<8x128x32xbf16, #tpu.memory_space<vmem>> -> memref<1x128x32xbf16, #tpu.memory_space<vmem>>
      %dma_wait3A_87 = tpu.memref_squeeze %dma_wait3A_86 : memref<1x128x32xbf16, #tpu.memory_space<vmem>> -> memref<128x32xbf16, #tpu.memory_space<vmem>>
      %dma_wait3A_88 = arith.constant 0 : i32
      %dma_wait3A_89 = tpu.memref_slice %arg8[%dma_wait3A_83, %dma_wait3A_88] : memref<56x128xi32, #tpu.memory_space<vmem>> -> memref<1x128xi32, #tpu.memory_space<vmem>>
      %dma_wait3A_90 = tpu.memref_squeeze %dma_wait3A_89 : memref<1x128xi32, #tpu.memory_space<vmem>> -> memref<128xi32, #tpu.memory_space<vmem>>
      %dma_wait3A_91 = arith.constant 0 : i32
      %dma_wait3A_92 = arith.constant 0 : i32
      %dma_wait3A_93 = tpu.memref_slice %arg11[%dma_wait3A_91, %dma_wait3A_92] : memref<50176x32xbf16, #tpu.memory_space<vmem_shared>> -> memref<50176x32xbf16, #tpu.memory_space<vmem_shared>>
      tpu.wait_indirect_dma semaphore(%arg15 : memref<!tpu.dma_semaphore, #tpu.memory_space<semaphore_mem>>) src(%dma_wait3A_87 : memref<128x32xbf16, #tpu.memory_space<vmem>>) dst(%dma_wait3A_93 : memref<50176x32xbf16, #tpu.memory_space<vmem_shared>>)
      %dma_wait3A_94 = arith.constant 0 : i32
      %dma_wait3A_95 = arith.constant 0 : i32
      %dma_wait3A_96 = arith.constant 0 : i32
      %dma_wait3A_97 = arith.constant 0 : i32
      %dma_wait3A_98 = tpu.memref_slice %arg9[%dma_wait3A_94, %dma_wait3A_96, %dma_wait3A_97] : memref<8x128x32xbf16, #tpu.memory_space<vmem>> -> memref<1x128x32xbf16, #tpu.memory_space<vmem>>
      %dma_wait3A_99 = tpu.memref_squeeze %dma_wait3A_98 : memref<1x128x32xbf16, #tpu.memory_space<vmem>> -> memref<128x32xbf16, #tpu.memory_space<vmem>>
      %dma_wait3A_100 = arith.constant 0 : i32
      %dma_wait3A_101 = tpu.memref_slice %arg8[%dma_wait3A_95, %dma_wait3A_100] : memref<56x128xi32, #tpu.memory_space<vmem>> -> memref<1x128xi32, #tpu.memory_space<vmem>>
      %dma_wait3A_102 = tpu.memref_squeeze %dma_wait3A_101 : memref<1x128xi32, #tpu.memory_space<vmem>> -> memref<128xi32, #tpu.memory_space<vmem>>
      %dma_wait3A_103 = arith.constant 0 : i32
      %dma_wait3A_104 = arith.constant 0 : i32
      %dma_wait3A_105 = tpu.memref_slice %arg11[%dma_wait3A_103, %dma_wait3A_104] : memref<50176x32xbf16, #tpu.memory_space<vmem_shared>> -> memref<50176x32xbf16, #tpu.memory_space<vmem_shared>>
      tpu.wait_indirect_dma semaphore(%arg15 : memref<!tpu.dma_semaphore, #tpu.memory_space<semaphore_mem>>) src(%dma_wait3A_99 : memref<128x32xbf16, #tpu.memory_space<vmem>>) dst(%dma_wait3A_105 : memref<50176x32xbf16, #tpu.memory_space<vmem_shared>>)
      %dma_wait3A_106 = arith.constant 0 : i32
      %dma_wait3A_107 = arith.constant 0 : i32
      %dma_wait3A_108 = arith.constant 0 : i32
      %dma_wait3A_109 = arith.constant 0 : i32
      %dma_wait3A_110 = tpu.memref_slice %arg9[%dma_wait3A_106, %dma_wait3A_108, %dma_wait3A_109] : memref<8x128x32xbf16, #tpu.memory_space<vmem>> -> memref<1x128x32xbf16, #tpu.memory_space<vmem>>
      %dma_wait3A_111 = tpu.memref_squeeze %dma_wait3A_110 : memref<1x128x32xbf16, #tpu.memory_space<vmem>> -> memref<128x32xbf16, #tpu.memory_space<vmem>>
      %dma_wait3A_112 = arith.constant 0 : i32
      %dma_wait3A_113 = tpu.memref_slice %arg8[%dma_wait3A_107, %dma_wait3A_112] : memref<56x128xi32, #tpu.memory_space<vmem>> -> memref<1x128xi32, #tpu.memory_space<vmem>>
      %dma_wait3A_114 = tpu.memref_squeeze %dma_wait3A_113 : memref<1x128xi32, #tpu.memory_space<vmem>> -> memref<128xi32, #tpu.memory_space<vmem>>
      %dma_wait3A_115 = arith.constant 0 : i32
      %dma_wait3A_116 = arith.constant 0 : i32
      %dma_wait3A_117 = tpu.memref_slice %arg11[%dma_wait3A_115, %dma_wait3A_116] : memref<50176x32xbf16, #tpu.memory_space<vmem_shared>> -> memref<50176x32xbf16, #tpu.memory_space<vmem_shared>>
      tpu.wait_indirect_dma semaphore(%arg15 : memref<!tpu.dma_semaphore, #tpu.memory_space<semaphore_mem>>) src(%dma_wait3A_111 : memref<128x32xbf16, #tpu.memory_space<vmem>>) dst(%dma_wait3A_117 : memref<50176x32xbf16, #tpu.memory_space<vmem_shared>>)
      %dma_wait3A_118 = arith.constant 0 : i32
      %dma_wait3A_119 = arith.constant 0 : i32
      %dma_wait3A_120 = arith.constant 0 : i32
      %dma_wait3A_121 = arith.constant 0 : i32
      %dma_wait3A_122 = tpu.memref_slice %arg9[%dma_wait3A_118, %dma_wait3A_120, %dma_wait3A_121] : memref<8x128x32xbf16, #tpu.memory_space<vmem>> -> memref<1x128x32xbf16, #tpu.memory_space<vmem>>
      %dma_wait3A_123 = tpu.memref_squeeze %dma_wait3A_122 : memref<1x128x32xbf16, #tpu.memory_space<vmem>> -> memref<128x32xbf16, #tpu.memory_space<vmem>>
      %dma_wait3A_124 = arith.constant 0 : i32
      %dma_wait3A_125 = tpu.memref_slice %arg8[%dma_wait3A_119, %dma_wait3A_124] : memref<56x128xi32, #tpu.memory_space<vmem>> -> memref<1x128xi32, #tpu.memory_space<vmem>>
      %dma_wait3A_126 = tpu.memref_squeeze %dma_wait3A_125 : memref<1x128xi32, #tpu.memory_space<vmem>> -> memref<128xi32, #tpu.memory_space<vmem>>
      %dma_wait3A_127 = arith.constant 0 : i32
      %dma_wait3A_128 = arith.constant 0 : i32
      %dma_wait3A_129 = tpu.memref_slice %arg11[%dma_wait3A_127, %dma_wait3A_128] : memref<50176x32xbf16, #tpu.memory_space<vmem_shared>> -> memref<50176x32xbf16, #tpu.memory_space<vmem_shared>>
      tpu.wait_indirect_dma semaphore(%arg15 : memref<!tpu.dma_semaphore, #tpu.memory_space<semaphore_mem>>) src(%dma_wait3A_123 : memref<128x32xbf16, #tpu.memory_space<vmem>>) dst(%dma_wait3A_129 : memref<50176x32xbf16, #tpu.memory_space<vmem_shared>>)
    } else {
    }
    %barrier3A_15 = arith.constant 0 : index
    tpu.barrier barrier_id(%barrier3A_15)
    %eq3A_16 = arith.constant 0 : i32
    %eq3A_17 = arith.cmpi eq, %arg0, %eq3A_16 : i32
    %convert_element_type3A_18 = arith.extui %eq3A_17 : i1 to i32
    %cond3A_19 = arith.constant 0 : i32
    %cond3A_20 = arith.cmpi ne, %convert_element_type3A_18, %cond3A_19 : i32
    scf.if %cond3A_20 {
      "tpu.region"() ({
        %run_scoped3A = tpu.sem_alloc : memref<!tpu.dma_semaphore, #tpu.memory_space<semaphore_mem>>
        %dma_start3A = arith.constant 0 : i32
        %dma_start3A_26 = tpu.memref_slice %arg6[%mul3A_0, %dma_start3A] : memref<50176x128xbf16, #tpu.memory_space<hbm>> -> memref<3136x32xbf16, #tpu.memory_space<hbm>>
        %dma_start3A_27 = arith.constant 0 : i32
        %dma_start3A_28 = tpu.memref_slice %arg11[%mul3A_0, %dma_start3A_27] : memref<50176x32xbf16, #tpu.memory_space<vmem_shared>> -> memref<3136x32xbf16, #tpu.memory_space<vmem_shared>>
        tpu.enqueue_dma source(%dma_start3A_28 : memref<3136x32xbf16, #tpu.memory_space<vmem_shared>>) target(%dma_start3A_26 : memref<3136x32xbf16, #tpu.memory_space<hbm>>) target_semaphore(%run_scoped3A : memref<!tpu.dma_semaphore, #tpu.memory_space<semaphore_mem>>)
        %dma_wait3A = arith.constant 0 : i32
        %dma_wait3A_29 = tpu.memref_slice %arg6[%mul3A_0, %dma_wait3A] : memref<50176x128xbf16, #tpu.memory_space<hbm>> -> memref<3136x32xbf16, #tpu.memory_space<hbm>>
        %dma_wait3A_30 = arith.constant 0 : i32
        %dma_wait3A_31 = tpu.memref_slice %arg11[%mul3A_0, %dma_wait3A_30] : memref<50176x32xbf16, #tpu.memory_space<vmem_shared>> -> memref<3136x32xbf16, #tpu.memory_space<vmem_shared>>
        tpu.wait_dma2 semaphore(%run_scoped3A : memref<!tpu.dma_semaphore, #tpu.memory_space<semaphore_mem>>) src(%dma_wait3A_31 : memref<3136x32xbf16, #tpu.memory_space<vmem_shared>>) dst(%dma_wait3A_29 : memref<3136x32xbf16, #tpu.memory_space<hbm>>)
        tpu.yield
      }) : () -> ()
    } else {
    }
    %eq3A_21 = arith.constant 1 : i32
    %eq3A_22 = arith.cmpi eq, %arg0, %eq3A_21 : i32
    %convert_element_type3A_23 = arith.extui %eq3A_22 : i1 to i32
    %cond3A_24 = arith.constant 0 : i32
    %cond3A_25 = arith.cmpi ne, %convert_element_type3A_23, %cond3A_24 : i32
    scf.if %cond3A_25 {
      "tpu.region"() ({
        %run_scoped3A = tpu.sem_alloc : memref<!tpu.dma_semaphore, #tpu.memory_space<semaphore_mem>>
        %dma_start3A = arith.constant 32 : i32
        %dma_start3A_26 = tpu.memref_slice %arg6[%mul3A_0, %dma_start3A] : memref<50176x128xbf16, #tpu.memory_space<hbm>> -> memref<3136x32xbf16, #tpu.memory_space<hbm>>
        %dma_start3A_27 = arith.constant 0 : i32
        %dma_start3A_28 = tpu.memref_slice %arg11[%mul3A_0, %dma_start3A_27] : memref<50176x32xbf16, #tpu.memory_space<vmem_shared>> -> memref<3136x32xbf16, #tpu.memory_space<vmem_shared>>
        tpu.enqueue_dma source(%dma_start3A_28 : memref<3136x32xbf16, #tpu.memory_space<vmem_shared>>) target(%dma_start3A_26 : memref<3136x32xbf16, #tpu.memory_space<hbm>>) target_semaphore(%run_scoped3A : memref<!tpu.dma_semaphore, #tpu.memory_space<semaphore_mem>>)
        %dma_wait3A = arith.constant 32 : i32
        %dma_wait3A_29 = tpu.memref_slice %arg6[%mul3A_0, %dma_wait3A] : memref<50176x128xbf16, #tpu.memory_space<hbm>> -> memref<3136x32xbf16, #tpu.memory_space<hbm>>
        %dma_wait3A_30 = arith.constant 0 : i32
        %dma_wait3A_31 = tpu.memref_slice %arg11[%mul3A_0, %dma_wait3A_30] : memref<50176x32xbf16, #tpu.memory_space<vmem_shared>> -> memref<3136x32xbf16, #tpu.memory_space<vmem_shared>>
        tpu.wait_dma2 semaphore(%run_scoped3A : memref<!tpu.dma_semaphore, #tpu.memory_space<semaphore_mem>>) src(%dma_wait3A_31 : memref<3136x32xbf16, #tpu.memory_space<vmem_shared>>) dst(%dma_wait3A_29 : memref<3136x32xbf16, #tpu.memory_space<hbm>>)
        tpu.yield
      }) : () -> ()
    } else {
    }
    return
  }
}

module attributes {stable_mosaic.version = 14 : i64} {
  func.func @body(%arg0: i32, %arg1: memref<2000x128xf32, #tpu.memory_space<vmem>>, %arg2: memref<128x64xf32, #tpu.memory_space<vmem>>, %arg3: memref<1x64xf32, #tpu.memory_space<vmem>>, %arg4: memref<64x128xf32, #tpu.memory_space<vmem>>, %arg5: memref<64x128xf32, #tpu.memory_space<vmem>>, %arg6: memref<1x128xf32, #tpu.memory_space<vmem>>, %arg7: memref<1x128xf32, #tpu.memory_space<vmem>>, %arg8: memref<2000x64xf32, #tpu.memory_space<vmem>>, %arg9: memref<2x2000x128xbf16, #tpu.memory_space<vmem>>) attributes {dimension_semantics = [#tpu.dimension_semantics<arbitrary>], iteration_bounds = array<i64: 25>, scalar_prefetch = 0 : i64, scratch_operands = 0 : i64, tpu.core_type = #tpu.core_type<tc>, window_params = [{transform_indices = @transform_0, window_bounds = array<i64: 2000, 128>}, {pipeline_mode = #tpu.pipeline_mode<synchronous>, transform_indices = @transform_1, window_bounds = array<i64: 128, 64>}, {pipeline_mode = #tpu.pipeline_mode<synchronous>, transform_indices = @transform_2, window_bounds = array<i64: 1, 64>}, {pipeline_mode = #tpu.pipeline_mode<synchronous>, transform_indices = @transform_3, window_bounds = array<i64: 64, 128>}, {pipeline_mode = #tpu.pipeline_mode<synchronous>, transform_indices = @transform_4, window_bounds = array<i64: 64, 128>}, {pipeline_mode = #tpu.pipeline_mode<synchronous>, transform_indices = @transform_5, window_bounds = array<i64: 1, 128>}, {pipeline_mode = #tpu.pipeline_mode<synchronous>, transform_indices = @transform_6, window_bounds = array<i64: 1, 128>}, {transform_indices = @transform_7, window_bounds = array<i64: 2000, 64>}, {transform_indices = @transform_8, window_bounds = array<i64: 2, 2000, 128>}]} {
    %get3A = arith.constant 0 : index
    %get3A_0 = arith.constant 0 : index
    %get3A_1 = vector.load %arg1[%get3A, %get3A_0] : memref<2000x128xf32, #tpu.memory_space<vmem>>, vector<2000x128xf32>
    %get3A_2 = arith.constant 0 : index
    %get3A_3 = arith.constant 0 : index
    %get3A_4 = vector.load %arg2[%get3A_2, %get3A_3] : memref<128x64xf32, #tpu.memory_space<vmem>>, vector<128x64xf32>
    %dot_general3A = arith.constant dense<0.000000e+00> : vector<2000x64xf32>
    %dot_general3A_5 = tpu.matmul %get3A_1, %get3A_4, %dot_general3A {dimension_numbers = #tpu.dot_dimension_numbers<[1], [0], [0], [1], [0, 0, 1, 1], [], []>, transpose_lhs_hint = false} : vector<2000x128xf32>, vector<128x64xf32>, vector<2000x64xf32> -> vector<2000x64xf32>
    %get3A_6 = arith.constant 0 : index
    %get3A_7 = arith.constant 0 : index
    %get3A_8 = vector.load %arg3[%get3A_6, %get3A_7] : memref<1x64xf32, #tpu.memory_space<vmem>>, vector<1x64xf32>
    %add3A = vector.broadcast %get3A_8 : vector<1x64xf32> to vector<2000x64xf32>
    %add3A_9 = arith.addf %dot_general3A_5, %add3A : vector<2000x64xf32>
    %swap3A = arith.constant 0 : index
    %swap3A_10 = arith.constant 0 : index
    %swap3A_11 = vector.load %arg8[%swap3A, %swap3A_10] : memref<2000x64xf32, #tpu.memory_space<vmem>>, vector<2000x64xf32>
    tpu.vector_store %arg8[%swap3A, %swap3A_10], %add3A_9 {strides = array<i32>} : memref<2000x64xf32, #tpu.memory_space<vmem>>, vector<2000x64xf32>,
    %get3A_12 = arith.constant 0 : index
    %get3A_13 = arith.constant 0 : index
    %get3A_14 = vector.load %arg4[%get3A_12, %get3A_13] : memref<64x128xf32, #tpu.memory_space<vmem>>, vector<64x128xf32>
    %dot_general3A_15 = arith.constant dense<0.000000e+00> : vector<2000x128xf32>
    %dot_general3A_16 = tpu.matmul %add3A_9, %get3A_14, %dot_general3A_15 {dimension_numbers = #tpu.dot_dimension_numbers<[1], [0], [0], [1], [0, 0, 1, 1], [], []>, transpose_lhs_hint = false} : vector<2000x64xf32>, vector<64x128xf32>, vector<2000x128xf32> -> vector<2000x128xf32>
    %get3A_17 = arith.constant 0 : index
    %get3A_18 = arith.constant 0 : index
    %get3A_19 = vector.load %arg6[%get3A_17, %get3A_18] : memref<1x128xf32, #tpu.memory_space<vmem>>, vector<1x128xf32>
    %add3A_20 = vector.broadcast %get3A_19 : vector<1x128xf32> to vector<2000x128xf32>
    %add3A_21 = arith.addf %dot_general3A_16, %add3A_20 : vector<2000x128xf32>
    %get3A_22 = arith.constant 0 : index
    %get3A_23 = arith.constant 0 : index
    %get3A_24 = vector.load %arg5[%get3A_22, %get3A_23] : memref<64x128xf32, #tpu.memory_space<vmem>>, vector<64x128xf32>
    %dot_general3A_25 = arith.constant dense<0.000000e+00> : vector<2000x128xf32>
    %dot_general3A_26 = tpu.matmul %add3A_9, %get3A_24, %dot_general3A_25 {dimension_numbers = #tpu.dot_dimension_numbers<[1], [0], [0], [1], [0, 0, 1, 1], [], []>, transpose_lhs_hint = false} : vector<2000x64xf32>, vector<64x128xf32>, vector<2000x128xf32> -> vector<2000x128xf32>
    %get3A_27 = arith.constant 0 : index
    %get3A_28 = arith.constant 0 : index
    %get3A_29 = vector.load %arg7[%get3A_27, %get3A_28] : memref<1x128xf32, #tpu.memory_space<vmem>>, vector<1x128xf32>
    %add3A_30 = vector.broadcast %get3A_29 : vector<1x128xf32> to vector<2000x128xf32>
    %add3A_31 = arith.addf %dot_general3A_26, %add3A_30 : vector<2000x128xf32>
    %convert_element_type3A = arith.truncf %add3A_21 : vector<2000x128xf32> to vector<2000x128xbf16>
    %swap3A_32 = arith.constant 0 : index
    %swap3A_33 = arith.constant 0 : index
    %swap3A_34 = arith.constant 0 : index
    %swap3A_35 = vector.load %arg9[%swap3A_32, %swap3A_33, %swap3A_34] : memref<2x2000x128xbf16, #tpu.memory_space<vmem>>, vector<1x2000x128xbf16>
    %swap3A_36 = vector.shape_cast %swap3A_35 : vector<1x2000x128xbf16> to vector<2000x128xbf16>
    %swap3A_37 = vector.shape_cast %convert_element_type3A : vector<2000x128xbf16> to vector<1x2000x128xbf16>
    tpu.vector_store %arg9[%swap3A_32, %swap3A_33, %swap3A_34], %swap3A_37 {strides = array<i32>} : memref<2x2000x128xbf16, #tpu.memory_space<vmem>>, vector<1x2000x128xbf16>,
    %convert_element_type3A_38 = arith.truncf %add3A_31 : vector<2000x128xf32> to vector<2000x128xbf16>
    %swap3A_39 = arith.constant 1 : index
    %swap3A_40 = arith.constant 0 : index
    %swap3A_41 = arith.constant 0 : index
    %swap3A_42 = vector.load %arg9[%swap3A_39, %swap3A_40, %swap3A_41] : memref<2x2000x128xbf16, #tpu.memory_space<vmem>>, vector<1x2000x128xbf16>
    %swap3A_43 = vector.shape_cast %swap3A_42 : vector<1x2000x128xbf16> to vector<2000x128xbf16>
    %swap3A_44 = vector.shape_cast %convert_element_type3A_38 : vector<2000x128xbf16> to vector<1x2000x128xbf16>
    tpu.vector_store %arg9[%swap3A_39, %swap3A_40, %swap3A_41], %swap3A_44 {strides = array<i32>} : memref<2x2000x128xbf16, #tpu.memory_space<vmem>>, vector<1x2000x128xbf16>,
    return
  }
  func.func @transform_0(%arg0: i32) -> (i32, i32) {
    %c0_i32 = arith.constant 0 : i32
    %c0_i32_0 = arith.constant 0 : i32
    return %arg0, %c0_i32 : i32, i32
  }
  func.func @transform_1(%arg0: i32) -> (i32, i32) {
    %c0_i32 = arith.constant 0 : i32
    %c0_i32_0 = arith.constant 0 : i32
    %c0_i32_1 = arith.constant 0 : i32
    return %c0_i32, %c0_i32_0 : i32, i32
  }
  func.func @transform_2(%arg0: i32) -> (i32, i32) {
    %c0_i32 = arith.constant 0 : i32
    %c0_i32_0 = arith.constant 0 : i32
    %c0_i32_1 = arith.constant 0 : i32
    return %c0_i32, %c0_i32_0 : i32, i32
  }
  func.func @transform_3(%arg0: i32) -> (i32, i32) {
    %c0_i32 = arith.constant 0 : i32
    %c0_i32_0 = arith.constant 0 : i32
    %c0_i32_1 = arith.constant 0 : i32
    return %c0_i32, %c0_i32_0 : i32, i32
  }
  func.func @transform_4(%arg0: i32) -> (i32, i32) {
    %c0_i32 = arith.constant 0 : i32
    %c0_i32_0 = arith.constant 0 : i32
    %c0_i32_1 = arith.constant 0 : i32
    return %c0_i32, %c0_i32_0 : i32, i32
  }
  func.func @transform_5(%arg0: i32) -> (i32, i32) {
    %c0_i32 = arith.constant 0 : i32
    %c0_i32_0 = arith.constant 0 : i32
    %c0_i32_1 = arith.constant 0 : i32
    return %c0_i32, %c0_i32_0 : i32, i32
  }
  func.func @transform_6(%arg0: i32) -> (i32, i32) {
    %c0_i32 = arith.constant 0 : i32
    %c0_i32_0 = arith.constant 0 : i32
    %c0_i32_1 = arith.constant 0 : i32
    return %c0_i32, %c0_i32_0 : i32, i32
  }
  func.func @transform_7(%arg0: i32) -> (i32, i32) {
    %c0_i32 = arith.constant 0 : i32
    %c0_i32_0 = arith.constant 0 : i32
    return %arg0, %c0_i32 : i32, i32
  }
  func.func @transform_8(%arg0: i32) -> (i32, i32, i32) {
    %c0_i32 = arith.constant 0 : i32
    %c0_i32_0 = arith.constant 0 : i32
    %c0_i32_1 = arith.constant 0 : i32
    return %c0_i32, %arg0, %c0_i32_0 : i32, i32, i32
  }
}

module attributes {stable_mosaic.version = 14 : i64} {
  func.func @body(%arg0: i32, %arg1: memref<2000x128xbf16, #tpu.memory_space<vmem>>, %arg2: memref<2000x64xf32, #tpu.memory_space<vmem>>, %arg3: memref<64x192xf32, #tpu.memory_space<vmem>>, %arg4: memref<1x192xf32, #tpu.memory_space<vmem>>, %arg5: memref<64x192xf32, #tpu.memory_space<vmem>>, %arg6: memref<1x192xf32, #tpu.memory_space<vmem>>, %arg7: memref<64x128xf32, #tpu.memory_space<vmem>>, %arg8: memref<64x128xf32, #tpu.memory_space<vmem>>, %arg9: memref<1x128xf32, #tpu.memory_space<vmem>>, %arg10: memref<1x128xf32, #tpu.memory_space<vmem>>, %arg11: memref<2000x64xf32, #tpu.memory_space<vmem>>, %arg12: memref<2x2000x128xbf16, #tpu.memory_space<vmem>>) attributes {dimension_semantics = [#tpu.dimension_semantics<arbitrary>], iteration_bounds = array<i64: 25>, scalar_prefetch = 0 : i64, scratch_operands = 0 : i64, tpu.core_type = #tpu.core_type<tc>, window_params = [{transform_indices = @transform_0, window_bounds = array<i64: 2000, 128>}, {transform_indices = @transform_1, window_bounds = array<i64: 2000, 64>}, {pipeline_mode = #tpu.pipeline_mode<synchronous>, transform_indices = @transform_2, window_bounds = array<i64: 64, 192>}, {pipeline_mode = #tpu.pipeline_mode<synchronous>, transform_indices = @transform_3, window_bounds = array<i64: 1, 192>}, {pipeline_mode = #tpu.pipeline_mode<synchronous>, transform_indices = @transform_4, window_bounds = array<i64: 64, 192>}, {pipeline_mode = #tpu.pipeline_mode<synchronous>, transform_indices = @transform_5, window_bounds = array<i64: 1, 192>}, {pipeline_mode = #tpu.pipeline_mode<synchronous>, transform_indices = @transform_6, window_bounds = array<i64: 64, 128>}, {pipeline_mode = #tpu.pipeline_mode<synchronous>, transform_indices = @transform_7, window_bounds = array<i64: 64, 128>}, {pipeline_mode = #tpu.pipeline_mode<synchronous>, transform_indices = @transform_8, window_bounds = array<i64: 1, 128>}, {pipeline_mode = #tpu.pipeline_mode<synchronous>, transform_indices = @transform_9, window_bounds = array<i64: 1, 128>}, {transform_indices = @transform_10, window_bounds = array<i64: 2000, 64>}, {transform_indices = @transform_11, window_bounds = array<i64: 2, 2000, 128>}]} {
    %get3A = arith.constant 0 : index
    %get3A_0 = arith.constant 0 : index
    %get3A_1 = vector.load %arg2[%get3A, %get3A_0] : memref<2000x64xf32, #tpu.memory_space<vmem>>, vector<2000x64xf32>
    %get3A_2 = arith.constant 0 : index
    %get3A_3 = arith.constant 0 : index
    %get3A_4 = vector.load %arg1[%get3A_2, %get3A_3] : memref<2000x128xbf16, #tpu.memory_space<vmem>>, vector<2000x64xbf16>
    %convert_element_type3A = arith.extf %get3A_4 : vector<2000x64xbf16> to vector<2000x64xf32>
    %get3A_5 = arith.constant 0 : index
    %get3A_6 = arith.constant 0 : index
    %get3A_7 = vector.load %arg3[%get3A_5, %get3A_6] : memref<64x192xf32, #tpu.memory_space<vmem>>, vector<64x192xf32>
    %dot_general3A = arith.constant dense<0.000000e+00> : vector<2000x192xf32>
    %dot_general3A_8 = tpu.matmul %convert_element_type3A, %get3A_7, %dot_general3A {dimension_numbers = #tpu.dot_dimension_numbers<[1], [0], [0], [1], [0, 0, 1, 1], [], []>, transpose_lhs_hint = false} : vector<2000x64xf32>, vector<64x192xf32>, vector<2000x192xf32> -> vector<2000x192xf32>
    %get3A_9 = arith.constant 0 : index
    %get3A_10 = arith.constant 0 : index
    %get3A_11 = vector.load %arg4[%get3A_9, %get3A_10] : memref<1x192xf32, #tpu.memory_space<vmem>>, vector<1x192xf32>
    %add3A = vector.broadcast %get3A_11 : vector<1x192xf32> to vector<2000x192xf32>
    %add3A_12 = arith.addf %dot_general3A_8, %add3A : vector<2000x192xf32>
    %get3A_13 = arith.constant 0 : index
    %get3A_14 = arith.constant 0 : index
    %get3A_15 = vector.load %arg5[%get3A_13, %get3A_14] : memref<64x192xf32, #tpu.memory_space<vmem>>, vector<64x192xf32>
    %dot_general3A_16 = arith.constant dense<0.000000e+00> : vector<2000x192xf32>
    %dot_general3A_17 = tpu.matmul %get3A_1, %get3A_15, %dot_general3A_16 {dimension_numbers = #tpu.dot_dimension_numbers<[1], [0], [0], [1], [0, 0, 1, 1], [], []>, transpose_lhs_hint = false} : vector<2000x64xf32>, vector<64x192xf32>, vector<2000x192xf32> -> vector<2000x192xf32>
    %get3A_18 = arith.constant 0 : index
    %get3A_19 = arith.constant 0 : index
    %get3A_20 = vector.load %arg6[%get3A_18, %get3A_19] : memref<1x192xf32, #tpu.memory_space<vmem>>, vector<1x192xf32>
    %add3A_21 = vector.broadcast %get3A_20 : vector<1x192xf32> to vector<2000x192xf32>
    %add3A_22 = arith.addf %dot_general3A_17, %add3A_21 : vector<2000x192xf32>
    %slice3A = vector.extract_strided_slice %add3A_12 {offsets = [0, 0], sizes = [2000, 64], strides = [1, 1]} : vector<2000x192xf32> to vector<2000x64xf32>
    %slice3A_23 = vector.extract_strided_slice %add3A_22 {offsets = [0, 0], sizes = [2000, 64], strides = [1, 1]} : vector<2000x192xf32> to vector<2000x64xf32>
    %add3A_24 = arith.addf %slice3A, %slice3A_23 : vector<2000x64xf32>
    %logistic3A = arith.negf %add3A_24 : vector<2000x64xf32>
    %logistic3A_25 = math.exp %logistic3A : vector<2000x64xf32>
    %logistic3A_26 = arith.constant 1.000000e+00 : f32
    %logistic3A_27 = vector.broadcast %logistic3A_26 : f32 to vector<2000x64xf32>
    %logistic3A_28 = arith.addf %logistic3A_27, %logistic3A_25 : vector<2000x64xf32>
    %logistic3A_29 = arith.divf %logistic3A_27, %logistic3A_28 : vector<2000x64xf32>
    %slice3A_30 = vector.extract_strided_slice %add3A_12 {offsets = [0, 64], sizes = [2000, 64], strides = [1, 1]} : vector<2000x192xf32> to vector<2000x64xf32>
    %slice3A_31 = vector.extract_strided_slice %add3A_22 {offsets = [0, 64], sizes = [2000, 64], strides = [1, 1]} : vector<2000x192xf32> to vector<2000x64xf32>
    %add3A_32 = arith.addf %slice3A_30, %slice3A_31 : vector<2000x64xf32>
    %logistic3A_33 = arith.negf %add3A_32 : vector<2000x64xf32>
    %logistic3A_34 = math.exp %logistic3A_33 : vector<2000x64xf32>
    %logistic3A_35 = arith.constant 1.000000e+00 : f32
    %logistic3A_36 = vector.broadcast %logistic3A_35 : f32 to vector<2000x64xf32>
    %logistic3A_37 = arith.addf %logistic3A_36, %logistic3A_34 : vector<2000x64xf32>
    %logistic3A_38 = arith.divf %logistic3A_36, %logistic3A_37 : vector<2000x64xf32>
    %slice3A_39 = vector.extract_strided_slice %add3A_12 {offsets = [0, 128], sizes = [2000, 64], strides = [1, 1]} : vector<2000x192xf32> to vector<2000x64xf32>
    %slice3A_40 = vector.extract_strided_slice %add3A_22 {offsets = [0, 128], sizes = [2000, 64], strides = [1, 1]} : vector<2000x192xf32> to vector<2000x64xf32>
    %mul3A = arith.mulf %logistic3A_29, %slice3A_40 : vector<2000x64xf32>
    %add3A_41 = arith.addf %slice3A_39, %mul3A : vector<2000x64xf32>
    %tanh3A = math.tanh %add3A_41 : vector<2000x64xf32>
    %sub3A = arith.constant 1.000000e+00 : f32
    %sub3A_42 = vector.broadcast %sub3A : f32 to vector<2000x64xf32>
    %sub3A_43 = arith.subf %sub3A_42, %logistic3A_38 : vector<2000x64xf32>
    %mul3A_44 = arith.mulf %sub3A_43, %tanh3A : vector<2000x64xf32>
    %mul3A_45 = arith.mulf %logistic3A_38, %get3A_1 : vector<2000x64xf32>
    %add3A_46 = arith.addf %mul3A_44, %mul3A_45 : vector<2000x64xf32>
    %swap3A = arith.constant 0 : index
    %swap3A_47 = arith.constant 0 : index
    %swap3A_48 = vector.load %arg11[%swap3A, %swap3A_47] : memref<2000x64xf32, #tpu.memory_space<vmem>>, vector<2000x64xf32>
    tpu.vector_store %arg11[%swap3A, %swap3A_47], %add3A_46 {strides = array<i32>} : memref<2000x64xf32, #tpu.memory_space<vmem>>, vector<2000x64xf32>,
    %get3A_49 = arith.constant 0 : index
    %get3A_50 = arith.constant 0 : index
    %get3A_51 = vector.load %arg7[%get3A_49, %get3A_50] : memref<64x128xf32, #tpu.memory_space<vmem>>, vector<64x128xf32>
    %dot_general3A_52 = arith.constant dense<0.000000e+00> : vector<2000x128xf32>
    %dot_general3A_53 = tpu.matmul %add3A_46, %get3A_51, %dot_general3A_52 {dimension_numbers = #tpu.dot_dimension_numbers<[1], [0], [0], [1], [0, 0, 1, 1], [], []>, transpose_lhs_hint = false} : vector<2000x64xf32>, vector<64x128xf32>, vector<2000x128xf32> -> vector<2000x128xf32>
    %get3A_54 = arith.constant 0 : index
    %get3A_55 = arith.constant 0 : index
    %get3A_56 = vector.load %arg9[%get3A_54, %get3A_55] : memref<1x128xf32, #tpu.memory_space<vmem>>, vector<1x128xf32>
    %add3A_57 = vector.broadcast %get3A_56 : vector<1x128xf32> to vector<2000x128xf32>
    %add3A_58 = arith.addf %dot_general3A_53, %add3A_57 : vector<2000x128xf32>
    %get3A_59 = arith.constant 0 : index
    %get3A_60 = arith.constant 0 : index
    %get3A_61 = vector.load %arg8[%get3A_59, %get3A_60] : memref<64x128xf32, #tpu.memory_space<vmem>>, vector<64x128xf32>
    %dot_general3A_62 = arith.constant dense<0.000000e+00> : vector<2000x128xf32>
    %dot_general3A_63 = tpu.matmul %add3A_46, %get3A_61, %dot_general3A_62 {dimension_numbers = #tpu.dot_dimension_numbers<[1], [0], [0], [1], [0, 0, 1, 1], [], []>, transpose_lhs_hint = false} : vector<2000x64xf32>, vector<64x128xf32>, vector<2000x128xf32> -> vector<2000x128xf32>
    %get3A_64 = arith.constant 0 : index
    %get3A_65 = arith.constant 0 : index
    %get3A_66 = vector.load %arg10[%get3A_64, %get3A_65] : memref<1x128xf32, #tpu.memory_space<vmem>>, vector<1x128xf32>
    %add3A_67 = vector.broadcast %get3A_66 : vector<1x128xf32> to vector<2000x128xf32>
    %add3A_68 = arith.addf %dot_general3A_63, %add3A_67 : vector<2000x128xf32>
    %convert_element_type3A_69 = arith.truncf %add3A_58 : vector<2000x128xf32> to vector<2000x128xbf16>
    %swap3A_70 = arith.constant 0 : index
    %swap3A_71 = arith.constant 0 : index
    %swap3A_72 = arith.constant 0 : index
    %swap3A_73 = vector.load %arg12[%swap3A_70, %swap3A_71, %swap3A_72] : memref<2x2000x128xbf16, #tpu.memory_space<vmem>>, vector<1x2000x128xbf16>
    %swap3A_74 = vector.shape_cast %swap3A_73 : vector<1x2000x128xbf16> to vector<2000x128xbf16>
    %swap3A_75 = vector.shape_cast %convert_element_type3A_69 : vector<2000x128xbf16> to vector<1x2000x128xbf16>
    tpu.vector_store %arg12[%swap3A_70, %swap3A_71, %swap3A_72], %swap3A_75 {strides = array<i32>} : memref<2x2000x128xbf16, #tpu.memory_space<vmem>>, vector<1x2000x128xbf16>,
    %convert_element_type3A_76 = arith.truncf %add3A_68 : vector<2000x128xf32> to vector<2000x128xbf16>
    %swap3A_77 = arith.constant 1 : index
    %swap3A_78 = arith.constant 0 : index
    %swap3A_79 = arith.constant 0 : index
    %swap3A_80 = vector.load %arg12[%swap3A_77, %swap3A_78, %swap3A_79] : memref<2x2000x128xbf16, #tpu.memory_space<vmem>>, vector<1x2000x128xbf16>
    %swap3A_81 = vector.shape_cast %swap3A_80 : vector<1x2000x128xbf16> to vector<2000x128xbf16>
    %swap3A_82 = vector.shape_cast %convert_element_type3A_76 : vector<2000x128xbf16> to vector<1x2000x128xbf16>
    tpu.vector_store %arg12[%swap3A_77, %swap3A_78, %swap3A_79], %swap3A_82 {strides = array<i32>} : memref<2x2000x128xbf16, #tpu.memory_space<vmem>>, vector<1x2000x128xbf16>,
    return
  }
  func.func @transform_0(%arg0: i32) -> (i32, i32) {
    %c0_i32 = arith.constant 0 : i32
    %c0_i32_0 = arith.constant 0 : i32
    return %arg0, %c0_i32 : i32, i32
  }
  func.func @transform_1(%arg0: i32) -> (i32, i32) {
    %c0_i32 = arith.constant 0 : i32
    %c0_i32_0 = arith.constant 0 : i32
    return %arg0, %c0_i32 : i32, i32
  }
  func.func @transform_2(%arg0: i32) -> (i32, i32) {
    %c0_i32 = arith.constant 0 : i32
    %c0_i32_0 = arith.constant 0 : i32
    %c0_i32_1 = arith.constant 0 : i32
    return %c0_i32, %c0_i32_0 : i32, i32
  }
  func.func @transform_3(%arg0: i32) -> (i32, i32) {
    %c0_i32 = arith.constant 0 : i32
    %c0_i32_0 = arith.constant 0 : i32
    %c0_i32_1 = arith.constant 0 : i32
    return %c0_i32, %c0_i32_0 : i32, i32
  }
  func.func @transform_4(%arg0: i32) -> (i32, i32) {
    %c0_i32 = arith.constant 0 : i32
    %c0_i32_0 = arith.constant 0 : i32
    %c0_i32_1 = arith.constant 0 : i32
    return %c0_i32, %c0_i32_0 : i32, i32
  }
  func.func @transform_5(%arg0: i32) -> (i32, i32) {
    %c0_i32 = arith.constant 0 : i32
    %c0_i32_0 = arith.constant 0 : i32
    %c0_i32_1 = arith.constant 0 : i32
    return %c0_i32, %c0_i32_0 : i32, i32
  }
  func.func @transform_6(%arg0: i32) -> (i32, i32) {
    %c0_i32 = arith.constant 0 : i32
    %c0_i32_0 = arith.constant 0 : i32
    %c0_i32_1 = arith.constant 0 : i32
    return %c0_i32, %c0_i32_0 : i32, i32
  }
  func.func @transform_7(%arg0: i32) -> (i32, i32) {
    %c0_i32 = arith.constant 0 : i32
    %c0_i32_0 = arith.constant 0 : i32
    %c0_i32_1 = arith.constant 0 : i32
    return %c0_i32, %c0_i32_0 : i32, i32
  }
  func.func @transform_8(%arg0: i32) -> (i32, i32) {
    %c0_i32 = arith.constant 0 : i32
    %c0_i32_0 = arith.constant 0 : i32
    %c0_i32_1 = arith.constant 0 : i32
    return %c0_i32, %c0_i32_0 : i32, i32
  }
  func.func @transform_9(%arg0: i32) -> (i32, i32) {
    %c0_i32 = arith.constant 0 : i32
    %c0_i32_0 = arith.constant 0 : i32
    %c0_i32_1 = arith.constant 0 : i32
    return %c0_i32, %c0_i32_0 : i32, i32
  }
  func.func @transform_10(%arg0: i32) -> (i32, i32) {
    %c0_i32 = arith.constant 0 : i32
    %c0_i32_0 = arith.constant 0 : i32
    return %arg0, %c0_i32 : i32, i32
  }
  func.func @transform_11(%arg0: i32) -> (i32, i32, i32) {
    %c0_i32 = arith.constant 0 : i32
    %c0_i32_0 = arith.constant 0 : i32
    %c0_i32_1 = arith.constant 0 : i32
    return %c0_i32, %arg0, %c0_i32_0 : i32, i32, i32
  }
}

module attributes {stable_mosaic.version = 14 : i64} {
  func.func @body(%arg0: i32, %arg1: memref<2000x64xf32, #tpu.memory_space<vmem>>, %arg2: memref<64x32xf32, #tpu.memory_space<vmem>>, %arg3: memref<1x32xf32, #tpu.memory_space<vmem>>, %arg4: memref<32x16xf32, #tpu.memory_space<vmem>>, %arg5: memref<1x16xf32, #tpu.memory_space<vmem>>, %arg6: memref<1x16xf32, #tpu.memory_space<vmem>>, %arg7: memref<1x64xf32, #tpu.memory_space<vmem>>) attributes {dimension_semantics = [#tpu.dimension_semantics<arbitrary>], iteration_bounds = array<i64: 25>, scalar_prefetch = 0 : i64, scratch_operands = 1 : i64, tpu.core_type = #tpu.core_type<tc>, window_params = [{transform_indices = @transform_0, window_bounds = array<i64: 2000, 64>}, {pipeline_mode = #tpu.pipeline_mode<synchronous>, transform_indices = @transform_1, window_bounds = array<i64: 64, 32>}, {pipeline_mode = #tpu.pipeline_mode<synchronous>, transform_indices = @transform_2, window_bounds = array<i64: 1, 32>}, {pipeline_mode = #tpu.pipeline_mode<synchronous>, transform_indices = @transform_3, window_bounds = array<i64: 32, 16>}, {pipeline_mode = #tpu.pipeline_mode<synchronous>, transform_indices = @transform_4, window_bounds = array<i64: 1, 16>}, {pipeline_mode = #tpu.pipeline_mode<synchronous>, transform_indices = @transform_5, window_bounds = array<i64: 1, 16>}]} {
    %eq3A = arith.constant 0 : i32
    %eq3A_0 = arith.cmpi eq, %arg0, %eq3A : i32
    %convert_element_type3A = arith.extui %eq3A_0 : i1 to i32
    %cond3A = arith.constant 0 : i32
    %cond3A_1 = arith.cmpi ne, %convert_element_type3A, %cond3A : i32
    scf.if %cond3A_1 {
      %broadcast_in_dim3A_15 = arith.constant 0.000000e+00 : f32
      %broadcast_in_dim3A_16 = vector.broadcast %broadcast_in_dim3A_15 : f32 to vector<1x64xf32>
      %swap3A_17 = arith.constant 0 : index
      %swap3A_18 = arith.constant 0 : index
      %swap3A_19 = vector.load %arg7[%swap3A_17, %swap3A_18] : memref<1x64xf32, #tpu.memory_space<vmem>>, vector<1x64xf32>
      tpu.vector_store %arg7[%swap3A_17, %swap3A_18], %broadcast_in_dim3A_16 {strides = array<i32>} : memref<1x64xf32, #tpu.memory_space<vmem>>, vector<1x64xf32>,
    } else {
    }
    %get3A = arith.constant 0 : index
    %get3A_2 = arith.constant 0 : index
    %get3A_3 = vector.load %arg7[%get3A, %get3A_2] : memref<1x64xf32, #tpu.memory_space<vmem>>, vector<1x64xf32>
    %get3A_4 = arith.constant 0 : index
    %get3A_5 = arith.constant 0 : index
    %get3A_6 = vector.load %arg1[%get3A_4, %get3A_5] : memref<2000x64xf32, #tpu.memory_space<vmem>>, vector<2000x64xf32>
    %reduce_sum3A = arith.constant dense<0.000000e+00> : vector<64xf32>
    %reduce_sum3A_7 = vector.multi_reduction <add>, %get3A_6, %reduce_sum3A [0] : vector<2000x64xf32> to vector<64xf32>
    %broadcast_in_dim3A = vector.shape_cast %reduce_sum3A_7 : vector<64xf32> to vector<1x64xf32>
    %add3A = arith.addf %get3A_3, %broadcast_in_dim3A : vector<1x64xf32>
    %swap3A = arith.constant 0 : index
    %swap3A_8 = arith.constant 0 : index
    %swap3A_9 = vector.load %arg7[%swap3A, %swap3A_8] : memref<1x64xf32, #tpu.memory_space<vmem>>, vector<1x64xf32>
    tpu.vector_store %arg7[%swap3A, %swap3A_8], %add3A {strides = array<i32>} : memref<1x64xf32, #tpu.memory_space<vmem>>, vector<1x64xf32>,
    %eq3A_10 = arith.constant 24 : i32
    %eq3A_11 = arith.cmpi eq, %arg0, %eq3A_10 : i32
    %convert_element_type3A_12 = arith.extui %eq3A_11 : i1 to i32
    %cond3A_13 = arith.constant 0 : i32
    %cond3A_14 = arith.cmpi ne, %convert_element_type3A_12, %cond3A_13 : i32
    scf.if %cond3A_14 {
      %get3A_15 = arith.constant 0 : index
      %get3A_16 = arith.constant 0 : index
      %get3A_17 = vector.load %arg7[%get3A_15, %get3A_16] : memref<1x64xf32, #tpu.memory_space<vmem>>, vector<1x64xf32>
      %mul3A = arith.constant 2.000000e-05 : f32
      %mul3A_18 = vector.broadcast %mul3A : f32 to vector<1x64xf32>
      %mul3A_19 = arith.mulf %get3A_17, %mul3A_18 : vector<1x64xf32>
      %get3A_20 = arith.constant 0 : index
      %get3A_21 = arith.constant 0 : index
      %get3A_22 = vector.load %arg2[%get3A_20, %get3A_21] : memref<64x32xf32, #tpu.memory_space<vmem>>, vector<64x32xf32>
      %dot_general3A = arith.constant dense<0.000000e+00> : vector<1x32xf32>
      %dot_general3A_23 = tpu.matmul %mul3A_19, %get3A_22, %dot_general3A {dimension_numbers = #tpu.dot_dimension_numbers<[1], [0], [0], [1], [0, 0, 1, 1], [], []>, transpose_lhs_hint = false} : vector<1x64xf32>, vector<64x32xf32>, vector<1x32xf32> -> vector<1x32xf32>
      %get3A_24 = arith.constant 0 : index
      %get3A_25 = arith.constant 0 : index
      %get3A_26 = vector.load %arg3[%get3A_24, %get3A_25] : memref<1x32xf32, #tpu.memory_space<vmem>>, vector<1x32xf32>
      %add3A_27 = arith.addf %dot_general3A_23, %get3A_26 : vector<1x32xf32>
      %max3A = arith.constant 0.000000e+00 : f32
      %max3A_28 = vector.broadcast %max3A : f32 to vector<1x32xf32>
      %max3A_29 = arith.maximumf %add3A_27, %max3A_28 : vector<1x32xf32>
      %get3A_30 = arith.constant 0 : index
      %get3A_31 = arith.constant 0 : index
      %get3A_32 = vector.load %arg4[%get3A_30, %get3A_31] : memref<32x16xf32, #tpu.memory_space<vmem>>, vector<32x16xf32>
      %dot_general3A_33 = arith.constant dense<0.000000e+00> : vector<1x16xf32>
      %dot_general3A_34 = tpu.matmul %max3A_29, %get3A_32, %dot_general3A_33 {dimension_numbers = #tpu.dot_dimension_numbers<[1], [0], [0], [1], [0, 0, 1, 1], [], []>, transpose_lhs_hint = false} : vector<1x32xf32>, vector<32x16xf32>, vector<1x16xf32> -> vector<1x16xf32>
      %get3A_35 = arith.constant 0 : index
      %get3A_36 = arith.constant 0 : index
      %get3A_37 = vector.load %arg5[%get3A_35, %get3A_36] : memref<1x16xf32, #tpu.memory_space<vmem>>, vector<1x16xf32>
      %add3A_38 = arith.addf %dot_general3A_34, %get3A_37 : vector<1x16xf32>
      %swap3A_39 = arith.constant 0 : index
      %swap3A_40 = arith.constant 0 : index
      %swap3A_41 = vector.load %arg6[%swap3A_39, %swap3A_40] : memref<1x16xf32, #tpu.memory_space<vmem>>, vector<1x16xf32>
      tpu.vector_store %arg6[%swap3A_39, %swap3A_40], %add3A_38 {strides = array<i32>} : memref<1x16xf32, #tpu.memory_space<vmem>>, vector<1x16xf32>,
    } else {
    }
    return
  }
  func.func @transform_0(%arg0: i32) -> (i32, i32) {
    %c0_i32 = arith.constant 0 : i32
    %c0_i32_0 = arith.constant 0 : i32
    return %arg0, %c0_i32 : i32, i32
  }
  func.func @transform_1(%arg0: i32) -> (i32, i32) {
    %c0_i32 = arith.constant 0 : i32
    %c0_i32_0 = arith.constant 0 : i32
    %c0_i32_1 = arith.constant 0 : i32
    return %c0_i32, %c0_i32_0 : i32, i32
  }
  func.func @transform_2(%arg0: i32) -> (i32, i32) {
    %c0_i32 = arith.constant 0 : i32
    %c0_i32_0 = arith.constant 0 : i32
    %c0_i32_1 = arith.constant 0 : i32
    return %c0_i32, %c0_i32_0 : i32, i32
  }
  func.func @transform_3(%arg0: i32) -> (i32, i32) {
    %c0_i32 = arith.constant 0 : i32
    %c0_i32_0 = arith.constant 0 : i32
    %c0_i32_1 = arith.constant 0 : i32
    return %c0_i32, %c0_i32_0 : i32, i32
  }
  func.func @transform_4(%arg0: i32) -> (i32, i32) {
    %c0_i32 = arith.constant 0 : i32
    %c0_i32_0 = arith.constant 0 : i32
    %c0_i32_1 = arith.constant 0 : i32
    return %c0_i32, %c0_i32_0 : i32, i32
  }
  func.func @transform_5(%arg0: i32) -> (i32, i32) {
    %c0_i32 = arith.constant 0 : i32
    %c0_i32_0 = arith.constant 0 : i32
    %c0_i32_1 = arith.constant 0 : i32
    return %c0_i32, %c0_i32_0 : i32, i32
  }
}

</mosaic_0001>

<sc_bundles>
// kernel: closed_call.13.cloned.1.call-start
scs
__scs_entry_jumppad:
0x0: {  	(pc) =	sbr.rel $0x88, $3  }
0x1: {  	(tag) =	ssettag $0x0;
	lr =	simm.s32 $0x1  }
0x2: {  	[smem:$0x3F92] =	sst lr;
	_ =	strace $0xD0000000  }
0x3: {  	_ = 	snop  }
0x4: {  	_ = 	snop  }
0x5: {  	_ = 	snop  }
0x6: {  	_ = 	snop  }
0x7: {  	_ = 	snop  }
__scs_overlays_trampoline_lowered:
0x8: {  	[smem:$0x3FA1] =	sst s0  }
0x9: {  	[smem:$0x3FA2] =	sst s1  }
0xa: {  	[smem:$0x3FA3] =	sst s2  }
0xb: {  	[smem:$0x3FA4] =	sst s3  }
0xc: {  	[smem:$0x3FA5] =	sst s4  }
0xd: {  	[smem:$0x3FA6] =	sst s5  }
0xe: {  	[smem:$0x3FA7] =	sst s6  }
0xf: {  	[smem:$0x3FA8] =	sst s7  }
0x10: {  	[smem:$0x3FA9] =	sst s8  }
0x11: {  	[smem:$0x3FAA] =	sst s9;
	s0 =	simm.s32 @!p0 $0x0  }
0x12: {  	s1 =	sld [smem:$0x3F90];
	s0 =	simm.s32 @p0 $0x1  }
0x13: {  	[smem:$0x3FAB] =	sst s0;
	s0 =	simm.s32 @!p1 $0x0  }
0x14: {  	s2 =	sld [smem:$0x3F8F];
	s0 =	simm.s32 @p1 $0x1  }
0x15: {  	[smem:$0x3FAC] =	sst s0;
	s0 =	simm.s32 @!p2 $0x0  }
0x16: {  	s3 =	sld [smem:$0x3FDB];
	s0 =	simm.s32 @p2 $0x1  }
0x17: {  	s4 =	simm.s32 $0x1BF5;
	[smem:$0x3FAE] =	sst s0  }
0x18: {  	s0 =	sld [smem:$0x3F91];
	_ =	swait.ge [sflag:s4], $0x0  }
0x19: {  	s7 =	sld [smem:$0x3F92]  }
0x1a: {  	s8 =	sadd.s32 $0xFFFFE003, lr  }
0x1b: {  	s9 =	sadd.s32 $0xFFFFFEF7, lr;
	s5 =	simm.s32 $0xFFFFFFFF;
	p2 =	slt.u32 s8, $0xFFFFF086  }
0x1c: {  	p1 =	slt.u32 s9, $0xF7A;
	s5 =	simm.s32 @!p2 $0x0  }
0x1d: {  	s5 =	simm.s32 @p1 $0x1;
	p0 =	seq.s32 s7, s2  }
0x1e: {  	s7 =	smul.u32 @!p0 $0xF7A, s2;
	p2 =	seq.s32 @!p0 s5, $0x0  }
0x1f: {  	s9 =	smul.u32 $0xF7A, s1;
	s8 =	simm.s32 @!p0 $0x1BF5;
	p2 =	por !p2, p0  }
0x20: {  	[sflag:s8] =	ssyncset.s32 @!p0 $0xFFFFF086;
	s6 =	sadd.s32 @!p0 s3, s7;
	s7 =	simm.s32 @!p0 $0x108  }
0x21: {  	s3 =	sadd.s32 s3, s9;
	s6 =	sadd.s32 @!p0 $0x88, s6;
	s7 =	simm.s32 @p2 $0x1082  }
0x22: {  	[simem:s7], [sflag:s8] =	dma.local @!p0 [hbm:s6], $0xF7A  }
0x23: {  	s9 =	sor.u32 $0xD0000000, s2;
	s6 =	simm.s32 $0x108;
	_ =	swait.ge @!p0 [sflag:s8], $0x0  }
0x24: {  	s3 =	sadd.s32 $0x88, s3;
	s6 =	simm.s32 @!p1 $0x1082;
	[sflag:s4] =	ssyncset.s32 $0xFFFFF086  }
0x25: {  	[simem:s6], [sflag:s4] =	dma.local [hbm:s3], $0xF7A  }
0x26: {  	[smem:$0x3F92] =	sst s1;
	(tag) =	ssettag s2;
	_ =	strace s9  }
0x27: {  	s1 =	sld [smem:$0x3FA2]  }
0x28: {  	s2 =	sld [smem:$0x3FA3]  }
0x29: {  	s4 =	sld [smem:$0x3FA5]  }
0x2a: {  	p0 =	seq.s32 s5, $0x0;
	s5 =	sld [smem:$0x3FA6]  }
0x2b: {  	s6 =	sld [smem:$0x3FA7]  }
0x2c: {  	s7 =	sld [smem:$0x3FA8]  }
0x2d: {  	s3 =	simm.s32 $0x108;
	s8 =	sld [smem:$0x3FA9]  }
0x2e: {  	s3 =	simm.s32 @!p0 $0x1082;
	s9 =	sld [smem:$0x3FAA]  }
0x2f: {  	lr =	sadd.s32 s0, s3;
	s0 =	sld [smem:$0x3FA1]  }
0x30: {  	s3 =	sld [smem:$0x3FA4]  }
0x31: {  	[smem:$0x3FAD] =	sst s10  }
0x32: {  	s10 =	sld [smem:$0x3FAB];
	_ =	sdelay $0x3  }
0x33: {  	p0 =	seq.s32 s10, $0x1;
	s10 =	sld [smem:$0x3FAD];
	_ =	sdelay $0x3  }
0x34: {  	[smem:$0x3FAD] =	sst s10  }
0x35: {  	s10 =	sld [smem:$0x3FAC];
	_ =	sdelay $0x3  }
0x36: {  	p1 =	seq.s32 s10, $0x1;
	s10 =	sld [smem:$0x3FAD];
	_ =	sdelay $0x3  }
0x37: {  	[smem:$0x3FAD] =	sst s10  }
0x38: {  	s10 =	sld [smem:$0x3FAE]  }
0x39: {  	_ = 	snop;
	(pc) =	sbr.ind lr, $3  }
0x3a: {  	_ = 	snop  }
0x3b: {  	_ = 	snop  }
0x3c: {  	p2 =	seq.s32 s10, $0x1;
	s10 =	sld [smem:$0x3FAD]  }
0x3d: {  	_ =	shalt  }
0x3e: {  	_ =	shalt  }
0x3f: {  	_ =	shalt  }
0x40: {  	_ =	shalt  }
0x41: {  	_ =	shalt  }
0x42: {  	_ =	shalt  }
0x43: {  	_ =	shalt  }
0x44: {  	_ =	shalt  }
0x45: {  	_ =	shalt  }
0x46: {  	_ =	shalt  }
0x47: {  	_ =	shalt  }
0x48: {  	_ =	shalt  }
0x49: {  	_ =	shalt  }
0x4a: {  	_ =	shalt  }
0x4b: {  	_ =	shalt  }
0x4c: {  	_ =	shalt  }
0x4d: {  	_ =	shalt  }
0x4e: {  	_ =	shalt  }
0x4f: {  	_ =	shalt  }
0x50: {  	_ =	shalt  }
0x51: {  	_ =	shalt  }
0x52: {  	_ =	shalt  }
0x53: {  	_ =	shalt  }
0x54: {  	_ =	shalt  }
0x55: {  	_ =	shalt  }
0x56: {  	_ =	shalt  }
0x57: {  	_ =	shalt  }
0x58: {  	_ =	shalt  }
0x59: {  	_ =	shalt  }
0x5a: {  	_ =	shalt  }
0x5b: {  	_ =	shalt  }
0x5c: {  	_ =	shalt  }
0x5d: {  	_ =	shalt  }
0x5e: {  	_ =	shalt  }
0x5f: {  	_ =	shalt  }
0x60: {  	_ =	shalt  }
0x61: {  	_ =	shalt  }
0x62: {  	_ =	shalt  }
0x63: {  	_ =	shalt  }
0x64: {  	_ =	shalt  }
0x65: {  	_ =	shalt  }
0x66: {  	_ =	shalt  }
0x67: {  	_ =	shalt  }
0x68: {  	_ =	shalt  }
0x69: {  	_ =	shalt  }
0x6a: {  	_ =	shalt  }
0x6b: {  	_ =	shalt  }
0x6c: {  	_ =	shalt  }
0x6d: {  	_ =	shalt  }
0x6e: {  	_ =	shalt  }
0x6f: {  	_ =	shalt  }
0x70: {  	_ =	shalt  }
0x71: {  	_ =	shalt  }
0x72: {  	_ =	shalt  }
0x73: {  	_ =	shalt  }
0x74: {  	_ =	shalt  }
0x75: {  	_ =	shalt  }
0x76: {  	_ =	shalt  }
0x77: {  	_ =	shalt  }
0x78: {  	_ =	shalt  }
0x79: {  	_ =	shalt  }
0x7a: {  	_ =	shalt  }
0x7b: {  	_ =	shalt  }
0x7c: {  	_ =	shalt  }
0x7d: {  	_ =	shalt  }
0x7e: {  	_ =	shalt  }
0x7f: {  	_ =	shalt  }
0x80: {  	_ =	shalt  }
0x81: {  	_ =	shalt  }
0x82: {  	_ =	shalt  }
0x83: {  	_ =	shalt  }
0x84: {  	_ =	shalt  }
0x85: {  	_ =	shalt  }
0x86: {  	_ =	shalt  }
0x87: {  	_ =	shalt  }
.Lfunc_end0:
.L_simem_size_0:
called_computation_lowered:
.L_overlay_start_0:
0x88: {  	s2 =	sld [smem:$0x3FD9]  }
0x89: {  	s3 =	sld [smem:$0x3FFE];
	_ =	sdelay $0x1  }
0x8a: {  	s1 =	srdreg.scid  }
0x8b: {  	s0 =	sand.u32 $0x1, s1  }
0x8c: {  	s16 =	sshll.u32 s0, $0xA;
	s2 =	sadd.s32 s3, s2  }
0x8d: {  	s2 =	sadd.s32 s2, s16  }
0x8e: {  	[smem:$0x3FB9] =	sst s2  }
0x8f: {  	_ = 	snop  }
0x90: {  	(tm) =	ssettm $0x1  }
0x91: {  	s17 =	sld [smem:$0x3FFB];
	_ =	sdelay $0x3  }
0x92: {  	_ =	strace s17  }
0x93: {  	s2 =	sld [smem:$0x3FFC];
	_ =	sdelay $0x3  }
0x94: {  	_ =	strace s2  }
0x95: {  	s2 =	sld [smem:$0x3FFD];
	_ =	sdelay $0x3  }
0x96: {  	_ =	strace s2  }
0x97: {  	_ =	strace $0x8FFFFFFF  }
0x98: {  	s18 =	sld [smem:$0x3FDB];
	_ =	sdelay $0x1  }
0x99: {  	s19 =	simm.s32 $_scs_section_size  }
0x9a: {  	s4 =	simm.s32 $_size__tile_overlayer_lowered;
	s5 =	simm.s32 $_tile_overlayer_lowered  }
0x9b: {  	s22 =	simm.s32 $0x1BFF;
	s21 =	sshll.u32 s5, $0x1;
	s2 =	sadd.s32 s19, s18  }
0x9c: {  	s6 =	simm.s32 $0x0;
	s20 =	sshll.u32 s4, $0x1;
	s4 =	sadd.s32 s21, s2  }
0x9d: {  	[timem:s6], [sflag:s22] =	dma.local [hbm:s4], s20  }
0x9e: {  	_ =	swait.ge [sflag:s22], s20  }
0x9f: {  	s3 =	ssub.s32 $0x0, s20;
	[sflag:s22] =	ssyncset.done $0x0  }
0xa0: {  	[sflag:s22] =	ssyncadd.s32 s3;
	_ =	sdelay $0x1  }
0xa1: {  	s23 =	simm.s32 $0x1B8B  }
0xa2: {  	_ =	swait.ge [sflag:s23], $0x1  }
0xa3: {  	[sflag:s23] =	ssyncset.done $0x0  }
0xa4: {  	s25 =	simm.s32 $0x1B8E;
	s24 =	sld [smem:$0x3FFE];
	[sflag:s23] =	ssyncadd.s32 $0xFFFFFFFF  }
0xa5: {  	s26 =	simm.s32 $execute0_lowered;
	[smem:$0x3FD2] =	sst s25  }
0xa6: {  	s4 =	sshll.u32 s26, $0x1;
	_ =	strace $0x80000046;
	[dreg:$0x1] =	wrdreg $0xFFFFFFFF  }
0xa7: {  	s28 =	simm.s32 $_size_execute0_lowered;
	s2 =	sadd.s32 s2, s4;
	[dreg:$0x0] =	wrdreg $0x0  }
0xa8: {  	s4 =	sshll.u32 s28, $0x1;
	[dreg:$0x2] =	wrdreg s2  }
0xa9: {  	[dreg:$0x3] =	wrdreg s4  }
0xaa: {  	[dreg:$0x4] =	wrdreg $0xC0  }
0xab: {  	_ =	task [dreg:s6], $0x5FFFF  }
0xac: {  	[dreg:$0x1] =	wrdreg $0xFFFFFFFF  }
0xad: {  	[dreg:$0x0] =	wrdreg $0x60  }
0xae: {  	[dreg:$0x2] =	wrdreg s24  }
0xaf: {  	[dreg:$0x3] =	wrdreg $0xDA000  }
0xb0: {  	[dreg:$0x4] =	wrdreg $0x9  }
0xb1: {  	_ =	task.clear_ibuf [dreg:s6], $0x5FFFF;
	_ =	strace $0x90000046  }
0xb2: {  	s29 =	simm.s32 $0x9;
	_ =	strace $0x80000048  }
0xb3: {  	_ =	swait.ge [sflag:s29], $0x1  }
0xb4: {  	[sflag:s29] =	ssyncadd.s32 $0xFFFFFFFF  }
0xb5: {  	_ =	strace $0x90000048  }
0xb6: {  	_ =	sfence  }
0xb7: {  	s30 =	sld [smem:$0x0];
	_ =	sdelay $0x2  }
0xb8: {  	s31 =	sshll.u32 s1, $0xD;
	s1 =	sshrl.u32 s1, $0x2  }
0xb9: {  	s3 =	sand.u32 $0x4000, s31;
	s1 =	sadd.s32 s1, s30  }
0xba: {  	s0 =	sor.u32 s3, s0;
	s1 =	sshll.u32 s1, $0x11  }
0xbb: {  	s0 =	sor.u32 s1, s0  }
0xbc: {  	s0 =	sadd.s32 $0x8F2B, s0  }
0xbd: {  	[sflag:s0] =	ssyncadd.remote.s32 $0x1  }
0xbe: {  	_ =	sfence.sel $0xFFFF  }
0xbf: {  	[dreg:$0x0] =	wrdreg $0xFFFFFFFF;
	(pc) =	sbr.abs _section_cstart, $3  }
0xc0: {  	[dreg:$0x1] =	wrdreg $0xFFFFFFFF  }
0xc1: {  	_ =	task.clear_ibuf [dreg:s6], $0x2FFFF;
	_ =	strace $0x9FFFFFFF  }
0xc2: {  	(tm) =	ssettm $0x7FFFFFFF  }
0xc3: {  	_ =	shalt  }
tec
execute0_lowered:
.L_overlay_start_1:
0x0: {  	(tag) =	ssettag $0x1  }
0x1: {  	s0 =	rddreg [dreg:$0x0]  }
0x2: {  	s1 =	rddreg [dreg:$0x1];
	s3 =	simm.s32 $0x0  }
0x3: {  	s12 =	stileid.u32;
	s2 =	srdreg.scid;
	s15 =	simm.s32 $0x5  }
0x4: {  	s16 =	simm.s32 $0x1C00;
	s17 =	simm.s32 $0x80;
	s18 =	simm.s32 $0x3800  }
0x5: {  	s19 =	simm.s32 $0x4000;
	s20 =	simm.s32 $0x4800;
	s21 =	simm.s32 $0x5000  }
0x6: {  	s22 =	simm.s32 $0x5800;
	s23 =	simm.s32 $0x6000;
	s24 =	simm.s32 $0x6800  }
0x7: {  	s28 =	simm.s32 $0x2;
	s29 =	simm.s32 $0x3;
	s30 =	simm.s32 $0x4  }
0x8: {  	[smem:$0x7FF] =	sst s3;
	s4 =	sadd.s32 $0x298600, s0;
	s8 =	smul.u32 $0x31000, s12  }
0x9: {  	s5 =	sadd.s32 $0x1BC800, s0;
	s6 =	sadd.s32 $0x1A4000, s0;
	s9 =	smul.u32 $0x6200, s12  }
0xa: {  	s2 =	sand.u32 $0x1, s2;
	s7 =	sadd.s32 $0x18B800, s0;
	_ =	strace $0x80000047  }
0xb: {  	s10 =	ssub.s32 $0x2, s2;
	p0 =	sne.s32 s2, $0x0;
	s8 =	sshrl.u32 s8, $0x2  }
.Ltmp0:
0xc: {  	s0 =	sadd.s32 s9, s0;
	s25 =	sshrl.u32 s10, $0x1;
	(pc) =	sbr.rel .LBB2_1-.Ltmp0, $4  }
0xd: {  	s8 =	sadd.s32 s8, s1;
	s11 =	ssub.s32 s10, s25;
	s31 =	sadd.s32 $0x1D5002, s0  }
0xe: {  	s10 =	smul.u32 $0x188, s12;
	s0 =	sadd.s32 $0x1D5000, s0;
	[dreg:$0x4] =	wrdreg s31  }
0xf: {  	s25 =	simm.s32 $0x7000;
	s26 =	sadd.s32 $0x6200, s8;
	[dreg:$0x5] =	wrdreg s0  }
0x10: {  	v0 =	vimm.bf16 $0.0e+00;
	s13 =	smax.u32 s11, $0x1;
	[dreg:$0x3] =	wrdreg s26;
	s26 =	simm.s32 $0x1  }
.LBB2_12:
0x11: {  	_ =	swait.ge [sflag:s29], $0x800  }
0x12: {  	[sflag:s29] =	ssyncset.done $0x0  }
0x13: {  	[sflag:s29] =	ssyncadd.s32 $0xFFFFF800  }
0x14: {  	_ =	swait.ge [sflag:s29], $0x800  }
0x15: {  	[sflag:s29] =	ssyncset.done $0x0  }
0x16: {  	[sflag:s29] =	ssyncadd.s32 $0xFFFFF800  }
0x17: {  	_ =	swait.ge [sflag:s29], $0x800  }
0x18: {  	[sflag:s29] =	ssyncset.done $0x0  }
0x19: {  	[sflag:s29] =	ssyncadd.s32 $0xFFFFF800  }
0x1a: {  	_ =	swait.ge [sflag:s29], $0x800  }
0x1b: {  	[sflag:s29] =	ssyncset.done $0x0  }
0x1c: {  	[sflag:s29] =	ssyncadd.s32 $0xFFFFF800  }
0x1d: {  	_ =	swait.ge [sflag:s30], $0x800  }
0x1e: {  	[sflag:s30] =	ssyncset.done $0x0  }
0x1f: {  	[sflag:s30] =	ssyncadd.s32 $0xFFFFF800  }
0x20: {  	_ =	swait.ge [sflag:s30], $0x800  }
0x21: {  	[sflag:s30] =	ssyncset.done $0x0  }
0x22: {  	[sflag:s30] =	ssyncadd.s32 $0xFFFFF800  }
0x23: {  	_ =	swait.ge [sflag:s30], $0x800  }
0x24: {  	[sflag:s30] =	ssyncset.done $0x0  }
0x25: {  	[sflag:s30] =	ssyncadd.s32 $0xFFFFF800  }
0x26: {  	s2 =	stileid.u32;
	s9 =	sshrl.u32 s8, $0x3;
	_ =	swait.ge [sflag:s30], $0x800  }
0x27: {  	s11 =	simm.s32 $0x8;
	s3 =	sadd.s32 $0x1, s3;
	[sflag:s30] =	ssyncset.done $0x0  }
0x28: {  	s2 =	sshll.u32 s2, $0x6;
	p1 =	sne.s32 s3, s13;
	[sflag:s30] =	ssyncadd.s32 $0xFFFFF800  }
.Ltmp1:
0x29: {  	s2 =	sor.u32 $0x1C05, s2;
	[bflag:$0x0] =	sbarrier.arrive $0xFFFF;
	(pc) =	sbr.rel @!p1 .LBB2_13-.Ltmp1, $4  }
0x2a: {  	[hbm:s0@s11], [sflag:s2] =	dma.strided [spmem:s9@s28], $0x1880, s26, $0x2   }
0x2b: {  	_ =	swait.ge [sflag:s15], $0x1880  }
0x2c: {  	[sflag:s15] =	ssyncset.done $0x0  }
0x2d: {  	[sflag:s15] =	ssyncadd.s32 $0xFFFFE780  }
.LBB2_1:
0x2e: {  	s0 =	simm.s32 $0x40;
	s2 =	simm.s32 $0x0  }
.LBB2_2:
0x2f: {  	p1 =	sne.s32 s0, $0x187C0;
	[tilespmem:s2+$0x7800] =	vst v0;
	s2 =	smov.u32 s0;
	s0 =	sadd.s32 $0x40, s0  }
.Ltmp2:
0x30: {  	(pc) =	sbr.rel @p1 .LBB2_2-.Ltmp2, $2  }
0x31: {  	_ =	sdelay $0x2  }
0x32: {  	s2 =	sshra.s32 s2, $0x2  }
0x33: {  	[tilespmem:s2+$0x7800] =	vst v0;
	s14 =	simm.s32 $0x7800  }
0x34: {  	[spmem:s8] =	stream.linear.scatter [tilespmem:s14], [sflag:$0x5], $0x6200, $0x38;
	[tilespmem:$0x19E00] =	vst v63  }
0x35: {  	_ =	swait.ge [sflag:s15], $0x6200  }
0x36: {  	[sflag:s15] =	ssyncset.done $0x0  }
0x37: {  	s0 =	rddreg [dreg:$0x3];
	[sflag:s15] =	ssyncadd.s32 $0xFFFF9E00  }
0x38: {  	[spmem:s0] =	stream.linear.scatter [tilespmem:s14], [sflag:$0x5], $0x6200, $0x38;
	[tilespmem:$0x19E00] =	vst v63  }
.Ltmp3:
0x39: {  	_ =	swait.ge [sflag:s15], $0x6200;
	(pc) =	sbr.rel @p0 .LBB2_8-.Ltmp3, $4  }
0x3a: {  	[sflag:s15] =	ssyncset.done $0x0  }
0x3b: {  	[sflag:s15] =	ssyncadd.s32 $0xFFFF9E00  }
0x3c: {  	[bflag:$0x0] =	sbarrier.arrive $0xFFFF  }
0x3d: {  	s31 =	simm.s32 $0x0;
	s11 =	simm.s32 $0x0;
	s0 =	simm.s32 $0x0  }
.LBB2_4:
0x3e: {  	p1 =	seq.s32 s31, $0x0  }
0x3f: {  	s2 =	simm.s32 @!p1 $0x3  }
0x40: {  	_ =	swait.ge @!p1 [sflag:s2], $0x800  }
0x41: {  	[sflag:s2] =	ssyncset.done @!p1 $0x0  }
0x42: {  	[sflag:s2] =	ssyncadd.s32 @!p1 $0xFFFFF800  }
0x43: {  	_ =	swait.ge @!p1 [sflag:s2], $0x800  }
0x44: {  	[sflag:s2] =	ssyncset.done @!p1 $0x0  }
0x45: {  	[sflag:s2] =	ssyncadd.s32 @!p1 $0xFFFFF800  }
0x46: {  	_ =	swait.ge @!p1 [sflag:s2], $0x800  }
0x47: {  	[sflag:s2] =	ssyncset.done @!p1 $0x0  }
0x48: {  	[sflag:s2] =	ssyncadd.s32 @!p1 $0xFFFFF800  }
0x49: {  	_ =	swait.ge @!p1 [sflag:s2], $0x800  }
0x4a: {  	[sflag:s2] =	ssyncset.done @!p1 $0x0  }
0x4b: {  	[sflag:s2] =	ssyncadd.s32 @!p1 $0xFFFFF800;
	s2 =	simm.s32 @!p1 $0x4  }
0x4c: {  	_ =	swait.ge @!p1 [sflag:s2], $0x800  }
0x4d: {  	[sflag:s2] =	ssyncset.done @!p1 $0x0  }
0x4e: {  	[sflag:s2] =	ssyncadd.s32 @!p1 $0xFFFFF800  }
0x4f: {  	_ =	swait.ge @!p1 [sflag:s2], $0x800  }
0x50: {  	[sflag:s2] =	ssyncset.done @!p1 $0x0  }
0x51: {  	[sflag:s2] =	ssyncadd.s32 @!p1 $0xFFFFF800  }
0x52: {  	_ =	swait.ge @!p1 [sflag:s2], $0x800  }
0x53: {  	s11 =	smul.u32 $0x38, s31;
	[sflag:s2] =	ssyncset.done @!p1 $0x0  }
0x54: {  	[sflag:s2] =	ssyncadd.s32 @!p1 $0xFFFFF800  }
0x55: {  	s11 =	sadd.s32 s10, s11;
	_ =	swait.ge @!p1 [sflag:s2], $0x800  }
0x56: {  	s11 =	sshll.u32 s11, $0x4;
	[sflag:s2] =	ssyncset.done @!p1 $0x0  }
0x57: {  	s14 =	sadd.s32 s5, s11;
	[sflag:s2] =	ssyncadd.s32 @!p1 $0xFFFFF800  }
0x58: {  	[tilespmem:s0], [sflag:$0x5] =	stream.linear.gather [hbm4b:s14+s0], $0x1C00, $0x38;
	[tilespmem:$0x19E00] =	vst v63  }
0x59: {  	_ =	swait.ge [sflag:s15], $0x1C00  }
0x5a: {  	[sflag:s15] =	ssyncset.done $0x0  }
0x5b: {  	s9 =	sadd.s32 s7, s11;
	[sflag:s15] =	ssyncadd.s32 $0xFFFFE400  }
0x5c: {  	[tilespmem:s16], [sflag:$0x5] =	stream.linear.gather [hbm4b:s9+s0], $0x1C00, $0x38;
	[tilespmem:$0x19E00] =	vst v63  }
0x5d: {  	p5 =	por $0x1, $0x1;
	_ =	swait.ge [sflag:s15], $0x1C00  }
0x5e: {  	p1 =	por p5, p5;
	[sflag:s15] =	ssyncset.done $0x0  }
0x5f: {  	s2 =	simm.s32 @!p1 $0x3;
	[sflag:s15] =	ssyncadd.s32 $0xFFFFE400  }
0x60: {  	_ =	swait.ge @!p1 [sflag:s2], $0x800  }
0x61: {  	[sflag:s2] =	ssyncset.done @!p1 $0x0  }
0x62: {  	[sflag:s2] =	ssyncadd.s32 @!p1 $0xFFFFF800  }
0x63: {  	_ =	swait.ge @!p1 [sflag:s2], $0x800  }
0x64: {  	[sflag:s2] =	ssyncset.done @!p1 $0x0  }
0x65: {  	[sflag:s2] =	ssyncadd.s32 @!p1 $0xFFFFF800  }
0x66: {  	_ =	swait.ge @!p1 [sflag:s2], $0x800  }
0x67: {  	[sflag:s2] =	ssyncset.done @!p1 $0x0  }
0x68: {  	[sflag:s2] =	ssyncadd.s32 @!p1 $0xFFFFF800  }
0x69: {  	_ =	swait.ge @!p1 [sflag:s2], $0x800  }
0x6a: {  	[sflag:s2] =	ssyncset.done @!p1 $0x0  }
0x6b: {  	s11 =	simm.s32 $0x0;
	[sflag:s2] =	ssyncadd.s32 @!p1 $0xFFFFF800  }
0x6c: {  	[tilespmem:s18], [sflag:$0x1] =	stream.indirect.gather [hbm4b:s4+s17], $0x10, s11, s17, $0xb8;
	[tilespmem:$0x19E00] =	vst v63  }
0x6d: {  	s12 =	simm.s32 $0x80  }
0x6e: {  	[tilespmem:s19], [sflag:$0x1] =	stream.indirect.gather [hbm4b:s4+s17], $0x10, s12, s17, $0xb8;
	[tilespmem:$0x19E00] =	vst v63  }
0x6f: {  	s14 =	simm.s32 $0x100  }
0x70: {  	[tilespmem:s20], [sflag:$0x1] =	stream.indirect.gather [hbm4b:s4+s17], $0x10, s14, s17, $0xb8;
	[tilespmem:$0x19E00] =	vst v63  }
0x71: {  	s9 =	simm.s32 $0x180;
	s11 =	simm.s32 @!p1 $0x4  }
0x72: {  	[tilespmem:s21], [sflag:$0x1] =	stream.indirect.gather [hbm4b:s4+s17], $0x10, s9, s17, $0xb8;
	[tilespmem:$0x19E00] =	vst v63  }
0x73: {  	_ =	swait.ge @!p1 [sflag:s11], $0x800  }
0x74: {  	[sflag:s11] =	ssyncset.done @!p1 $0x0  }
0x75: {  	[sflag:s11] =	ssyncadd.s32 @!p1 $0xFFFFF800  }
0x76: {  	_ =	swait.ge @!p1 [sflag:s11], $0x800  }
0x77: {  	[sflag:s11] =	ssyncset.done @!p1 $0x0  }
0x78: {  	[sflag:s11] =	ssyncadd.s32 @!p1 $0xFFFFF800  }
0x79: {  	_ =	swait.ge @!p1 [sflag:s11], $0x800  }
0x7a: {  	[sflag:s11] =	ssyncset.done @!p1 $0x0  }
0x7b: {  	[sflag:s11] =	ssyncadd.s32 @!p1 $0xFFFFF800  }
0x7c: {  	_ =	swait.ge @!p1 [sflag:s11], $0x800  }
0x7d: {  	[sflag:s11] =	ssyncset.done @!p1 $0x0  }
0x7e: {  	[sflag:s11] =	ssyncadd.s32 @!p1 $0xFFFFF800;
	s11 =	simm.s32 $0x200  }
0x7f: {  	[tilespmem:s22], [sflag:$0x2] =	stream.indirect.gather [hbm4b:s4+s17], $0x10, s11, s17, $0xb8;
	[tilespmem:$0x19E00] =	vst v63  }
0x80: {  	s12 =	simm.s32 $0x280  }
0x81: {  	[tilespmem:s23], [sflag:$0x2] =	stream.indirect.gather [hbm4b:s4+s17], $0x10, s12, s17, $0xb8;
	[tilespmem:$0x19E00] =	vst v63  }
0x82: {  	s14 =	simm.s32 $0x300  }
0x83: {  	[tilespmem:s24], [sflag:$0x2] =	stream.indirect.gather [hbm4b:s4+s17], $0x10, s14, s17, $0xb8;
	[tilespmem:$0x19E00] =	vst v63  }
0x84: {  	s9 =	simm.s32 $0x380  }
0x85: {  	[tilespmem:s25], [sflag:$0x2] =	stream.indirect.gather [hbm4b:s4+s17], $0x10, s9, s17, $0xb8;
	[tilespmem:$0x19E00] =	vst v63  }
0x86: {  	_ =	swait.ge [sflag:s26], $0x800  }
0x87: {  	[sflag:s26] =	ssyncset.done $0x0  }
0x88: {  	[sflag:s26] =	ssyncadd.s32 $0xFFFFF800  }
0x89: {  	_ =	swait.ge [sflag:s26], $0x800  }
0x8a: {  	[sflag:s26] =	ssyncset.done $0x0  }
0x8b: {  	[sflag:s26] =	ssyncadd.s32 $0xFFFFF800  }
0x8c: {  	_ =	swait.ge [sflag:s26], $0x800  }
0x8d: {  	[sflag:s26] =	ssyncset.done $0x0  }
0x8e: {  	[sflag:s26] =	ssyncadd.s32 $0xFFFFF800  }
0x8f: {  	_ =	swait.ge [sflag:s26], $0x800  }
0x90: {  	[sflag:s26] =	ssyncset.done $0x0  }
0x91: {  	s11 =	simm.s32 $0x1C00;
	[sflag:s26] =	ssyncadd.s32 $0xFFFFF800  }
0x92: {  	[spmem:s1] =	stream.indirect.scatter.add.bf16 [tilespmem:s18], [sflag:$0x3], $0x10, s11, s17, $0xb8;
	[tilespmem:$0x19E00] =	vst v63  }
0x93: {  	s12 =	simm.s32 $0x1C80  }
0x94: {  	[spmem:s1] =	stream.indirect.scatter.add.bf16 [tilespmem:s19], [sflag:$0x3], $0x10, s12, s17, $0xb8;
	[tilespmem:$0x19E00] =	vst v63  }
0x95: {  	s14 =	simm.s32 $0x1D00  }
0x96: {  	[spmem:s1] =	stream.indirect.scatter.add.bf16 [tilespmem:s20], [sflag:$0x3], $0x10, s14, s17, $0xb8;
	[tilespmem:$0x19E00] =	vst v63  }
0x97: {  	s9 =	simm.s32 $0x1D80  }
0x98: {  	[spmem:s1] =	stream.indirect.scatter.add.bf16 [tilespmem:s21], [sflag:$0x3], $0x10, s9, s17, $0xb8;
	[tilespmem:$0x19E00] =	vst v63  }
0x99: {  	_ =	swait.ge [sflag:s28], $0x800  }
0x9a: {  	[sflag:s28] =	ssyncset.done $0x0  }
0x9b: {  	[sflag:s28] =	ssyncadd.s32 $0xFFFFF800  }
0x9c: {  	_ =	swait.ge [sflag:s28], $0x800  }
0x9d: {  	[sflag:s28] =	ssyncset.done $0x0  }
0x9e: {  	[sflag:s28] =	ssyncadd.s32 $0xFFFFF800  }
0x9f: {  	_ =	swait.ge [sflag:s28], $0x800  }
0xa0: {  	[sflag:s28] =	ssyncset.done $0x0  }
0xa1: {  	[sflag:s28] =	ssyncadd.s32 $0xFFFFF800  }
0xa2: {  	_ =	swait.ge [sflag:s28], $0x800  }
0xa3: {  	[sflag:s28] =	ssyncset.done $0x0  }
0xa4: {  	p6 =	por $0x0, $0x0;
	s11 =	simm.s32 $0x1E00;
	[sflag:s28] =	ssyncadd.s32 $0xFFFFF800  }
0xa5: {  	[spmem:s1] =	stream.indirect.scatter.add.bf16 [tilespmem:s22], [sflag:$0x4], $0x10, s11, s17, $0xb8;
	[tilespmem:$0x19E00] =	vst v63  }
0xa6: {  	s2 =	simm.s32 $0x1F80;
	p1 =	por p6, p6;
	s12 =	simm.s32 $0x1E80  }
0xa7: {  	[spmem:s1] =	stream.indirect.scatter.add.bf16 [tilespmem:s23], [sflag:$0x4], $0x10, s12, s17, $0xb8;
	[tilespmem:$0x19E00] =	vst v63  }
0xa8: {  	s14 =	simm.s32 $0x1F00;
	s11 =	simm.s32 $0x1000;
	s12 =	simm.s32 $0x2000  }
0xa9: {  	[spmem:s1] =	stream.indirect.scatter.add.bf16 [tilespmem:s24], [sflag:$0x4], $0x10, s14, s17, $0xb8;
	[tilespmem:$0x19E00] =	vst v63  }
.LBB2_5:
0xaa: {  	[spmem:s1] =	stream.indirect.scatter.add.bf16 [tilespmem:s25], [sflag:$0x4], $0x10, s2, s17, $0xb8;
	[tilespmem:$0x19E00] =	vst v63  }
0xab: {  	s14 =	smov.u32 s12  }
0xac: {  	s12 =	sadd.s32 $0x1000, s12;
	s2 =	simm.s32 @!p1 $0x3;
	p3 =	seq.s32 s14, $0x0  }
0xad: {  	p2 =	sne.s32 s12, $0x7000;
	_ =	swait.ge @!p1 [sflag:s2], $0x800  }
0xae: {  	[sflag:s2] =	ssyncset.done @!p1 $0x0  }
0xaf: {  	[sflag:s2] =	ssyncadd.s32 @!p1 $0xFFFFF800  }
0xb0: {  	_ =	swait.ge @!p1 [sflag:s2], $0x800  }
0xb1: {  	[sflag:s2] =	ssyncset.done @!p1 $0x0  }
0xb2: {  	[sflag:s2] =	ssyncadd.s32 @!p1 $0xFFFFF800  }
0xb3: {  	_ =	swait.ge @!p1 [sflag:s2], $0x800  }
0xb4: {  	[sflag:s2] =	ssyncset.done @!p1 $0x0  }
0xb5: {  	[sflag:s2] =	ssyncadd.s32 @!p1 $0xFFFFF800  }
0xb6: {  	_ =	swait.ge @!p1 [sflag:s2], $0x800  }
0xb7: {  	[sflag:s2] =	ssyncset.done @!p1 $0x0  }
0xb8: {  	[sflag:s2] =	ssyncadd.s32 @!p1 $0xFFFFF800;
	s2 =	sshra.s32 s11, $0x2;
	s11 =	smov.u32 s14  }
0xb9: {  	[tilespmem:s18], [sflag:$0x1] =	stream.indirect.gather [hbm4b:s4+s17], $0x10, s2, s17, $0xb8;
	[tilespmem:$0x19E00] =	vst v63  }
0xba: {  	s14 =	sadd.s32 $0x80, s2  }
0xbb: {  	[tilespmem:s19], [sflag:$0x1] =	stream.indirect.gather [hbm4b:s4+s17], $0x10, s14, s17, $0xb8;
	[tilespmem:$0x19E00] =	vst v63  }
0xbc: {  	s14 =	sadd.s32 $0x100, s2  }
0xbd: {  	[tilespmem:s20], [sflag:$0x1] =	stream.indirect.gather [hbm4b:s4+s17], $0x10, s14, s17, $0xb8;
	[tilespmem:$0x19E00] =	vst v63  }
0xbe: {  	s9 =	simm.s32 @!p1 $0x4;
	s14 =	sadd.s32 $0x180, s2  }
0xbf: {  	[tilespmem:s21], [sflag:$0x1] =	stream.indirect.gather [hbm4b:s4+s17], $0x10, s14, s17, $0xb8;
	[tilespmem:$0x19E00] =	vst v63  }
0xc0: {  	_ =	swait.ge @!p1 [sflag:s9], $0x800  }
0xc1: {  	[sflag:s9] =	ssyncset.done @!p1 $0x0  }
0xc2: {  	[sflag:s9] =	ssyncadd.s32 @!p1 $0xFFFFF800  }
0xc3: {  	_ =	swait.ge @!p1 [sflag:s9], $0x800  }
0xc4: {  	[sflag:s9] =	ssyncset.done @!p1 $0x0  }
0xc5: {  	[sflag:s9] =	ssyncadd.s32 @!p1 $0xFFFFF800  }
0xc6: {  	_ =	swait.ge @!p1 [sflag:s9], $0x800  }
0xc7: {  	[sflag:s9] =	ssyncset.done @!p1 $0x0  }
0xc8: {  	[sflag:s9] =	ssyncadd.s32 @!p1 $0xFFFFF800  }
0xc9: {  	_ =	swait.ge @!p1 [sflag:s9], $0x800  }
0xca: {  	[sflag:s9] =	ssyncset.done @!p1 $0x0  }
0xcb: {  	[sflag:s9] =	ssyncadd.s32 @!p1 $0xFFFFF800;
	s9 =	sadd.s32 $0x200, s2;
	p1 =	por p3, p3  }
0xcc: {  	[tilespmem:s22], [sflag:$0x2] =	stream.indirect.gather [hbm4b:s4+s17], $0x10, s9, s17, $0xb8;
	[tilespmem:$0x19E00] =	vst v63  }
0xcd: {  	s9 =	sadd.s32 $0x280, s2  }
0xce: {  	[tilespmem:s23], [sflag:$0x2] =	stream.indirect.gather [hbm4b:s4+s17], $0x10, s9, s17, $0xb8;
	[tilespmem:$0x19E00] =	vst v63  }
0xcf: {  	s9 =	sadd.s32 $0x300, s2  }
0xd0: {  	[tilespmem:s24], [sflag:$0x2] =	stream.indirect.gather [hbm4b:s4+s17], $0x10, s9, s17, $0xb8;
	[tilespmem:$0x19E00] =	vst v63  }
0xd1: {  	s9 =	sadd.s32 $0x380, s2  }
0xd2: {  	[tilespmem:s25], [sflag:$0x2] =	stream.indirect.gather [hbm4b:s4+s17], $0x10, s9, s17, $0xb8;
	[tilespmem:$0x19E00] =	vst v63  }
0xd3: {  	_ =	swait.ge [sflag:s26], $0x800  }
0xd4: {  	[sflag:s26] =	ssyncset.done $0x0  }
0xd5: {  	[sflag:s26] =	ssyncadd.s32 $0xFFFFF800  }
0xd6: {  	_ =	swait.ge [sflag:s26], $0x800  }
0xd7: {  	[sflag:s26] =	ssyncset.done $0x0  }
0xd8: {  	[sflag:s26] =	ssyncadd.s32 $0xFFFFF800  }
0xd9: {  	_ =	swait.ge [sflag:s26], $0x800  }
0xda: {  	[sflag:s26] =	ssyncset.done $0x0  }
0xdb: {  	[sflag:s26] =	ssyncadd.s32 $0xFFFFF800  }
0xdc: {  	_ =	swait.ge [sflag:s26], $0x800  }
0xdd: {  	[sflag:s26] =	ssyncset.done $0x0  }
0xde: {  	s9 =	sadd.s32 $0x1C00, s2;
	[sflag:s26] =	ssyncadd.s32 $0xFFFFF800  }
0xdf: {  	[spmem:s1] =	stream.indirect.scatter.add.bf16 [tilespmem:s18], [sflag:$0x3], $0x10, s9, s17, $0xb8;
	[tilespmem:$0x19E00] =	vst v63  }
0xe0: {  	s9 =	sadd.s32 $0x1C80, s2  }
0xe1: {  	[spmem:s1] =	stream.indirect.scatter.add.bf16 [tilespmem:s19], [sflag:$0x3], $0x10, s9, s17, $0xb8;
	[tilespmem:$0x19E00] =	vst v63  }
0xe2: {  	s9 =	sadd.s32 $0x1D00, s2  }
0xe3: {  	[spmem:s1] =	stream.indirect.scatter.add.bf16 [tilespmem:s20], [sflag:$0x3], $0x10, s9, s17, $0xb8;
	[tilespmem:$0x19E00] =	vst v63  }
0xe4: {  	s9 =	sadd.s32 $0x1D80, s2  }
0xe5: {  	[spmem:s1] =	stream.indirect.scatter.add.bf16 [tilespmem:s21], [sflag:$0x3], $0x10, s9, s17, $0xb8;
	[tilespmem:$0x19E00] =	vst v63  }
0xe6: {  	_ =	swait.ge [sflag:s28], $0x800  }
0xe7: {  	[sflag:s28] =	ssyncset.done $0x0  }
0xe8: {  	[sflag:s28] =	ssyncadd.s32 $0xFFFFF800  }
0xe9: {  	_ =	swait.ge [sflag:s28], $0x800  }
0xea: {  	[sflag:s28] =	ssyncset.done $0x0  }
0xeb: {  	[sflag:s28] =	ssyncadd.s32 $0xFFFFF800  }
0xec: {  	_ =	swait.ge [sflag:s28], $0x800  }
0xed: {  	[sflag:s28] =	ssyncset.done $0x0  }
0xee: {  	[sflag:s28] =	ssyncadd.s32 $0xFFFFF800  }
0xef: {  	_ =	swait.ge [sflag:s28], $0x800  }
0xf0: {  	[sflag:s28] =	ssyncset.done $0x0  }
0xf1: {  	s9 =	sadd.s32 $0x1E00, s2;
	[sflag:s28] =	ssyncadd.s32 $0xFFFFF800  }
0xf2: {  	[spmem:s1] =	stream.indirect.scatter.add.bf16 [tilespmem:s22], [sflag:$0x4], $0x10, s9, s17, $0xb8;
	[tilespmem:$0x19E00] =	vst v63  }
.Ltmp4:
0xf3: {  	s9 =	sadd.s32 $0x1E80, s2;
	(pc) =	sbr.rel @p2 .LBB2_5-.Ltmp4, $4  }
0xf4: {  	[spmem:s1] =	stream.indirect.scatter.add.bf16 [tilespmem:s23], [sflag:$0x4], $0x10, s9, s17, $0xb8;
	[tilespmem:$0x19E00] =	vst v63  }
0xf5: {  	s9 =	sadd.s32 $0x1F00, s2  }
0xf6: {  	[spmem:s1] =	stream.indirect.scatter.add.bf16 [tilespmem:s24], [sflag:$0x4], $0x10, s9, s17, $0xb8;
	[tilespmem:$0x19E00] =	vst v63  }
0xf7: {  	s2 =	sadd.s32 $0x1F80, s2  }
0xf8: {  	[spmem:s1] =	stream.indirect.scatter.add.bf16 [tilespmem:s25], [sflag:$0x4], $0x10, s2, s17, $0xb8;
	[tilespmem:$0x19E00] =	vst v63  }
0xf9: {  	s2 =	simm.s32 @!p1 $0x3  }
0xfa: {  	_ =	swait.ge @!p1 [sflag:s2], $0x800  }
0xfb: {  	[sflag:s2] =	ssyncset.done @!p1 $0x0  }
0xfc: {  	[sflag:s2] =	ssyncadd.s32 @!p1 $0xFFFFF800  }
0xfd: {  	_ =	swait.ge @!p1 [sflag:s2], $0x800  }
0xfe: {  	[sflag:s2] =	ssyncset.done @!p1 $0x0  }
0xff: {  	[sflag:s2] =	ssyncadd.s32 @!p1 $0xFFFFF800  }
0x100: {  	_ =	swait.ge @!p1 [sflag:s2], $0x800  }
0x101: {  	[sflag:s2] =	ssyncset.done @!p1 $0x0  }
0x102: {  	[sflag:s2] =	ssyncadd.s32 @!p1 $0xFFFFF800  }
0x103: {  	_ =	swait.ge @!p1 [sflag:s2], $0x800  }
0x104: {  	[sflag:s2] =	ssyncset.done @!p1 $0x0  }
0x105: {  	[sflag:s2] =	ssyncadd.s32 @!p1 $0xFFFFF800;
	s2 =	sshra.s32 s11, $0x2  }
0x106: {  	[tilespmem:s18], [sflag:$0x1] =	stream.indirect.gather [hbm4b:s4+s17], $0x10, s2, s17, $0xb8;
	[tilespmem:$0x19E00] =	vst v63  }
0x107: {  	s9 =	sadd.s32 $0x80, s2  }
0x108: {  	[tilespmem:s19], [sflag:$0x1] =	stream.indirect.gather [hbm4b:s4+s17], $0x10, s9, s17, $0xb8;
	[tilespmem:$0x19E00] =	vst v63  }
0x109: {  	s12 =	sadd.s32 $0x100, s2  }
0x10a: {  	[tilespmem:s20], [sflag:$0x1] =	stream.indirect.gather [hbm4b:s4+s17], $0x10, s12, s17, $0xb8;
	[tilespmem:$0x19E00] =	vst v63  }
0x10b: {  	s11 =	simm.s32 @!p1 $0x4;
	s14 =	sadd.s32 $0x180, s2  }
0x10c: {  	[tilespmem:s21], [sflag:$0x1] =	stream.indirect.gather [hbm4b:s4+s17], $0x10, s14, s17, $0xb8;
	[tilespmem:$0x19E00] =	vst v63  }
0x10d: {  	_ =	swait.ge @!p1 [sflag:s11], $0x800  }
0x10e: {  	[sflag:s11] =	ssyncset.done @!p1 $0x0  }
0x10f: {  	[sflag:s11] =	ssyncadd.s32 @!p1 $0xFFFFF800  }
0x110: {  	_ =	swait.ge @!p1 [sflag:s11], $0x800  }
0x111: {  	[sflag:s11] =	ssyncset.done @!p1 $0x0  }
0x112: {  	[sflag:s11] =	ssyncadd.s32 @!p1 $0xFFFFF800  }
0x113: {  	_ =	swait.ge @!p1 [sflag:s11], $0x800  }
0x114: {  	[sflag:s11] =	ssyncset.done @!p1 $0x0  }
0x115: {  	[sflag:s11] =	ssyncadd.s32 @!p1 $0xFFFFF800  }
0x116: {  	_ =	swait.ge @!p1 [sflag:s11], $0x800  }
0x117: {  	[sflag:s11] =	ssyncset.done @!p1 $0x0  }
0x118: {  	s12 =	sadd.s32 $0x200, s2;
	[sflag:s11] =	ssyncadd.s32 @!p1 $0xFFFFF800  }
0x119: {  	[tilespmem:s22], [sflag:$0x2] =	stream.indirect.gather [hbm4b:s4+s17], $0x10, s12, s17, $0xb8;
	[tilespmem:$0x19E00] =	vst v63  }
0x11a: {  	s14 =	sadd.s32 $0x280, s2  }
0x11b: {  	[tilespmem:s23], [sflag:$0x2] =	stream.indirect.gather [hbm4b:s4+s17], $0x10, s14, s17, $0xb8;
	[tilespmem:$0x19E00] =	vst v63  }
0x11c: {  	s11 =	sadd.s32 $0x300, s2  }
0x11d: {  	[tilespmem:s24], [sflag:$0x2] =	stream.indirect.gather [hbm4b:s4+s17], $0x10, s11, s17, $0xb8;
	[tilespmem:$0x19E00] =	vst v63  }
0x11e: {  	s12 =	sadd.s32 $0x380, s2  }
0x11f: {  	[tilespmem:s25], [sflag:$0x2] =	stream.indirect.gather [hbm4b:s4+s17], $0x10, s12, s17, $0xb8;
	[tilespmem:$0x19E00] =	vst v63  }
0x120: {  	_ =	swait.ge [sflag:s26], $0x800  }
0x121: {  	[sflag:s26] =	ssyncset.done $0x0  }
0x122: {  	[sflag:s26] =	ssyncadd.s32 $0xFFFFF800  }
0x123: {  	_ =	swait.ge [sflag:s26], $0x800  }
0x124: {  	[sflag:s26] =	ssyncset.done $0x0  }
0x125: {  	[sflag:s26] =	ssyncadd.s32 $0xFFFFF800  }
0x126: {  	_ =	swait.ge [sflag:s26], $0x800  }
0x127: {  	[sflag:s26] =	ssyncset.done $0x0  }
0x128: {  	[sflag:s26] =	ssyncadd.s32 $0xFFFFF800  }
0x129: {  	_ =	swait.ge [sflag:s26], $0x800  }
0x12a: {  	[sflag:s26] =	ssyncset.done $0x0  }
0x12b: {  	s14 =	sadd.s32 $0x1C00, s2;
	[sflag:s26] =	ssyncadd.s32 $0xFFFFF800  }
0x12c: {  	[spmem:s1] =	stream.indirect.scatter.add.bf16 [tilespmem:s18], [sflag:$0x3], $0x10, s14, s17, $0xb8;
	[tilespmem:$0x19E00] =	vst v63  }
0x12d: {  	s11 =	sadd.s32 $0x1C80, s2  }
0x12e: {  	[spmem:s1] =	stream.indirect.scatter.add.bf16 [tilespmem:s19], [sflag:$0x3], $0x10, s11, s17, $0xb8;
	[tilespmem:$0x19E00] =	vst v63  }
0x12f: {  	s12 =	sadd.s32 $0x1D00, s2  }
0x130: {  	[spmem:s1] =	stream.indirect.scatter.add.bf16 [tilespmem:s20], [sflag:$0x3], $0x10, s12, s17, $0xb8;
	[tilespmem:$0x19E00] =	vst v63  }
0x131: {  	s14 =	sadd.s32 $0x1D80, s2  }
0x132: {  	[spmem:s1] =	stream.indirect.scatter.add.bf16 [tilespmem:s21], [sflag:$0x3], $0x10, s14, s17, $0xb8;
	[tilespmem:$0x19E00] =	vst v63  }
0x133: {  	_ =	swait.ge [sflag:s28], $0x800  }
0x134: {  	[sflag:s28] =	ssyncset.done $0x0  }
0x135: {  	[sflag:s28] =	ssyncadd.s32 $0xFFFFF800  }
0x136: {  	_ =	swait.ge [sflag:s28], $0x800  }
0x137: {  	[sflag:s28] =	ssyncset.done $0x0  }
0x138: {  	[sflag:s28] =	ssyncadd.s32 $0xFFFFF800  }
0x139: {  	_ =	swait.ge [sflag:s28], $0x800  }
0x13a: {  	[sflag:s28] =	ssyncset.done $0x0  }
0x13b: {  	[sflag:s28] =	ssyncadd.s32 $0xFFFFF800  }
0x13c: {  	_ =	swait.ge [sflag:s28], $0x800  }
0x13d: {  	[sflag:s28] =	ssyncset.done $0x0  }
0x13e: {  	s31 =	sadd.s32 $0x1, s31;
	s11 =	sadd.s32 $0x1E00, s2;
	[sflag:s28] =	ssyncadd.s32 $0xFFFFF800  }
0x13f: {  	[spmem:s1] =	stream.indirect.scatter.add.bf16 [tilespmem:s22], [sflag:$0x4], $0x10, s11, s17, $0xb8;
	[tilespmem:$0x19E00] =	vst v63  }
0x140: {  	p1 =	seq.s32 s31, $0x7;
	s12 =	sadd.s32 $0x1E80, s2  }
0x141: {  	[spmem:s1] =	stream.indirect.scatter.add.bf16 [tilespmem:s23], [sflag:$0x4], $0x10, s12, s17, $0xb8;
	[tilespmem:$0x19E00] =	vst v63  }
.Ltmp5:
0x142: {  	_ = 	snop;
	(pc) =	sbr.rel @!p1 .LBB2_4-.Ltmp5, $4  }
0x143: {  	s14 =	sadd.s32 $0x1F00, s2  }
0x144: {  	[spmem:s1] =	stream.indirect.scatter.add.bf16 [tilespmem:s24], [sflag:$0x4], $0x10, s14, s17, $0xb8;
	[tilespmem:$0x19E00] =	vst v63  }
0x145: {  	s2 =	sadd.s32 $0x1F80, s2  }
0x146: {  	[spmem:s1] =	stream.indirect.scatter.add.bf16 [tilespmem:s25], [sflag:$0x4], $0x10, s2, s17, $0xb8;
	[tilespmem:$0x19E00] =	vst v63  }
.Ltmp6:
0x147: {  	(pc) =	sbr.rel .LBB2_12-.Ltmp6, $2  }
0x148: {  	_ =	sdelay $0x2  }
0x149: {  	s0 =	rddreg [dreg:$0x5]  }
.LBB2_8:
0x14a: {  	p1 =	seq.s32 s11, $0x0  }
0x14b: {  	s2 =	simm.s32 @!p1 $0x3  }
0x14c: {  	_ =	swait.ge @!p1 [sflag:s2], $0x800  }
0x14d: {  	[sflag:s2] =	ssyncset.done @!p1 $0x0  }
0x14e: {  	[sflag:s2] =	ssyncadd.s32 @!p1 $0xFFFFF800  }
0x14f: {  	_ =	swait.ge @!p1 [sflag:s2], $0x800  }
0x150: {  	[sflag:s2] =	ssyncset.done @!p1 $0x0  }
0x151: {  	[sflag:s2] =	ssyncadd.s32 @!p1 $0xFFFFF800  }
0x152: {  	_ =	swait.ge @!p1 [sflag:s2], $0x800  }
0x153: {  	[sflag:s2] =	ssyncset.done @!p1 $0x0  }
0x154: {  	[sflag:s2] =	ssyncadd.s32 @!p1 $0xFFFFF800  }
0x155: {  	_ =	swait.ge @!p1 [sflag:s2], $0x800  }
0x156: {  	[sflag:s2] =	ssyncset.done @!p1 $0x0  }
0x157: {  	[sflag:s2] =	ssyncadd.s32 @!p1 $0xFFFFF800;
	s2 =	simm.s32 @!p1 $0x4  }
0x158: {  	_ =	swait.ge @!p1 [sflag:s2], $0x800  }
0x159: {  	[sflag:s2] =	ssyncset.done @!p1 $0x0  }
0x15a: {  	[sflag:s2] =	ssyncadd.s32 @!p1 $0xFFFFF800  }
0x15b: {  	_ =	swait.ge @!p1 [sflag:s2], $0x800  }
0x15c: {  	[sflag:s2] =	ssyncset.done @!p1 $0x0  }
0x15d: {  	[sflag:s2] =	ssyncadd.s32 @!p1 $0xFFFFF800  }
0x15e: {  	_ =	swait.ge @!p1 [sflag:s2], $0x800  }
0x15f: {  	s9 =	smul.u32 $0x38, s11;
	[sflag:s2] =	ssyncset.done @!p1 $0x0  }
0x160: {  	[sflag:s2] =	ssyncadd.s32 @!p1 $0xFFFFF800  }
0x161: {  	s9 =	sadd.s32 s10, s9;
	_ =	swait.ge @!p1 [sflag:s2], $0x800  }
0x162: {  	s9 =	sshll.u32 s9, $0x4;
	[sflag:s2] =	ssyncset.done @!p1 $0x0  }
0x163: {  	s14 =	sadd.s32 s6, s9;
	[sflag:s2] =	ssyncadd.s32 @!p1 $0xFFFFF800  }
0x164: {  	[tilespmem:s0], [sflag:$0x5] =	stream.linear.gather [hbm4b:s14+s0], $0x1C00, $0x38;
	[tilespmem:$0x19E00] =	vst v63  }
0x165: {  	_ =	swait.ge [sflag:s15], $0x1C00  }
0x166: {  	[sflag:s15] =	ssyncset.done $0x0  }
0x167: {  	s12 =	sadd.s32 s7, s9;
	[sflag:s15] =	ssyncadd.s32 $0xFFFFE400  }
0x168: {  	[tilespmem:s16], [sflag:$0x5] =	stream.linear.gather [hbm4b:s12+s0], $0x1C00, $0x38;
	[tilespmem:$0x19E00] =	vst v63  }
0x169: {  	p5 =	por $0x1, $0x1;
	_ =	swait.ge [sflag:s15], $0x1C00  }
0x16a: {  	p1 =	por p5, p5;
	[sflag:s15] =	ssyncset.done $0x0  }
0x16b: {  	s2 =	simm.s32 @!p1 $0x3;
	[sflag:s15] =	ssyncadd.s32 $0xFFFFE400  }
0x16c: {  	_ =	swait.ge @!p1 [sflag:s2], $0x800  }
0x16d: {  	[sflag:s2] =	ssyncset.done @!p1 $0x0  }
0x16e: {  	[sflag:s2] =	ssyncadd.s32 @!p1 $0xFFFFF800  }
0x16f: {  	_ =	swait.ge @!p1 [sflag:s2], $0x800  }
0x170: {  	[sflag:s2] =	ssyncset.done @!p1 $0x0  }
0x171: {  	[sflag:s2] =	ssyncadd.s32 @!p1 $0xFFFFF800  }
0x172: {  	_ =	swait.ge @!p1 [sflag:s2], $0x800  }
0x173: {  	[sflag:s2] =	ssyncset.done @!p1 $0x0  }
0x174: {  	[sflag:s2] =	ssyncadd.s32 @!p1 $0xFFFFF800  }
0x175: {  	_ =	swait.ge @!p1 [sflag:s2], $0x800  }
0x176: {  	[sflag:s2] =	ssyncset.done @!p1 $0x0  }
0x177: {  	s14 =	simm.s32 $0x0;
	[sflag:s2] =	ssyncadd.s32 @!p1 $0xFFFFF800  }
0x178: {  	[tilespmem:s18], [sflag:$0x1] =	stream.indirect.gather [hbm4b:s4+s17], $0x10, s14, s17, $0xb8;
	[tilespmem:$0x19E00] =	vst v63  }
0x179: {  	s9 =	simm.s32 $0x80  }
0x17a: {  	[tilespmem:s19], [sflag:$0x1] =	stream.indirect.gather [hbm4b:s4+s17], $0x10, s9, s17, $0xb8;
	[tilespmem:$0x19E00] =	vst v63  }
0x17b: {  	s12 =	simm.s32 $0x100  }
0x17c: {  	[tilespmem:s20], [sflag:$0x1] =	stream.indirect.gather [hbm4b:s4+s17], $0x10, s12, s17, $0xb8;
	[tilespmem:$0x19E00] =	vst v63  }
0x17d: {  	s14 =	simm.s32 $0x180;
	s9 =	simm.s32 @!p1 $0x4  }
0x17e: {  	[tilespmem:s21], [sflag:$0x1] =	stream.indirect.gather [hbm4b:s4+s17], $0x10, s14, s17, $0xb8;
	[tilespmem:$0x19E00] =	vst v63  }
0x17f: {  	_ =	swait.ge @!p1 [sflag:s9], $0x800  }
0x180: {  	[sflag:s9] =	ssyncset.done @!p1 $0x0  }
0x181: {  	[sflag:s9] =	ssyncadd.s32 @!p1 $0xFFFFF800  }
0x182: {  	_ =	swait.ge @!p1 [sflag:s9], $0x800  }
0x183: {  	[sflag:s9] =	ssyncset.done @!p1 $0x0  }
0x184: {  	[sflag:s9] =	ssyncadd.s32 @!p1 $0xFFFFF800  }
0x185: {  	_ =	swait.ge @!p1 [sflag:s9], $0x800  }
0x186: {  	[sflag:s9] =	ssyncset.done @!p1 $0x0  }
0x187: {  	[sflag:s9] =	ssyncadd.s32 @!p1 $0xFFFFF800  }
0x188: {  	_ =	swait.ge @!p1 [sflag:s9], $0x800  }
0x189: {  	[sflag:s9] =	ssyncset.done @!p1 $0x0  }
0x18a: {  	s12 =	simm.s32 $0x200;
	[sflag:s9] =	ssyncadd.s32 @!p1 $0xFFFFF800  }
0x18b: {  	[tilespmem:s22], [sflag:$0x2] =	stream.indirect.gather [hbm4b:s4+s17], $0x10, s12, s17, $0xb8;
	[tilespmem:$0x19E00] =	vst v63  }
0x18c: {  	s14 =	simm.s32 $0x280  }
0x18d: {  	[tilespmem:s23], [sflag:$0x2] =	stream.indirect.gather [hbm4b:s4+s17], $0x10, s14, s17, $0xb8;
	[tilespmem:$0x19E00] =	vst v63  }
0x18e: {  	s9 =	simm.s32 $0x300  }
0x18f: {  	[tilespmem:s24], [sflag:$0x2] =	stream.indirect.gather [hbm4b:s4+s17], $0x10, s9, s17, $0xb8;
	[tilespmem:$0x19E00] =	vst v63  }
0x190: {  	s12 =	simm.s32 $0x380  }
0x191: {  	[tilespmem:s25], [sflag:$0x2] =	stream.indirect.gather [hbm4b:s4+s17], $0x10, s12, s17, $0xb8;
	[tilespmem:$0x19E00] =	vst v63  }
0x192: {  	_ =	swait.ge [sflag:s26], $0x800  }
0x193: {  	[sflag:s26] =	ssyncset.done $0x0  }
0x194: {  	[sflag:s26] =	ssyncadd.s32 $0xFFFFF800  }
0x195: {  	_ =	swait.ge [sflag:s26], $0x800  }
0x196: {  	[sflag:s26] =	ssyncset.done $0x0  }
0x197: {  	[sflag:s26] =	ssyncadd.s32 $0xFFFFF800  }
0x198: {  	_ =	swait.ge [sflag:s26], $0x800  }
0x199: {  	[sflag:s26] =	ssyncset.done $0x0  }
0x19a: {  	[sflag:s26] =	ssyncadd.s32 $0xFFFFF800  }
0x19b: {  	_ =	swait.ge [sflag:s26], $0x800  }
0x19c: {  	[sflag:s26] =	ssyncset.done $0x0  }
0x19d: {  	s14 =	simm.s32 $0x1C00;
	[sflag:s26] =	ssyncadd.s32 $0xFFFFF800  }
0x19e: {  	[spmem:s1] =	stream.indirect.scatter.add.bf16 [tilespmem:s18], [sflag:$0x3], $0x10, s14, s17, $0xb8;
	[tilespmem:$0x19E00] =	vst v63  }
0x19f: {  	s9 =	simm.s32 $0x1C80  }
0x1a0: {  	[spmem:s1] =	stream.indirect.scatter.add.bf16 [tilespmem:s19], [sflag:$0x3], $0x10, s9, s17, $0xb8;
	[tilespmem:$0x19E00] =	vst v63  }
0x1a1: {  	s12 =	simm.s32 $0x1D00  }
0x1a2: {  	[spmem:s1] =	stream.indirect.scatter.add.bf16 [tilespmem:s20], [sflag:$0x3], $0x10, s12, s17, $0xb8;
	[tilespmem:$0x19E00] =	vst v63  }
0x1a3: {  	s14 =	simm.s32 $0x1D80  }
0x1a4: {  	[spmem:s1] =	stream.indirect.scatter.add.bf16 [tilespmem:s21], [sflag:$0x3], $0x10, s14, s17, $0xb8;
	[tilespmem:$0x19E00] =	vst v63  }
0x1a5: {  	_ =	swait.ge [sflag:s28], $0x800  }
0x1a6: {  	[sflag:s28] =	ssyncset.done $0x0  }
0x1a7: {  	[sflag:s28] =	ssyncadd.s32 $0xFFFFF800  }
0x1a8: {  	_ =	swait.ge [sflag:s28], $0x800  }
0x1a9: {  	[sflag:s28] =	ssyncset.done $0x0  }
0x1aa: {  	[sflag:s28] =	ssyncadd.s32 $0xFFFFF800  }
0x1ab: {  	_ =	swait.ge [sflag:s28], $0x800  }
0x1ac: {  	[sflag:s28] =	ssyncset.done $0x0  }
0x1ad: {  	[sflag:s28] =	ssyncadd.s32 $0xFFFFF800  }
0x1ae: {  	_ =	swait.ge [sflag:s28], $0x800  }
0x1af: {  	[sflag:s28] =	ssyncset.done $0x0  }
0x1b0: {  	s31 =	simm.s32 $0x1000;
	s9 =	simm.s32 $0x1E00;
	[sflag:s28] =	ssyncadd.s32 $0xFFFFF800  }
0x1b1: {  	[spmem:s1] =	stream.indirect.scatter.add.bf16 [tilespmem:s22], [sflag:$0x4], $0x10, s9, s17, $0xb8;
	[tilespmem:$0x19E00] =	vst v63  }
0x1b2: {  	p6 =	por $0x0, $0x0;
	s2 =	simm.s32 $0x1F80;
	s12 =	simm.s32 $0x1E80  }
0x1b3: {  	[spmem:s1] =	stream.indirect.scatter.add.bf16 [tilespmem:s23], [sflag:$0x4], $0x10, s12, s17, $0xb8;
	[tilespmem:$0x19E00] =	vst v63  }
0x1b4: {  	p1 =	por p6, p6;
	s14 =	simm.s32 $0x1F00;
	s12 =	simm.s32 $0x2000  }
0x1b5: {  	[spmem:s1] =	stream.indirect.scatter.add.bf16 [tilespmem:s24], [sflag:$0x4], $0x10, s14, s17, $0xb8;
	[tilespmem:$0x19E00] =	vst v63  }
.LBB2_9:
0x1b6: {  	[spmem:s1] =	stream.indirect.scatter.add.bf16 [tilespmem:s25], [sflag:$0x4], $0x10, s2, s17, $0xb8;
	[tilespmem:$0x19E00] =	vst v63  }
0x1b7: {  	s9 =	smov.u32 s12  }
0x1b8: {  	s12 =	sadd.s32 $0x1000, s12;
	s2 =	simm.s32 @!p1 $0x3;
	p3 =	seq.s32 s9, $0x0  }
0x1b9: {  	p2 =	sne.s32 s12, $0x7000;
	_ =	swait.ge @!p1 [sflag:s2], $0x800  }
0x1ba: {  	[sflag:s2] =	ssyncset.done @!p1 $0x0  }
0x1bb: {  	[sflag:s2] =	ssyncadd.s32 @!p1 $0xFFFFF800  }
0x1bc: {  	_ =	swait.ge @!p1 [sflag:s2], $0x800  }
0x1bd: {  	[sflag:s2] =	ssyncset.done @!p1 $0x0  }
0x1be: {  	[sflag:s2] =	ssyncadd.s32 @!p1 $0xFFFFF800  }
0x1bf: {  	_ =	swait.ge @!p1 [sflag:s2], $0x800  }
0x1c0: {  	[sflag:s2] =	ssyncset.done @!p1 $0x0  }
0x1c1: {  	[sflag:s2] =	ssyncadd.s32 @!p1 $0xFFFFF800  }
0x1c2: {  	_ =	swait.ge @!p1 [sflag:s2], $0x800  }
0x1c3: {  	[sflag:s2] =	ssyncset.done @!p1 $0x0  }
0x1c4: {  	[sflag:s2] =	ssyncadd.s32 @!p1 $0xFFFFF800;
	s2 =	sshra.s32 s31, $0x2;
	s31 =	smov.u32 s9  }
0x1c5: {  	[tilespmem:s18], [sflag:$0x1] =	stream.indirect.gather [hbm4b:s4+s17], $0x10, s2, s17, $0xb8;
	[tilespmem:$0x19E00] =	vst v63  }
0x1c6: {  	s9 =	sadd.s32 $0x80, s2  }
0x1c7: {  	[tilespmem:s19], [sflag:$0x1] =	stream.indirect.gather [hbm4b:s4+s17], $0x10, s9, s17, $0xb8;
	[tilespmem:$0x19E00] =	vst v63  }
0x1c8: {  	s9 =	sadd.s32 $0x100, s2  }
0x1c9: {  	[tilespmem:s20], [sflag:$0x1] =	stream.indirect.gather [hbm4b:s4+s17], $0x10, s9, s17, $0xb8;
	[tilespmem:$0x19E00] =	vst v63  }
0x1ca: {  	s14 =	simm.s32 @!p1 $0x4;
	s9 =	sadd.s32 $0x180, s2  }
0x1cb: {  	[tilespmem:s21], [sflag:$0x1] =	stream.indirect.gather [hbm4b:s4+s17], $0x10, s9, s17, $0xb8;
	[tilespmem:$0x19E00] =	vst v63  }
0x1cc: {  	_ =	swait.ge @!p1 [sflag:s14], $0x800  }
0x1cd: {  	[sflag:s14] =	ssyncset.done @!p1 $0x0  }
0x1ce: {  	[sflag:s14] =	ssyncadd.s32 @!p1 $0xFFFFF800  }
0x1cf: {  	_ =	swait.ge @!p1 [sflag:s14], $0x800  }
0x1d0: {  	[sflag:s14] =	ssyncset.done @!p1 $0x0  }
0x1d1: {  	[sflag:s14] =	ssyncadd.s32 @!p1 $0xFFFFF800  }
0x1d2: {  	_ =	swait.ge @!p1 [sflag:s14], $0x800  }
0x1d3: {  	[sflag:s14] =	ssyncset.done @!p1 $0x0  }
0x1d4: {  	[sflag:s14] =	ssyncadd.s32 @!p1 $0xFFFFF800  }
0x1d5: {  	_ =	swait.ge @!p1 [sflag:s14], $0x800  }
0x1d6: {  	[sflag:s14] =	ssyncset.done @!p1 $0x0  }
0x1d7: {  	s9 =	sadd.s32 $0x200, s2;
	[sflag:s14] =	ssyncadd.s32 @!p1 $0xFFFFF800;
	p1 =	por p3, p3  }
0x1d8: {  	[tilespmem:s22], [sflag:$0x2] =	stream.indirect.gather [hbm4b:s4+s17], $0x10, s9, s17, $0xb8;
	[tilespmem:$0x19E00] =	vst v63  }
0x1d9: {  	s9 =	sadd.s32 $0x280, s2  }
0x1da: {  	[tilespmem:s23], [sflag:$0x2] =	stream.indirect.gather [hbm4b:s4+s17], $0x10, s9, s17, $0xb8;
	[tilespmem:$0x19E00] =	vst v63  }
0x1db: {  	s9 =	sadd.s32 $0x300, s2  }
0x1dc: {  	[tilespmem:s24], [sflag:$0x2] =	stream.indirect.gather [hbm4b:s4+s17], $0x10, s9, s17, $0xb8;
	[tilespmem:$0x19E00] =	vst v63  }
0x1dd: {  	s9 =	sadd.s32 $0x380, s2  }
0x1de: {  	[tilespmem:s25], [sflag:$0x2] =	stream.indirect.gather [hbm4b:s4+s17], $0x10, s9, s17, $0xb8;
	[tilespmem:$0x19E00] =	vst v63  }
0x1df: {  	_ =	swait.ge [sflag:s26], $0x800  }
0x1e0: {  	[sflag:s26] =	ssyncset.done $0x0  }
0x1e1: {  	[sflag:s26] =	ssyncadd.s32 $0xFFFFF800  }
0x1e2: {  	_ =	swait.ge [sflag:s26], $0x800  }
0x1e3: {  	[sflag:s26] =	ssyncset.done $0x0  }
0x1e4: {  	[sflag:s26] =	ssyncadd.s32 $0xFFFFF800  }
0x1e5: {  	_ =	swait.ge [sflag:s26], $0x800  }
0x1e6: {  	[sflag:s26] =	ssyncset.done $0x0  }
0x1e7: {  	[sflag:s26] =	ssyncadd.s32 $0xFFFFF800  }
0x1e8: {  	_ =	swait.ge [sflag:s26], $0x800  }
0x1e9: {  	[sflag:s26] =	ssyncset.done $0x0  }
0x1ea: {  	s9 =	sadd.s32 $0x1C00, s2;
	[sflag:s26] =	ssyncadd.s32 $0xFFFFF800  }
0x1eb: {  	[spmem:s1] =	stream.indirect.scatter.add.bf16 [tilespmem:s18], [sflag:$0x3], $0x10, s9, s17, $0xb8;
	[tilespmem:$0x19E00] =	vst v63  }
0x1ec: {  	s9 =	sadd.s32 $0x1C80, s2  }
0x1ed: {  	[spmem:s1] =	stream.indirect.scatter.add.bf16 [tilespmem:s19], [sflag:$0x3], $0x10, s9, s17, $0xb8;
	[tilespmem:$0x19E00] =	vst v63  }
0x1ee: {  	s9 =	sadd.s32 $0x1D00, s2  }
0x1ef: {  	[spmem:s1] =	stream.indirect.scatter.add.bf16 [tilespmem:s20], [sflag:$0x3], $0x10, s9, s17, $0xb8;
	[tilespmem:$0x19E00] =	vst v63  }
0x1f0: {  	s9 =	sadd.s32 $0x1D80, s2  }
0x1f1: {  	[spmem:s1] =	stream.indirect.scatter.add.bf16 [tilespmem:s21], [sflag:$0x3], $0x10, s9, s17, $0xb8;
	[tilespmem:$0x19E00] =	vst v63  }
0x1f2: {  	_ =	swait.ge [sflag:s28], $0x800  }
0x1f3: {  	[sflag:s28] =	ssyncset.done $0x0  }
0x1f4: {  	[sflag:s28] =	ssyncadd.s32 $0xFFFFF800  }
0x1f5: {  	_ =	swait.ge [sflag:s28], $0x800  }
0x1f6: {  	[sflag:s28] =	ssyncset.done $0x0  }
0x1f7: {  	[sflag:s28] =	ssyncadd.s32 $0xFFFFF800  }
0x1f8: {  	_ =	swait.ge [sflag:s28], $0x800  }
0x1f9: {  	[sflag:s28] =	ssyncset.done $0x0  }
0x1fa: {  	[sflag:s28] =	ssyncadd.s32 $0xFFFFF800  }
0x1fb: {  	_ =	swait.ge [sflag:s28], $0x800  }
0x1fc: {  	[sflag:s28] =	ssyncset.done $0x0  }
0x1fd: {  	s9 =	sadd.s32 $0x1E00, s2;
	[sflag:s28] =	ssyncadd.s32 $0xFFFFF800  }
0x1fe: {  	[spmem:s1] =	stream.indirect.scatter.add.bf16 [tilespmem:s22], [sflag:$0x4], $0x10, s9, s17, $0xb8;
	[tilespmem:$0x19E00] =	vst v63  }
.Ltmp7:
0x1ff: {  	s9 =	sadd.s32 $0x1E80, s2;
	(pc) =	sbr.rel @p2 .LBB2_9-.Ltmp7, $4  }
0x200: {  	[spmem:s1] =	stream.indirect.scatter.add.bf16 [tilespmem:s23], [sflag:$0x4], $0x10, s9, s17, $0xb8;
	[tilespmem:$0x19E00] =	vst v63  }
0x201: {  	s9 =	sadd.s32 $0x1F00, s2  }
0x202: {  	[spmem:s1] =	stream.indirect.scatter.add.bf16 [tilespmem:s24], [sflag:$0x4], $0x10, s9, s17, $0xb8;
	[tilespmem:$0x19E00] =	vst v63  }
0x203: {  	s2 =	sadd.s32 $0x1F80, s2  }
0x204: {  	[spmem:s1] =	stream.indirect.scatter.add.bf16 [tilespmem:s25], [sflag:$0x4], $0x10, s2, s17, $0xb8;
	[tilespmem:$0x19E00] =	vst v63  }
0x205: {  	s2 =	simm.s32 @!p1 $0x3  }
0x206: {  	_ =	swait.ge @!p1 [sflag:s2], $0x800  }
0x207: {  	[sflag:s2] =	ssyncset.done @!p1 $0x0  }
0x208: {  	[sflag:s2] =	ssyncadd.s32 @!p1 $0xFFFFF800  }
0x209: {  	_ =	swait.ge @!p1 [sflag:s2], $0x800  }
0x20a: {  	[sflag:s2] =	ssyncset.done @!p1 $0x0  }
0x20b: {  	[sflag:s2] =	ssyncadd.s32 @!p1 $0xFFFFF800  }
0x20c: {  	_ =	swait.ge @!p1 [sflag:s2], $0x800  }
0x20d: {  	[sflag:s2] =	ssyncset.done @!p1 $0x0  }
0x20e: {  	[sflag:s2] =	ssyncadd.s32 @!p1 $0xFFFFF800  }
0x20f: {  	_ =	swait.ge @!p1 [sflag:s2], $0x800  }
0x210: {  	[sflag:s2] =	ssyncset.done @!p1 $0x0  }
0x211: {  	[sflag:s2] =	ssyncadd.s32 @!p1 $0xFFFFF800;
	s2 =	sshra.s32 s31, $0x2  }
0x212: {  	[tilespmem:s18], [sflag:$0x1] =	stream.indirect.gather [hbm4b:s4+s17], $0x10, s2, s17, $0xb8;
	[tilespmem:$0x19E00] =	vst v63  }
0x213: {  	s9 =	sadd.s32 $0x80, s2  }
0x214: {  	[tilespmem:s19], [sflag:$0x1] =	stream.indirect.gather [hbm4b:s4+s17], $0x10, s9, s17, $0xb8;
	[tilespmem:$0x19E00] =	vst v63  }
0x215: {  	s14 =	sadd.s32 $0x100, s2  }
0x216: {  	[tilespmem:s20], [sflag:$0x1] =	stream.indirect.gather [hbm4b:s4+s17], $0x10, s14, s17, $0xb8;
	[tilespmem:$0x19E00] =	vst v63  }
0x217: {  	s12 =	simm.s32 @!p1 $0x4;
	s31 =	sadd.s32 $0x180, s2  }
0x218: {  	[tilespmem:s21], [sflag:$0x1] =	stream.indirect.gather [hbm4b:s4+s17], $0x10, s31, s17, $0xb8;
	[tilespmem:$0x19E00] =	vst v63  }
0x219: {  	_ =	swait.ge @!p1 [sflag:s12], $0x800  }
0x21a: {  	[sflag:s12] =	ssyncset.done @!p1 $0x0  }
0x21b: {  	[sflag:s12] =	ssyncadd.s32 @!p1 $0xFFFFF800  }
0x21c: {  	_ =	swait.ge @!p1 [sflag:s12], $0x800  }
0x21d: {  	[sflag:s12] =	ssyncset.done @!p1 $0x0  }
0x21e: {  	[sflag:s12] =	ssyncadd.s32 @!p1 $0xFFFFF800  }
0x21f: {  	_ =	swait.ge @!p1 [sflag:s12], $0x800  }
0x220: {  	[sflag:s12] =	ssyncset.done @!p1 $0x0  }
0x221: {  	[sflag:s12] =	ssyncadd.s32 @!p1 $0xFFFFF800  }
0x222: {  	_ =	swait.ge @!p1 [sflag:s12], $0x800  }
0x223: {  	[sflag:s12] =	ssyncset.done @!p1 $0x0  }
0x224: {  	s14 =	sadd.s32 $0x200, s2;
	[sflag:s12] =	ssyncadd.s32 @!p1 $0xFFFFF800  }
0x225: {  	[tilespmem:s22], [sflag:$0x2] =	stream.indirect.gather [hbm4b:s4+s17], $0x10, s14, s17, $0xb8;
	[tilespmem:$0x19E00] =	vst v63  }
0x226: {  	s31 =	sadd.s32 $0x280, s2  }
0x227: {  	[tilespmem:s23], [sflag:$0x2] =	stream.indirect.gather [hbm4b:s4+s17], $0x10, s31, s17, $0xb8;
	[tilespmem:$0x19E00] =	vst v63  }
0x228: {  	s12 =	sadd.s32 $0x300, s2  }
0x229: {  	[tilespmem:s24], [sflag:$0x2] =	stream.indirect.gather [hbm4b:s4+s17], $0x10, s12, s17, $0xb8;
	[tilespmem:$0x19E00] =	vst v63  }
0x22a: {  	s14 =	sadd.s32 $0x380, s2  }
0x22b: {  	[tilespmem:s25], [sflag:$0x2] =	stream.indirect.gather [hbm4b:s4+s17], $0x10, s14, s17, $0xb8;
	[tilespmem:$0x19E00] =	vst v63  }
0x22c: {  	_ =	swait.ge [sflag:s26], $0x800  }
0x22d: {  	[sflag:s26] =	ssyncset.done $0x0  }
0x22e: {  	[sflag:s26] =	ssyncadd.s32 $0xFFFFF800  }
0x22f: {  	_ =	swait.ge [sflag:s26], $0x800  }
0x230: {  	[sflag:s26] =	ssyncset.done $0x0  }
0x231: {  	[sflag:s26] =	ssyncadd.s32 $0xFFFFF800  }
0x232: {  	_ =	swait.ge [sflag:s26], $0x800  }
0x233: {  	[sflag:s26] =	ssyncset.done $0x0  }
0x234: {  	[sflag:s26] =	ssyncadd.s32 $0xFFFFF800  }
0x235: {  	_ =	swait.ge [sflag:s26], $0x800  }
0x236: {  	[sflag:s26] =	ssyncset.done $0x0  }
0x237: {  	s31 =	sadd.s32 $0x1C00, s2;
	[sflag:s26] =	ssyncadd.s32 $0xFFFFF800  }
0x238: {  	[spmem:s1] =	stream.indirect.scatter.add.bf16 [tilespmem:s18], [sflag:$0x3], $0x10, s31, s17, $0xb8;
	[tilespmem:$0x19E00] =	vst v63  }
0x239: {  	s12 =	sadd.s32 $0x1C80, s2  }
0x23a: {  	[spmem:s1] =	stream.indirect.scatter.add.bf16 [tilespmem:s19], [sflag:$0x3], $0x10, s12, s17, $0xb8;
	[tilespmem:$0x19E00] =	vst v63  }
0x23b: {  	s14 =	sadd.s32 $0x1D00, s2  }
0x23c: {  	[spmem:s1] =	stream.indirect.scatter.add.bf16 [tilespmem:s20], [sflag:$0x3], $0x10, s14, s17, $0xb8;
	[tilespmem:$0x19E00] =	vst v63  }
0x23d: {  	s31 =	sadd.s32 $0x1D80, s2  }
0x23e: {  	[spmem:s1] =	stream.indirect.scatter.add.bf16 [tilespmem:s21], [sflag:$0x3], $0x10, s31, s17, $0xb8;
	[tilespmem:$0x19E00] =	vst v63  }
0x23f: {  	_ =	swait.ge [sflag:s28], $0x800  }
0x240: {  	[sflag:s28] =	ssyncset.done $0x0  }
0x241: {  	[sflag:s28] =	ssyncadd.s32 $0xFFFFF800  }
0x242: {  	_ =	swait.ge [sflag:s28], $0x800  }
0x243: {  	[sflag:s28] =	ssyncset.done $0x0  }
0x244: {  	[sflag:s28] =	ssyncadd.s32 $0xFFFFF800  }
0x245: {  	_ =	swait.ge [sflag:s28], $0x800  }
0x246: {  	[sflag:s28] =	ssyncset.done $0x0  }
0x247: {  	[sflag:s28] =	ssyncadd.s32 $0xFFFFF800  }
0x248: {  	_ =	swait.ge [sflag:s28], $0x800  }
0x249: {  	[sflag:s28] =	ssyncset.done $0x0  }
0x24a: {  	s11 =	sadd.s32 $0x1, s11;
	s12 =	sadd.s32 $0x1E00, s2;
	[sflag:s28] =	ssyncadd.s32 $0xFFFFF800  }
0x24b: {  	[spmem:s1] =	stream.indirect.scatter.add.bf16 [tilespmem:s22], [sflag:$0x4], $0x10, s12, s17, $0xb8;
	[tilespmem:$0x19E00] =	vst v63  }
0x24c: {  	p1 =	sne.s32 s11, $0x7;
	s14 =	sadd.s32 $0x1E80, s2  }
0x24d: {  	[spmem:s1] =	stream.indirect.scatter.add.bf16 [tilespmem:s23], [sflag:$0x4], $0x10, s14, s17, $0xb8;
	[tilespmem:$0x19E00] =	vst v63  }
.Ltmp8:
0x24e: {  	_ = 	snop;
	(pc) =	sbr.rel @p1 .LBB2_8-.Ltmp8, $4  }
0x24f: {  	s31 =	sadd.s32 $0x1F00, s2  }
0x250: {  	[spmem:s1] =	stream.indirect.scatter.add.bf16 [tilespmem:s24], [sflag:$0x4], $0x10, s31, s17, $0xb8;
	[tilespmem:$0x19E00] =	vst v63  }
0x251: {  	s2 =	sadd.s32 $0x1F80, s2  }
0x252: {  	[spmem:s1] =	stream.indirect.scatter.add.bf16 [tilespmem:s25], [sflag:$0x4], $0x10, s2, s17, $0xb8;
	[tilespmem:$0x19E00] =	vst v63  }
.Ltmp9:
0x253: {  	(pc) =	sbr.rel .LBB2_12-.Ltmp9, $2  }
0x254: {  	_ =	sdelay $0x2  }
0x255: {  	s0 =	rddreg [dreg:$0x4]  }
.LBB2_13:
0x256: {  	_ =	sfence.sel $0x180000  }
0x257: {  	[bflag:$0x0] =	sbarrier.arrive $0xFFFF  }
0x258: {  	_ =	strace $0x90000047  }
0x259: {  	s0 =	stileid.u32;
	[bflag:$0x2] =	sbarrier.arrive $0xFFFF  }
0x25a: {  	p0 =	sne.s32 s0, $0x0;
	s0 =	rddreg [dreg:$0x2]  }
0x25b: {  	s0 =	sadd.s32 @!p0 $0x100000, s0  }
0x25c: {  	[sflag:s0] =	ssyncadd.tile.s32 @!p0 $0x1;
	_ =	shalt  }
.Lfunc_end2:
_tile_overlayer_lowered:
.L_overlay_start_2:
0x25d: {  	(tag) =	ssettag $0x2  }
0x25e: {  	s0 =	rddreg [dreg:$0x0];
	s2 =	stileid.u32  }
0x25f: {  	s1 =	rddreg [dreg:$0x1];
	p0 =	sne.s32 s2, $0x0  }
0x260: {  	s3 =	rddreg [dreg:$0x2];
	[bflag:$0x3] =	sbarrier.arrive $0xFFFF;
	s2 =	simm.s32 @!p0 $0x1C05  }
0x261: {  	[timem:s3], [sflag:s2] =	dma.local @!p0 [hbm:s0], s1  }
0x262: {  	s0 =	simm.s32 @!p0 $0x5  }
0x263: {  	_ =	swait.ge @!p0 [sflag:s0], s1  }
0x264: {  	s1 =	ssub.s32 @!p0 $0x0, s1;
	[sflag:s0] =	ssyncset.done @!p0 $0x0  }
0x265: {  	[sflag:s0] =	ssyncadd.s32 @!p0 s1  }
0x266: {  	[bflag:$0x3] =	sbarrier.arrive $0xFFFF  }
0x267: {  	_ =	shalt  }

</sc_bundles>
